<compile_context>
chip_gen: v7x
topology: tpu7x:2x2x1
jax: 0.10.2.dev20260603
libtpu: 0.0.44.dev20260713+nightly
codegen_flags: <defaults>
</compile_context>

<pallas_src>
import functools

import jax
import jax.numpy as jnp
from jax import lax
from jax.experimental import pallas as pl
from jax.experimental.pallas import tpu as pltpu
from jax.experimental.pallas import tpu_sc as plsc

NC = 2
NS = 16
NW = NC * NS

B = 16384
W = 200
D = 16
CB = 2048
NBC = B // CB
NG = CB // D
NSTEPS = W * NBC // NW

_mesh = plsc.VectorSubcoreMesh(core_axis_name="c", subcore_axis_name="s")


@functools.partial(
    pl.kernel,
    mesh=_mesh,
    compiler_params=pltpu.CompilerParams(needs_layout_passes=False),
    out_type=jax.ShapeDtypeStruct((W, D, B), jnp.float32),
    scratch_types=[
        pltpu.VMEM((4 * D,), jnp.float32),
        pltpu.VMEM((CB,), jnp.int32),
        pltpu.VMEM((CB,), jnp.int32),
        pltpu.VMEM((D, CB), jnp.float32),
        pltpu.VMEM((D, CB), jnp.float32),
        pltpu.SemaphoreType.DMA,
        pltpu.SemaphoreType.DMA,
        pltpu.SemaphoreType.DMA,
        pltpu.SemaphoreType.DMA,
    ],
)
def _emb_expand(idx_hbm, table_hbm, out_hbm,
                table_v, idx0, idx1, stag0, stag1,
                sin0, sin1, sout0, sout1):
    wid = lax.axis_index("s") * NC + lax.axis_index("c")
    gstart = wid * NSTEPS

    idx_v = (idx0, idx1)
    stag_v = (stag0, stag1)
    sin = (sin0, sin1)
    sout = (sout0, sout1)

    pltpu.sync_copy(table_hbm, table_v)

    def locate(s):
        g = gstart + s
        j = lax.shift_right_logical(g, 3)
        bc = lax.bitwise_and(g, NBC - 1)
        return j, bc

    def start_in(s, b):
        j, bc = locate(s)
        pltpu.async_copy(
            idx_hbm.at[j, pl.ds(bc * CB, CB)], idx_v[b], sin[b])

    def wait_in(b):
        pltpu.make_async_copy(
            idx_hbm.at[0, pl.ds(0, CB)], idx_v[b], sin[b]).wait()

    def start_out(s, b):
        j, bc = locate(s)
        pltpu.async_copy(
            stag_v[b], out_hbm.at[j, :, pl.ds(bc * CB, CB)], sout[b])

    def wait_out(b):
        pltpu.make_async_copy(
            stag_v[b], out_hbm.at[0, :, pl.ds(0, CB)], sout[b]).wait()

    def compute(b):
        stag = stag_v[b]
        iv_ref = idx_v[b]

        for half in range(2):
            t0 = half * (D // 2)
            rows = [
                [plsc.load_gather(
                    table_v, [jnp.full((D,), r * D + t0 + t, jnp.int32)])
                 for t in range(D // 2)]
                for r in range(4)
            ]

            @plsc.parallel_loop(0, NG, unroll=2)
            def group(bg):
                iv = iv_ref[pl.ds(bg * D, D)]
                m0 = lax.bitwise_and(iv, 1) != 0
                m1 = lax.bitwise_and(iv, 2) != 0
                for t in range(D // 2):
                    lo = jnp.where(m0, rows[1][t], rows[0][t])
                    hi = jnp.where(m0, rows[3][t], rows[2][t])
                    stag[t0 + t, pl.ds(bg * D, D)] = jnp.where(m1, hi, lo)

    def step(s, b, first):
        wait_in(b)

        @pl.when(s + 1 < NSTEPS)
        def _():
            start_in(s + 1, 1 - b)

        if not first:
            wait_out(b)

        compute(b)
        start_out(s, b)

    start_in(jnp.int32(0), 0)
    step(jnp.int32(0), 0, True)
    step(jnp.int32(1), 1, True)

    def pair(it, carry):
        for b in range(2):
            step(it * 2 + b, b, False)
        return carry

    lax.fori_loop(1, NSTEPS // 2, pair, 0)

    wait_out(0)
    wait_out(1)


def kernel(indices, table):
    idx_t = indices.T
    flat_tab = table.reshape(4 * D)
    out = _emb_expand(idx_t, flat_tab)
    return out.transpose(2, 0, 1)

# --- scband reference (transcript-rebuilt; emitter-appended) ---
"""Pipeline reference for scband-convolutional-neural-network-1228360647223 (READ-ONLY COPY).

The authoritative reference and input builder live on the scoring server;
editing this copy changes nothing except your own understanding.
"""

import jax, jax.numpy as jnp
import numpy as np


def setup_inputs(seed: int = 0) -> dict:
    key = jax.random.key(seed)
    k1, k2 = jax.random.split(key)
    # indices into a 4-row embedding table (padding_idx=0)
    indices = jax.random.randint(k1, (16384, 200), 0, 4)
    # embedding table: num_embeddings=4, embedding_dim=16; row 0 is the padding row (zeros)
    table = jax.random.normal(k2, (4, 16), dtype=jnp.float32) * 0.02
    table = table.at[0].set(0.0)
    return {"indices": indices, "table": table}


def reference(indices, table):
    # torch.nn.Embedding forward: plain row gather
    return jnp.take(table, indices, axis=0)

if __name__ == "__main__":
    import jax
    _d = setup_inputs()
    print(jax.jit(kernel)(*tuple(_d.values())))

</pallas_src>

<mosaic_0001>
#map = affine_map<(d0, d1) -> (0, 0)>
#map1 = affine_map<(d0, d1) -> (0)>
#map2 = affine_map<(d0, d1) -> (0, 0, 0)>
module attributes {stable_mosaic.version = 14 : i64} {
  func.func @_emb_expand(%arg0: i32, %arg1: i32, %arg2: memref<200x16384xi32, #tpu.memory_space<hbm>>, %arg3: memref<64xf32, #tpu.memory_space<hbm>>, %arg4: memref<200x16x16384xf32, #tpu.memory_space<hbm>>, %arg5: memref<64xf32, #tpu.memory_space<vmem>>, %arg6: memref<2048xi32, #tpu.memory_space<vmem>>, %arg7: memref<2048xi32, #tpu.memory_space<vmem>>, %arg8: memref<16x2048xf32, #tpu.memory_space<vmem>>, %arg9: memref<16x2048xf32, #tpu.memory_space<vmem>>, %arg10: memref<!tpu.dma_semaphore, #tpu.memory_space<semaphore_mem>>, %arg11: memref<!tpu.dma_semaphore, #tpu.memory_space<semaphore_mem>>, %arg12: memref<!tpu.dma_semaphore, #tpu.memory_space<semaphore_mem>>, %arg13: memref<!tpu.dma_semaphore, #tpu.memory_space<semaphore_mem>>) attributes {dimension_semantics = [#tpu.dimension_semantics<core_parallel>, #tpu.dimension_semantics<subcore_parallel>], iteration_bounds = array<i64: 2, 16>, scalar_prefetch = 0 : i64, scratch_operands = 9 : i64, tpu.core_type = #tpu.core_type<sc_vector_subcore>, window_params = [{transform_indices = #map}, {transform_indices = #map1}, {transform_indices = #map2}]} {
    %mul3A = arith.constant 2 : i32
    %mul3A_0 = arith.muli %arg1, %mul3A : i32
    %add3A = arith.addi %mul3A_0, %arg0 : i32
    %mul3A_1 = arith.constant 50 : i32
    %mul3A_2 = arith.muli %add3A, %mul3A_1 : i32
    "tpu.region"() ({
      %run_scoped3A = tpu.sem_alloc : memref<!tpu.dma_semaphore, #tpu.memory_space<semaphore_mem>>
      tpu.enqueue_dma source(%arg3 : memref<64xf32, #tpu.memory_space<hbm>>) target(%arg5 : memref<64xf32, #tpu.memory_space<vmem>>) target_semaphore(%run_scoped3A : memref<!tpu.dma_semaphore, #tpu.memory_space<semaphore_mem>>)
      tpu.wait_dma2 semaphore(%run_scoped3A : memref<!tpu.dma_semaphore, #tpu.memory_space<semaphore_mem>>) src(%arg3 : memref<64xf32, #tpu.memory_space<hbm>>) dst(%arg5 : memref<64xf32, #tpu.memory_space<vmem>>)
      tpu.yield
    }) : () -> ()
    %add3A_3 = arith.constant 0 : i32
    %add3A_4 = arith.addi %mul3A_2, %add3A_3 : i32
    %shift_right_logical3A = arith.constant 3 : i32
    %shift_right_logical3A_5 = arith.shrui %add3A_4, %shift_right_logical3A : i32
    %and3A = arith.constant 7 : i32
    %and3A_6 = arith.andi %add3A_4, %and3A : i32
    %mul3A_7 = arith.constant 2048 : i32
    %mul3A_8 = arith.muli %and3A_6, %mul3A_7 : i32
    %dma_start3A = tpu.memref_slice %arg2[%shift_right_logical3A_5, %mul3A_8] : memref<200x16384xi32, #tpu.memory_space<hbm>> -> memref<1x2048xi32, #tpu.memory_space<hbm>>
    %dma_start3A_9 = tpu.memref_squeeze %dma_start3A : memref<1x2048xi32, #tpu.memory_space<hbm>> -> memref<2048xi32, #tpu.memory_space<hbm>>
    %dma_start3A_10 = tpu.memref_slice %arg2[%shift_right_logical3A_5, %mul3A_8] : memref<200x16384xi32, #tpu.memory_space<hbm>> -> memref<1x2048xi32, #tpu.memory_space<hbm>>
    %dma_start3A_11 = tpu.memref_squeeze %dma_start3A_10 : memref<1x2048xi32, #tpu.memory_space<hbm>> -> memref<2048xi32, #tpu.memory_space<hbm>>
    tpu.enqueue_dma source(%dma_start3A_11 : memref<2048xi32, #tpu.memory_space<hbm>>) target(%arg6 : memref<2048xi32, #tpu.memory_space<vmem>>) target_semaphore(%arg10 : memref<!tpu.dma_semaphore, #tpu.memory_space<semaphore_mem>>)
    %dma_wait3A = arith.constant 0 : i32
    %dma_wait3A_12 = arith.constant 0 : i32
    %dma_wait3A_13 = tpu.memref_slice %arg2[%dma_wait3A, %dma_wait3A_12] : memref<200x16384xi32, #tpu.memory_space<hbm>> -> memref<1x2048xi32, #tpu.memory_space<hbm>>
    %dma_wait3A_14 = tpu.memref_squeeze %dma_wait3A_13 : memref<1x2048xi32, #tpu.memory_space<hbm>> -> memref<2048xi32, #tpu.memory_space<hbm>>
    %dma_wait3A_15 = arith.constant 0 : i32
    %dma_wait3A_16 = tpu.memref_slice %arg2[%dma_wait3A, %dma_wait3A_15] : memref<200x16384xi32, #tpu.memory_space<hbm>> -> memref<1x2048xi32, #tpu.memory_space<hbm>>
    %dma_wait3A_17 = tpu.memref_squeeze %dma_wait3A_16 : memref<1x2048xi32, #tpu.memory_space<hbm>> -> memref<2048xi32, #tpu.memory_space<hbm>>
    tpu.wait_dma2 semaphore(%arg10 : memref<!tpu.dma_semaphore, #tpu.memory_space<semaphore_mem>>) src(%dma_wait3A_17 : memref<2048xi32, #tpu.memory_space<hbm>>) dst(%arg6 : memref<2048xi32, #tpu.memory_space<vmem>>)
    %add3A_18 = arith.constant 0 : i32
    %add3A_19 = arith.constant 1 : i32
    %add3A_20 = arith.addi %add3A_18, %add3A_19 : i32
    %lt3A = arith.constant 50 : i32
    %lt3A_21 = arith.cmpi slt, %add3A_20, %lt3A : i32
    %convert_element_type3A = arith.extui %lt3A_21 : i1 to i32
    %cond3A = arith.constant 0 : i32
    %cond3A_22 = arith.constant 0 : i32
    %cond3A_23 = arith.cmpi ne, %convert_element_type3A, %cond3A_22 : i32
    scf.if %cond3A_23 {
      %add3A_484 = arith.constant 1 : i32
      %add3A_485 = arith.addi %cond3A, %add3A_484 : i32
      %add3A_486 = arith.addi %mul3A_2, %add3A_485 : i32
      %shift_right_logical3A_487 = arith.constant 3 : i32
      %shift_right_logical3A_488 = arith.shrui %add3A_486, %shift_right_logical3A_487 : i32
      %and3A_489 = arith.constant 7 : i32
      %and3A_490 = arith.andi %add3A_486, %and3A_489 : i32
      %mul3A_491 = arith.constant 2048 : i32
      %mul3A_492 = arith.muli %and3A_490, %mul3A_491 : i32
      %dma_start3A_493 = tpu.memref_slice %arg2[%shift_right_logical3A_488, %mul3A_492] : memref<200x16384xi32, #tpu.memory_space<hbm>> -> memref<1x2048xi32, #tpu.memory_space<hbm>>
      %dma_start3A_494 = tpu.memref_squeeze %dma_start3A_493 : memref<1x2048xi32, #tpu.memory_space<hbm>> -> memref<2048xi32, #tpu.memory_space<hbm>>
      %dma_start3A_495 = tpu.memref_slice %arg2[%shift_right_logical3A_488, %mul3A_492] : memref<200x16384xi32, #tpu.memory_space<hbm>> -> memref<1x2048xi32, #tpu.memory_space<hbm>>
      %dma_start3A_496 = tpu.memref_squeeze %dma_start3A_495 : memref<1x2048xi32, #tpu.memory_space<hbm>> -> memref<2048xi32, #tpu.memory_space<hbm>>
      tpu.enqueue_dma source(%dma_start3A_496 : memref<2048xi32, #tpu.memory_space<hbm>>) target(%arg7 : memref<2048xi32, #tpu.memory_space<vmem>>) target_semaphore(%arg11 : memref<!tpu.dma_semaphore, #tpu.memory_space<semaphore_mem>>)
    } else {
    }
    %broadcast_in_dim3A = arith.constant 0 : i32
    %broadcast_in_dim3A_24 = vector.broadcast %broadcast_in_dim3A : i32 to vector<16xi32>
    %gather3A = tpu.vector_load_idx %arg5[%broadcast_in_dim3A_24] : memref<64xf32, #tpu.memory_space<vmem>>[vector<16xi32>], vector<16xf32>,
    %broadcast_in_dim3A_25 = arith.constant 1 : i32
    %broadcast_in_dim3A_26 = vector.broadcast %broadcast_in_dim3A_25 : i32 to vector<16xi32>
    %gather3A_27 = tpu.vector_load_idx %arg5[%broadcast_in_dim3A_26] : memref<64xf32, #tpu.memory_space<vmem>>[vector<16xi32>], vector<16xf32>,
    %broadcast_in_dim3A_28 = arith.constant 2 : i32
    %broadcast_in_dim3A_29 = vector.broadcast %broadcast_in_dim3A_28 : i32 to vector<16xi32>
    %gather3A_30 = tpu.vector_load_idx %arg5[%broadcast_in_dim3A_29] : memref<64xf32, #tpu.memory_space<vmem>>[vector<16xi32>], vector<16xf32>,
    %broadcast_in_dim3A_31 = arith.constant 3 : i32
    %broadcast_in_dim3A_32 = vector.broadcast %broadcast_in_dim3A_31 : i32 to vector<16xi32>
    %gather3A_33 = tpu.vector_load_idx %arg5[%broadcast_in_dim3A_32] : memref<64xf32, #tpu.memory_space<vmem>>[vector<16xi32>], vector<16xf32>,
    %broadcast_in_dim3A_34 = arith.constant 4 : i32
    %broadcast_in_dim3A_35 = vector.broadcast %broadcast_in_dim3A_34 : i32 to vector<16xi32>
    %gather3A_36 = tpu.vector_load_idx %arg5[%broadcast_in_dim3A_35] : memref<64xf32, #tpu.memory_space<vmem>>[vector<16xi32>], vector<16xf32>,
    %broadcast_in_dim3A_37 = arith.constant 5 : i32
    %broadcast_in_dim3A_38 = vector.broadcast %broadcast_in_dim3A_37 : i32 to vector<16xi32>
    %gather3A_39 = tpu.vector_load_idx %arg5[%broadcast_in_dim3A_38] : memref<64xf32, #tpu.memory_space<vmem>>[vector<16xi32>], vector<16xf32>,
    %broadcast_in_dim3A_40 = arith.constant 6 : i32
    %broadcast_in_dim3A_41 = vector.broadcast %broadcast_in_dim3A_40 : i32 to vector<16xi32>
    %gather3A_42 = tpu.vector_load_idx %arg5[%broadcast_in_dim3A_41] : memref<64xf32, #tpu.memory_space<vmem>>[vector<16xi32>], vector<16xf32>,
    %broadcast_in_dim3A_43 = arith.constant 7 : i32
    %broadcast_in_dim3A_44 = vector.broadcast %broadcast_in_dim3A_43 : i32 to vector<16xi32>
    %gather3A_45 = tpu.vector_load_idx %arg5[%broadcast_in_dim3A_44] : memref<64xf32, #tpu.memory_space<vmem>>[vector<16xi32>], vector<16xf32>,
    %broadcast_in_dim3A_46 = arith.constant 16 : i32
    %broadcast_in_dim3A_47 = vector.broadcast %broadcast_in_dim3A_46 : i32 to vector<16xi32>
    %gather3A_48 = tpu.vector_load_idx %arg5[%broadcast_in_dim3A_47] : memref<64xf32, #tpu.memory_space<vmem>>[vector<16xi32>], vector<16xf32>,
    %broadcast_in_dim3A_49 = arith.constant 17 : i32
    %broadcast_in_dim3A_50 = vector.broadcast %broadcast_in_dim3A_49 : i32 to vector<16xi32>
    %gather3A_51 = tpu.vector_load_idx %arg5[%broadcast_in_dim3A_50] : memref<64xf32, #tpu.memory_space<vmem>>[vector<16xi32>], vector<16xf32>,
    %broadcast_in_dim3A_52 = arith.constant 18 : i32
    %broadcast_in_dim3A_53 = vector.broadcast %broadcast_in_dim3A_52 : i32 to vector<16xi32>
    %gather3A_54 = tpu.vector_load_idx %arg5[%broadcast_in_dim3A_53] : memref<64xf32, #tpu.memory_space<vmem>>[vector<16xi32>], vector<16xf32>,
    %broadcast_in_dim3A_55 = arith.constant 19 : i32
    %broadcast_in_dim3A_56 = vector.broadcast %broadcast_in_dim3A_55 : i32 to vector<16xi32>
    %gather3A_57 = tpu.vector_load_idx %arg5[%broadcast_in_dim3A_56] : memref<64xf32, #tpu.memory_space<vmem>>[vector<16xi32>], vector<16xf32>,
    %broadcast_in_dim3A_58 = arith.constant 20 : i32
    %broadcast_in_dim3A_59 = vector.broadcast %broadcast_in_dim3A_58 : i32 to vector<16xi32>
    %gather3A_60 = tpu.vector_load_idx %arg5[%broadcast_in_dim3A_59] : memref<64xf32, #tpu.memory_space<vmem>>[vector<16xi32>], vector<16xf32>,
    %broadcast_in_dim3A_61 = arith.constant 21 : i32
    %broadcast_in_dim3A_62 = vector.broadcast %broadcast_in_dim3A_61 : i32 to vector<16xi32>
    %gather3A_63 = tpu.vector_load_idx %arg5[%broadcast_in_dim3A_62] : memref<64xf32, #tpu.memory_space<vmem>>[vector<16xi32>], vector<16xf32>,
    %broadcast_in_dim3A_64 = arith.constant 22 : i32
    %broadcast_in_dim3A_65 = vector.broadcast %broadcast_in_dim3A_64 : i32 to vector<16xi32>
    %gather3A_66 = tpu.vector_load_idx %arg5[%broadcast_in_dim3A_65] : memref<64xf32, #tpu.memory_space<vmem>>[vector<16xi32>], vector<16xf32>,
    %broadcast_in_dim3A_67 = arith.constant 23 : i32
    %broadcast_in_dim3A_68 = vector.broadcast %broadcast_in_dim3A_67 : i32 to vector<16xi32>
    %gather3A_69 = tpu.vector_load_idx %arg5[%broadcast_in_dim3A_68] : memref<64xf32, #tpu.memory_space<vmem>>[vector<16xi32>], vector<16xf32>,
    %broadcast_in_dim3A_70 = arith.constant 32 : i32
    %broadcast_in_dim3A_71 = vector.broadcast %broadcast_in_dim3A_70 : i32 to vector<16xi32>
    %gather3A_72 = tpu.vector_load_idx %arg5[%broadcast_in_dim3A_71] : memref<64xf32, #tpu.memory_space<vmem>>[vector<16xi32>], vector<16xf32>,
    %broadcast_in_dim3A_73 = arith.constant 33 : i32
    %broadcast_in_dim3A_74 = vector.broadcast %broadcast_in_dim3A_73 : i32 to vector<16xi32>
    %gather3A_75 = tpu.vector_load_idx %arg5[%broadcast_in_dim3A_74] : memref<64xf32, #tpu.memory_space<vmem>>[vector<16xi32>], vector<16xf32>,
    %broadcast_in_dim3A_76 = arith.constant 34 : i32
    %broadcast_in_dim3A_77 = vector.broadcast %broadcast_in_dim3A_76 : i32 to vector<16xi32>
    %gather3A_78 = tpu.vector_load_idx %arg5[%broadcast_in_dim3A_77] : memref<64xf32, #tpu.memory_space<vmem>>[vector<16xi32>], vector<16xf32>,
    %broadcast_in_dim3A_79 = arith.constant 35 : i32
    %broadcast_in_dim3A_80 = vector.broadcast %broadcast_in_dim3A_79 : i32 to vector<16xi32>
    %gather3A_81 = tpu.vector_load_idx %arg5[%broadcast_in_dim3A_80] : memref<64xf32, #tpu.memory_space<vmem>>[vector<16xi32>], vector<16xf32>,
    %broadcast_in_dim3A_82 = arith.constant 36 : i32
    %broadcast_in_dim3A_83 = vector.broadcast %broadcast_in_dim3A_82 : i32 to vector<16xi32>
    %gather3A_84 = tpu.vector_load_idx %arg5[%broadcast_in_dim3A_83] : memref<64xf32, #tpu.memory_space<vmem>>[vector<16xi32>], vector<16xf32>,
    %broadcast_in_dim3A_85 = arith.constant 37 : i32
    %broadcast_in_dim3A_86 = vector.broadcast %broadcast_in_dim3A_85 : i32 to vector<16xi32>
    %gather3A_87 = tpu.vector_load_idx %arg5[%broadcast_in_dim3A_86] : memref<64xf32, #tpu.memory_space<vmem>>[vector<16xi32>], vector<16xf32>,
    %broadcast_in_dim3A_88 = arith.constant 38 : i32
    %broadcast_in_dim3A_89 = vector.broadcast %broadcast_in_dim3A_88 : i32 to vector<16xi32>
    %gather3A_90 = tpu.vector_load_idx %arg5[%broadcast_in_dim3A_89] : memref<64xf32, #tpu.memory_space<vmem>>[vector<16xi32>], vector<16xf32>,
    %broadcast_in_dim3A_91 = arith.constant 39 : i32
    %broadcast_in_dim3A_92 = vector.broadcast %broadcast_in_dim3A_91 : i32 to vector<16xi32>
    %gather3A_93 = tpu.vector_load_idx %arg5[%broadcast_in_dim3A_92] : memref<64xf32, #tpu.memory_space<vmem>>[vector<16xi32>], vector<16xf32>,
    %broadcast_in_dim3A_94 = arith.constant 48 : i32
    %broadcast_in_dim3A_95 = vector.broadcast %broadcast_in_dim3A_94 : i32 to vector<16xi32>
    %gather3A_96 = tpu.vector_load_idx %arg5[%broadcast_in_dim3A_95] : memref<64xf32, #tpu.memory_space<vmem>>[vector<16xi32>], vector<16xf32>,
    %broadcast_in_dim3A_97 = arith.constant 49 : i32
    %broadcast_in_dim3A_98 = vector.broadcast %broadcast_in_dim3A_97 : i32 to vector<16xi32>
    %gather3A_99 = tpu.vector_load_idx %arg5[%broadcast_in_dim3A_98] : memref<64xf32, #tpu.memory_space<vmem>>[vector<16xi32>], vector<16xf32>,
    %broadcast_in_dim3A_100 = arith.constant 50 : i32
    %broadcast_in_dim3A_101 = vector.broadcast %broadcast_in_dim3A_100 : i32 to vector<16xi32>
    %gather3A_102 = tpu.vector_load_idx %arg5[%broadcast_in_dim3A_101] : memref<64xf32, #tpu.memory_space<vmem>>[vector<16xi32>], vector<16xf32>,
    %broadcast_in_dim3A_103 = arith.constant 51 : i32
    %broadcast_in_dim3A_104 = vector.broadcast %broadcast_in_dim3A_103 : i32 to vector<16xi32>
    %gather3A_105 = tpu.vector_load_idx %arg5[%broadcast_in_dim3A_104] : memref<64xf32, #tpu.memory_space<vmem>>[vector<16xi32>], vector<16xf32>,
    %broadcast_in_dim3A_106 = arith.constant 52 : i32
    %broadcast_in_dim3A_107 = vector.broadcast %broadcast_in_dim3A_106 : i32 to vector<16xi32>
    %gather3A_108 = tpu.vector_load_idx %arg5[%broadcast_in_dim3A_107] : memref<64xf32, #tpu.memory_space<vmem>>[vector<16xi32>], vector<16xf32>,
    %broadcast_in_dim3A_109 = arith.constant 53 : i32
    %broadcast_in_dim3A_110 = vector.broadcast %broadcast_in_dim3A_109 : i32 to vector<16xi32>
    %gather3A_111 = tpu.vector_load_idx %arg5[%broadcast_in_dim3A_110] : memref<64xf32, #tpu.memory_space<vmem>>[vector<16xi32>], vector<16xf32>,
    %broadcast_in_dim3A_112 = arith.constant 54 : i32
    %broadcast_in_dim3A_113 = vector.broadcast %broadcast_in_dim3A_112 : i32 to vector<16xi32>
    %gather3A_114 = tpu.vector_load_idx %arg5[%broadcast_in_dim3A_113] : memref<64xf32, #tpu.memory_space<vmem>>[vector<16xi32>], vector<16xf32>,
    %broadcast_in_dim3A_115 = arith.constant 55 : i32
    %broadcast_in_dim3A_116 = vector.broadcast %broadcast_in_dim3A_115 : i32 to vector<16xi32>
    %gather3A_117 = tpu.vector_load_idx %arg5[%broadcast_in_dim3A_116] : memref<64xf32, #tpu.memory_space<vmem>>[vector<16xi32>], vector<16xf32>,
    %parallel_loop3A = arith.constant 0 : i32
    %parallel_loop3A_118 = arith.constant 128 : i32
    %parallel_loop3A_119 = arith.constant 1 : i32
    scf.for %parallel_loop3A_484 = %parallel_loop3A to %parallel_loop3A_118 step %parallel_loop3A_119  : i32 {
      %parallel_loop3A_485 = arith.constant 16 : i32
      %parallel_loop3A_486 = arith.muli %parallel_loop3A_484, %parallel_loop3A_485 : i32
      %parallel_loop3A_487 = arith.index_cast %parallel_loop3A_486 : i32 to index
      %parallel_loop3A_488 = tpu.vector_load %arg6[%parallel_loop3A_487] {strides = array<i32>} : memref<2048xi32, #tpu.memory_space<vmem>>, vector<16xi32>,
      %parallel_loop3A_489 = arith.constant 1 : i32
      %parallel_loop3A_490 = vector.broadcast %parallel_loop3A_489 : i32 to vector<16xi32>
      %parallel_loop3A_491 = arith.andi %parallel_loop3A_488, %parallel_loop3A_490 : vector<16xi32>
      %parallel_loop3A_492 = arith.constant 0 : i32
      %parallel_loop3A_493 = vector.broadcast %parallel_loop3A_492 : i32 to vector<16xi32>
      %parallel_loop3A_494 = arith.cmpi ne, %parallel_loop3A_491, %parallel_loop3A_493 : vector<16xi32>
      %parallel_loop3A_495 = arith.constant 2 : i32
      %parallel_loop3A_496 = vector.broadcast %parallel_loop3A_495 : i32 to vector<16xi32>
      %parallel_loop3A_497 = arith.andi %parallel_loop3A_488, %parallel_loop3A_496 : vector<16xi32>
      %parallel_loop3A_498 = arith.constant 0 : i32
      %parallel_loop3A_499 = vector.broadcast %parallel_loop3A_498 : i32 to vector<16xi32>
      %parallel_loop3A_500 = arith.cmpi ne, %parallel_loop3A_497, %parallel_loop3A_499 : vector<16xi32>
      %parallel_loop3A_501 = arith.select %parallel_loop3A_494, %gather3A_48, %gather3A : vector<16xi1>, vector<16xf32>
      %parallel_loop3A_502 = arith.select %parallel_loop3A_494, %gather3A_96, %gather3A_72 : vector<16xi1>, vector<16xf32>
      %parallel_loop3A_503 = arith.select %parallel_loop3A_500, %parallel_loop3A_502, %parallel_loop3A_501 : vector<16xi1>, vector<16xf32>
      %parallel_loop3A_504 = arith.constant 16 : i32
      %parallel_loop3A_505 = arith.muli %parallel_loop3A_484, %parallel_loop3A_504 : i32
      %parallel_loop3A_506 = arith.constant 0 : i32
      %parallel_loop3A_507 = arith.index_cast %parallel_loop3A_506 : i32 to index
      %parallel_loop3A_508 = arith.index_cast %parallel_loop3A_505 : i32 to index
      %parallel_loop3A_509 = tpu.vector_load %arg8[%parallel_loop3A_507, %parallel_loop3A_508] {strides = array<i32>} : memref<16x2048xf32, #tpu.memory_space<vmem>>, vector<16xf32>,
      tpu.vector_store %arg8[%parallel_loop3A_507, %parallel_loop3A_508], %parallel_loop3A_503 {strides = array<i32>} : memref<16x2048xf32, #tpu.memory_space<vmem>>, vector<16xf32>,
      %parallel_loop3A_510 = arith.select %parallel_loop3A_494, %gather3A_51, %gather3A_27 : vector<16xi1>, vector<16xf32>
      %parallel_loop3A_511 = arith.select %parallel_loop3A_494, %gather3A_99, %gather3A_75 : vector<16xi1>, vector<16xf32>
      %parallel_loop3A_512 = arith.select %parallel_loop3A_500, %parallel_loop3A_511, %parallel_loop3A_510 : vector<16xi1>, vector<16xf32>
      %parallel_loop3A_513 = arith.constant 16 : i32
      %parallel_loop3A_514 = arith.muli %parallel_loop3A_484, %parallel_loop3A_513 : i32
      %parallel_loop3A_515 = arith.constant 1 : i32
      %parallel_loop3A_516 = arith.index_cast %parallel_loop3A_515 : i32 to index
      %parallel_loop3A_517 = arith.index_cast %parallel_loop3A_514 : i32 to index
      %parallel_loop3A_518 = tpu.vector_load %arg8[%parallel_loop3A_516, %parallel_loop3A_517] {strides = array<i32>} : memref<16x2048xf32, #tpu.memory_space<vmem>>, vector<16xf32>,
      tpu.vector_store %arg8[%parallel_loop3A_516, %parallel_loop3A_517], %parallel_loop3A_512 {strides = array<i32>} : memref<16x2048xf32, #tpu.memory_space<vmem>>, vector<16xf32>,
      %parallel_loop3A_519 = arith.select %parallel_loop3A_494, %gather3A_54, %gather3A_30 : vector<16xi1>, vector<16xf32>
      %parallel_loop3A_520 = arith.select %parallel_loop3A_494, %gather3A_102, %gather3A_78 : vector<16xi1>, vector<16xf32>
      %parallel_loop3A_521 = arith.select %parallel_loop3A_500, %parallel_loop3A_520, %parallel_loop3A_519 : vector<16xi1>, vector<16xf32>
      %parallel_loop3A_522 = arith.constant 16 : i32
      %parallel_loop3A_523 = arith.muli %parallel_loop3A_484, %parallel_loop3A_522 : i32
      %parallel_loop3A_524 = arith.constant 2 : i32
      %parallel_loop3A_525 = arith.index_cast %parallel_loop3A_524 : i32 to index
      %parallel_loop3A_526 = arith.index_cast %parallel_loop3A_523 : i32 to index
      %parallel_loop3A_527 = tpu.vector_load %arg8[%parallel_loop3A_525, %parallel_loop3A_526] {strides = array<i32>} : memref<16x2048xf32, #tpu.memory_space<vmem>>, vector<16xf32>,
      tpu.vector_store %arg8[%parallel_loop3A_525, %parallel_loop3A_526], %parallel_loop3A_521 {strides = array<i32>} : memref<16x2048xf32, #tpu.memory_space<vmem>>, vector<16xf32>,
      %parallel_loop3A_528 = arith.select %parallel_loop3A_494, %gather3A_57, %gather3A_33 : vector<16xi1>, vector<16xf32>
      %parallel_loop3A_529 = arith.select %parallel_loop3A_494, %gather3A_105, %gather3A_81 : vector<16xi1>, vector<16xf32>
      %parallel_loop3A_530 = arith.select %parallel_loop3A_500, %parallel_loop3A_529, %parallel_loop3A_528 : vector<16xi1>, vector<16xf32>
      %parallel_loop3A_531 = arith.constant 16 : i32
      %parallel_loop3A_532 = arith.muli %parallel_loop3A_484, %parallel_loop3A_531 : i32
      %parallel_loop3A_533 = arith.constant 3 : i32
      %parallel_loop3A_534 = arith.index_cast %parallel_loop3A_533 : i32 to index
      %parallel_loop3A_535 = arith.index_cast %parallel_loop3A_532 : i32 to index
      %parallel_loop3A_536 = tpu.vector_load %arg8[%parallel_loop3A_534, %parallel_loop3A_535] {strides = array<i32>} : memref<16x2048xf32, #tpu.memory_space<vmem>>, vector<16xf32>,
      tpu.vector_store %arg8[%parallel_loop3A_534, %parallel_loop3A_535], %parallel_loop3A_530 {strides = array<i32>} : memref<16x2048xf32, #tpu.memory_space<vmem>>, vector<16xf32>,
      %parallel_loop3A_537 = arith.select %parallel_loop3A_494, %gather3A_60, %gather3A_36 : vector<16xi1>, vector<16xf32>
      %parallel_loop3A_538 = arith.select %parallel_loop3A_494, %gather3A_108, %gather3A_84 : vector<16xi1>, vector<16xf32>
      %parallel_loop3A_539 = arith.select %parallel_loop3A_500, %parallel_loop3A_538, %parallel_loop3A_537 : vector<16xi1>, vector<16xf32>
      %parallel_loop3A_540 = arith.constant 16 : i32
      %parallel_loop3A_541 = arith.muli %parallel_loop3A_484, %parallel_loop3A_540 : i32
      %parallel_loop3A_542 = arith.constant 4 : i32
      %parallel_loop3A_543 = arith.index_cast %parallel_loop3A_542 : i32 to index
      %parallel_loop3A_544 = arith.index_cast %parallel_loop3A_541 : i32 to index
      %parallel_loop3A_545 = tpu.vector_load %arg8[%parallel_loop3A_543, %parallel_loop3A_544] {strides = array<i32>} : memref<16x2048xf32, #tpu.memory_space<vmem>>, vector<16xf32>,
      tpu.vector_store %arg8[%parallel_loop3A_543, %parallel_loop3A_544], %parallel_loop3A_539 {strides = array<i32>} : memref<16x2048xf32, #tpu.memory_space<vmem>>, vector<16xf32>,
      %parallel_loop3A_546 = arith.select %parallel_loop3A_494, %gather3A_63, %gather3A_39 : vector<16xi1>, vector<16xf32>
      %parallel_loop3A_547 = arith.select %parallel_loop3A_494, %gather3A_111, %gather3A_87 : vector<16xi1>, vector<16xf32>
      %parallel_loop3A_548 = arith.select %parallel_loop3A_500, %parallel_loop3A_547, %parallel_loop3A_546 : vector<16xi1>, vector<16xf32>
      %parallel_loop3A_549 = arith.constant 16 : i32
      %parallel_loop3A_550 = arith.muli %parallel_loop3A_484, %parallel_loop3A_549 : i32
      %parallel_loop3A_551 = arith.constant 5 : i32
      %parallel_loop3A_552 = arith.index_cast %parallel_loop3A_551 : i32 to index
      %parallel_loop3A_553 = arith.index_cast %parallel_loop3A_550 : i32 to index
      %parallel_loop3A_554 = tpu.vector_load %arg8[%parallel_loop3A_552, %parallel_loop3A_553] {strides = array<i32>} : memref<16x2048xf32, #tpu.memory_space<vmem>>, vector<16xf32>,
      tpu.vector_store %arg8[%parallel_loop3A_552, %parallel_loop3A_553], %parallel_loop3A_548 {strides = array<i32>} : memref<16x2048xf32, #tpu.memory_space<vmem>>, vector<16xf32>,
      %parallel_loop3A_555 = arith.select %parallel_loop3A_494, %gather3A_66, %gather3A_42 : vector<16xi1>, vector<16xf32>
      %parallel_loop3A_556 = arith.select %parallel_loop3A_494, %gather3A_114, %gather3A_90 : vector<16xi1>, vector<16xf32>
      %parallel_loop3A_557 = arith.select %parallel_loop3A_500, %parallel_loop3A_556, %parallel_loop3A_555 : vector<16xi1>, vector<16xf32>
      %parallel_loop3A_558 = arith.constant 16 : i32
      %parallel_loop3A_559 = arith.muli %parallel_loop3A_484, %parallel_loop3A_558 : i32
      %parallel_loop3A_560 = arith.constant 6 : i32
      %parallel_loop3A_561 = arith.index_cast %parallel_loop3A_560 : i32 to index
      %parallel_loop3A_562 = arith.index_cast %parallel_loop3A_559 : i32 to index
      %parallel_loop3A_563 = tpu.vector_load %arg8[%parallel_loop3A_561, %parallel_loop3A_562] {strides = array<i32>} : memref<16x2048xf32, #tpu.memory_space<vmem>>, vector<16xf32>,
      tpu.vector_store %arg8[%parallel_loop3A_561, %parallel_loop3A_562], %parallel_loop3A_557 {strides = array<i32>} : memref<16x2048xf32, #tpu.memory_space<vmem>>, vector<16xf32>,
      %parallel_loop3A_564 = arith.select %parallel_loop3A_494, %gather3A_69, %gather3A_45 : vector<16xi1>, vector<16xf32>
      %parallel_loop3A_565 = arith.select %parallel_loop3A_494, %gather3A_117, %gather3A_93 : vector<16xi1>, vector<16xf32>
      %parallel_loop3A_566 = arith.select %parallel_loop3A_500, %parallel_loop3A_565, %parallel_loop3A_564 : vector<16xi1>, vector<16xf32>
      %parallel_loop3A_567 = arith.constant 16 : i32
      %parallel_loop3A_568 = arith.muli %parallel_loop3A_484, %parallel_loop3A_567 : i32
      %parallel_loop3A_569 = arith.constant 7 : i32
      %parallel_loop3A_570 = arith.index_cast %parallel_loop3A_569 : i32 to index
      %parallel_loop3A_571 = arith.index_cast %parallel_loop3A_568 : i32 to index
      %parallel_loop3A_572 = tpu.vector_load %arg8[%parallel_loop3A_570, %parallel_loop3A_571] {strides = array<i32>} : memref<16x2048xf32, #tpu.memory_space<vmem>>, vector<16xf32>,
      tpu.vector_store %arg8[%parallel_loop3A_570, %parallel_loop3A_571], %parallel_loop3A_566 {strides = array<i32>} : memref<16x2048xf32, #tpu.memory_space<vmem>>, vector<16xf32>,
    } {sc.loop_unroll_factor = 2 : i64, sc.parallel_access}
    %broadcast_in_dim3A_120 = arith.constant 8 : i32
    %broadcast_in_dim3A_121 = vector.broadcast %broadcast_in_dim3A_120 : i32 to vector<16xi32>
    %gather3A_122 = tpu.vector_load_idx %arg5[%broadcast_in_dim3A_121] : memref<64xf32, #tpu.memory_space<vmem>>[vector<16xi32>], vector<16xf32>,
    %broadcast_in_dim3A_123 = arith.constant 9 : i32
    %broadcast_in_dim3A_124 = vector.broadcast %broadcast_in_dim3A_123 : i32 to vector<16xi32>
    %gather3A_125 = tpu.vector_load_idx %arg5[%broadcast_in_dim3A_124] : memref<64xf32, #tpu.memory_space<vmem>>[vector<16xi32>], vector<16xf32>,
    %broadcast_in_dim3A_126 = arith.constant 10 : i32
    %broadcast_in_dim3A_127 = vector.broadcast %broadcast_in_dim3A_126 : i32 to vector<16xi32>
    %gather3A_128 = tpu.vector_load_idx %arg5[%broadcast_in_dim3A_127] : memref<64xf32, #tpu.memory_space<vmem>>[vector<16xi32>], vector<16xf32>,
    %broadcast_in_dim3A_129 = arith.constant 11 : i32
    %broadcast_in_dim3A_130 = vector.broadcast %broadcast_in_dim3A_129 : i32 to vector<16xi32>
    %gather3A_131 = tpu.vector_load_idx %arg5[%broadcast_in_dim3A_130] : memref<64xf32, #tpu.memory_space<vmem>>[vector<16xi32>], vector<16xf32>,
    %broadcast_in_dim3A_132 = arith.constant 12 : i32
    %broadcast_in_dim3A_133 = vector.broadcast %broadcast_in_dim3A_132 : i32 to vector<16xi32>
    %gather3A_134 = tpu.vector_load_idx %arg5[%broadcast_in_dim3A_133] : memref<64xf32, #tpu.memory_space<vmem>>[vector<16xi32>], vector<16xf32>,
    %broadcast_in_dim3A_135 = arith.constant 13 : i32
    %broadcast_in_dim3A_136 = vector.broadcast %broadcast_in_dim3A_135 : i32 to vector<16xi32>
    %gather3A_137 = tpu.vector_load_idx %arg5[%broadcast_in_dim3A_136] : memref<64xf32, #tpu.memory_space<vmem>>[vector<16xi32>], vector<16xf32>,
    %broadcast_in_dim3A_138 = arith.constant 14 : i32
    %broadcast_in_dim3A_139 = vector.broadcast %broadcast_in_dim3A_138 : i32 to vector<16xi32>
    %gather3A_140 = tpu.vector_load_idx %arg5[%broadcast_in_dim3A_139] : memref<64xf32, #tpu.memory_space<vmem>>[vector<16xi32>], vector<16xf32>,
    %broadcast_in_dim3A_141 = arith.constant 15 : i32
    %broadcast_in_dim3A_142 = vector.broadcast %broadcast_in_dim3A_141 : i32 to vector<16xi32>
    %gather3A_143 = tpu.vector_load_idx %arg5[%broadcast_in_dim3A_142] : memref<64xf32, #tpu.memory_space<vmem>>[vector<16xi32>], vector<16xf32>,
    %broadcast_in_dim3A_144 = arith.constant 24 : i32
    %broadcast_in_dim3A_145 = vector.broadcast %broadcast_in_dim3A_144 : i32 to vector<16xi32>
    %gather3A_146 = tpu.vector_load_idx %arg5[%broadcast_in_dim3A_145] : memref<64xf32, #tpu.memory_space<vmem>>[vector<16xi32>], vector<16xf32>,
    %broadcast_in_dim3A_147 = arith.constant 25 : i32
    %broadcast_in_dim3A_148 = vector.broadcast %broadcast_in_dim3A_147 : i32 to vector<16xi32>
    %gather3A_149 = tpu.vector_load_idx %arg5[%broadcast_in_dim3A_148] : memref<64xf32, #tpu.memory_space<vmem>>[vector<16xi32>], vector<16xf32>,
    %broadcast_in_dim3A_150 = arith.constant 26 : i32
    %broadcast_in_dim3A_151 = vector.broadcast %broadcast_in_dim3A_150 : i32 to vector<16xi32>
    %gather3A_152 = tpu.vector_load_idx %arg5[%broadcast_in_dim3A_151] : memref<64xf32, #tpu.memory_space<vmem>>[vector<16xi32>], vector<16xf32>,
    %broadcast_in_dim3A_153 = arith.constant 27 : i32
    %broadcast_in_dim3A_154 = vector.broadcast %broadcast_in_dim3A_153 : i32 to vector<16xi32>
    %gather3A_155 = tpu.vector_load_idx %arg5[%broadcast_in_dim3A_154] : memref<64xf32, #tpu.memory_space<vmem>>[vector<16xi32>], vector<16xf32>,
    %broadcast_in_dim3A_156 = arith.constant 28 : i32
    %broadcast_in_dim3A_157 = vector.broadcast %broadcast_in_dim3A_156 : i32 to vector<16xi32>
    %gather3A_158 = tpu.vector_load_idx %arg5[%broadcast_in_dim3A_157] : memref<64xf32, #tpu.memory_space<vmem>>[vector<16xi32>], vector<16xf32>,
    %broadcast_in_dim3A_159 = arith.constant 29 : i32
    %broadcast_in_dim3A_160 = vector.broadcast %broadcast_in_dim3A_159 : i32 to vector<16xi32>
    %gather3A_161 = tpu.vector_load_idx %arg5[%broadcast_in_dim3A_160] : memref<64xf32, #tpu.memory_space<vmem>>[vector<16xi32>], vector<16xf32>,
    %broadcast_in_dim3A_162 = arith.constant 30 : i32
    %broadcast_in_dim3A_163 = vector.broadcast %broadcast_in_dim3A_162 : i32 to vector<16xi32>
    %gather3A_164 = tpu.vector_load_idx %arg5[%broadcast_in_dim3A_163] : memref<64xf32, #tpu.memory_space<vmem>>[vector<16xi32>], vector<16xf32>,
    %broadcast_in_dim3A_165 = arith.constant 31 : i32
    %broadcast_in_dim3A_166 = vector.broadcast %broadcast_in_dim3A_165 : i32 to vector<16xi32>
    %gather3A_167 = tpu.vector_load_idx %arg5[%broadcast_in_dim3A_166] : memref<64xf32, #tpu.memory_space<vmem>>[vector<16xi32>], vector<16xf32>,
    %broadcast_in_dim3A_168 = arith.constant 40 : i32
    %broadcast_in_dim3A_169 = vector.broadcast %broadcast_in_dim3A_168 : i32 to vector<16xi32>
    %gather3A_170 = tpu.vector_load_idx %arg5[%broadcast_in_dim3A_169] : memref<64xf32, #tpu.memory_space<vmem>>[vector<16xi32>], vector<16xf32>,
    %broadcast_in_dim3A_171 = arith.constant 41 : i32
    %broadcast_in_dim3A_172 = vector.broadcast %broadcast_in_dim3A_171 : i32 to vector<16xi32>
    %gather3A_173 = tpu.vector_load_idx %arg5[%broadcast_in_dim3A_172] : memref<64xf32, #tpu.memory_space<vmem>>[vector<16xi32>], vector<16xf32>,
    %broadcast_in_dim3A_174 = arith.constant 42 : i32
    %broadcast_in_dim3A_175 = vector.broadcast %broadcast_in_dim3A_174 : i32 to vector<16xi32>
    %gather3A_176 = tpu.vector_load_idx %arg5[%broadcast_in_dim3A_175] : memref<64xf32, #tpu.memory_space<vmem>>[vector<16xi32>], vector<16xf32>,
    %broadcast_in_dim3A_177 = arith.constant 43 : i32
    %broadcast_in_dim3A_178 = vector.broadcast %broadcast_in_dim3A_177 : i32 to vector<16xi32>
    %gather3A_179 = tpu.vector_load_idx %arg5[%broadcast_in_dim3A_178] : memref<64xf32, #tpu.memory_space<vmem>>[vector<16xi32>], vector<16xf32>,
    %broadcast_in_dim3A_180 = arith.constant 44 : i32
    %broadcast_in_dim3A_181 = vector.broadcast %broadcast_in_dim3A_180 : i32 to vector<16xi32>
    %gather3A_182 = tpu.vector_load_idx %arg5[%broadcast_in_dim3A_181] : memref<64xf32, #tpu.memory_space<vmem>>[vector<16xi32>], vector<16xf32>,
    %broadcast_in_dim3A_183 = arith.constant 45 : i32
    %broadcast_in_dim3A_184 = vector.broadcast %broadcast_in_dim3A_183 : i32 to vector<16xi32>
    %gather3A_185 = tpu.vector_load_idx %arg5[%broadcast_in_dim3A_184] : memref<64xf32, #tpu.memory_space<vmem>>[vector<16xi32>], vector<16xf32>,
    %broadcast_in_dim3A_186 = arith.constant 46 : i32
    %broadcast_in_dim3A_187 = vector.broadcast %broadcast_in_dim3A_186 : i32 to vector<16xi32>
    %gather3A_188 = tpu.vector_load_idx %arg5[%broadcast_in_dim3A_187] : memref<64xf32, #tpu.memory_space<vmem>>[vector<16xi32>], vector<16xf32>,
    %broadcast_in_dim3A_189 = arith.constant 47 : i32
    %broadcast_in_dim3A_190 = vector.broadcast %broadcast_in_dim3A_189 : i32 to vector<16xi32>
    %gather3A_191 = tpu.vector_load_idx %arg5[%broadcast_in_dim3A_190] : memref<64xf32, #tpu.memory_space<vmem>>[vector<16xi32>], vector<16xf32>,
    %broadcast_in_dim3A_192 = arith.constant 56 : i32
    %broadcast_in_dim3A_193 = vector.broadcast %broadcast_in_dim3A_192 : i32 to vector<16xi32>
    %gather3A_194 = tpu.vector_load_idx %arg5[%broadcast_in_dim3A_193] : memref<64xf32, #tpu.memory_space<vmem>>[vector<16xi32>], vector<16xf32>,
    %broadcast_in_dim3A_195 = arith.constant 57 : i32
    %broadcast_in_dim3A_196 = vector.broadcast %broadcast_in_dim3A_195 : i32 to vector<16xi32>
    %gather3A_197 = tpu.vector_load_idx %arg5[%broadcast_in_dim3A_196] : memref<64xf32, #tpu.memory_space<vmem>>[vector<16xi32>], vector<16xf32>,
    %broadcast_in_dim3A_198 = arith.constant 58 : i32
    %broadcast_in_dim3A_199 = vector.broadcast %broadcast_in_dim3A_198 : i32 to vector<16xi32>
    %gather3A_200 = tpu.vector_load_idx %arg5[%broadcast_in_dim3A_199] : memref<64xf32, #tpu.memory_space<vmem>>[vector<16xi32>], vector<16xf32>,
    %broadcast_in_dim3A_201 = arith.constant 59 : i32
    %broadcast_in_dim3A_202 = vector.broadcast %broadcast_in_dim3A_201 : i32 to vector<16xi32>
    %gather3A_203 = tpu.vector_load_idx %arg5[%broadcast_in_dim3A_202] : memref<64xf32, #tpu.memory_space<vmem>>[vector<16xi32>], vector<16xf32>,
    %broadcast_in_dim3A_204 = arith.constant 60 : i32
    %broadcast_in_dim3A_205 = vector.broadcast %broadcast_in_dim3A_204 : i32 to vector<16xi32>
    %gather3A_206 = tpu.vector_load_idx %arg5[%broadcast_in_dim3A_205] : memref<64xf32, #tpu.memory_space<vmem>>[vector<16xi32>], vector<16xf32>,
    %broadcast_in_dim3A_207 = arith.constant 61 : i32
    %broadcast_in_dim3A_208 = vector.broadcast %broadcast_in_dim3A_207 : i32 to vector<16xi32>
    %gather3A_209 = tpu.vector_load_idx %arg5[%broadcast_in_dim3A_208] : memref<64xf32, #tpu.memory_space<vmem>>[vector<16xi32>], vector<16xf32>,
    %broadcast_in_dim3A_210 = arith.constant 62 : i32
    %broadcast_in_dim3A_211 = vector.broadcast %broadcast_in_dim3A_210 : i32 to vector<16xi32>
    %gather3A_212 = tpu.vector_load_idx %arg5[%broadcast_in_dim3A_211] : memref<64xf32, #tpu.memory_space<vmem>>[vector<16xi32>], vector<16xf32>,
    %broadcast_in_dim3A_213 = arith.constant 63 : i32
    %broadcast_in_dim3A_214 = vector.broadcast %broadcast_in_dim3A_213 : i32 to vector<16xi32>
    %gather3A_215 = tpu.vector_load_idx %arg5[%broadcast_in_dim3A_214] : memref<64xf32, #tpu.memory_space<vmem>>[vector<16xi32>], vector<16xf32>,
    %parallel_loop3A_216 = arith.constant 0 : i32
    %parallel_loop3A_217 = arith.constant 128 : i32
    %parallel_loop3A_218 = arith.constant 1 : i32
    scf.for %parallel_loop3A_484 = %parallel_loop3A_216 to %parallel_loop3A_217 step %parallel_loop3A_218  : i32 {
      %parallel_loop3A_485 = arith.constant 16 : i32
      %parallel_loop3A_486 = arith.muli %parallel_loop3A_484, %parallel_loop3A_485 : i32
      %parallel_loop3A_487 = arith.index_cast %parallel_loop3A_486 : i32 to index
      %parallel_loop3A_488 = tpu.vector_load %arg6[%parallel_loop3A_487] {strides = array<i32>} : memref<2048xi32, #tpu.memory_space<vmem>>, vector<16xi32>,
      %parallel_loop3A_489 = arith.constant 1 : i32
      %parallel_loop3A_490 = vector.broadcast %parallel_loop3A_489 : i32 to vector<16xi32>
      %parallel_loop3A_491 = arith.andi %parallel_loop3A_488, %parallel_loop3A_490 : vector<16xi32>
      %parallel_loop3A_492 = arith.constant 0 : i32
      %parallel_loop3A_493 = vector.broadcast %parallel_loop3A_492 : i32 to vector<16xi32>
      %parallel_loop3A_494 = arith.cmpi ne, %parallel_loop3A_491, %parallel_loop3A_493 : vector<16xi32>
      %parallel_loop3A_495 = arith.constant 2 : i32
      %parallel_loop3A_496 = vector.broadcast %parallel_loop3A_495 : i32 to vector<16xi32>
      %parallel_loop3A_497 = arith.andi %parallel_loop3A_488, %parallel_loop3A_496 : vector<16xi32>
      %parallel_loop3A_498 = arith.constant 0 : i32
      %parallel_loop3A_499 = vector.broadcast %parallel_loop3A_498 : i32 to vector<16xi32>
      %parallel_loop3A_500 = arith.cmpi ne, %parallel_loop3A_497, %parallel_loop3A_499 : vector<16xi32>
      %parallel_loop3A_501 = arith.select %parallel_loop3A_494, %gather3A_146, %gather3A_122 : vector<16xi1>, vector<16xf32>
      %parallel_loop3A_502 = arith.select %parallel_loop3A_494, %gather3A_194, %gather3A_170 : vector<16xi1>, vector<16xf32>
      %parallel_loop3A_503 = arith.select %parallel_loop3A_500, %parallel_loop3A_502, %parallel_loop3A_501 : vector<16xi1>, vector<16xf32>
      %parallel_loop3A_504 = arith.constant 16 : i32
      %parallel_loop3A_505 = arith.muli %parallel_loop3A_484, %parallel_loop3A_504 : i32
      %parallel_loop3A_506 = arith.constant 8 : i32
      %parallel_loop3A_507 = arith.index_cast %parallel_loop3A_506 : i32 to index
      %parallel_loop3A_508 = arith.index_cast %parallel_loop3A_505 : i32 to index
      %parallel_loop3A_509 = tpu.vector_load %arg8[%parallel_loop3A_507, %parallel_loop3A_508] {strides = array<i32>} : memref<16x2048xf32, #tpu.memory_space<vmem>>, vector<16xf32>,
      tpu.vector_store %arg8[%parallel_loop3A_507, %parallel_loop3A_508], %parallel_loop3A_503 {strides = array<i32>} : memref<16x2048xf32, #tpu.memory_space<vmem>>, vector<16xf32>,
      %parallel_loop3A_510 = arith.select %parallel_loop3A_494, %gather3A_149, %gather3A_125 : vector<16xi1>, vector<16xf32>
      %parallel_loop3A_511 = arith.select %parallel_loop3A_494, %gather3A_197, %gather3A_173 : vector<16xi1>, vector<16xf32>
      %parallel_loop3A_512 = arith.select %parallel_loop3A_500, %parallel_loop3A_511, %parallel_loop3A_510 : vector<16xi1>, vector<16xf32>
      %parallel_loop3A_513 = arith.constant 16 : i32
      %parallel_loop3A_514 = arith.muli %parallel_loop3A_484, %parallel_loop3A_513 : i32
      %parallel_loop3A_515 = arith.constant 9 : i32
      %parallel_loop3A_516 = arith.index_cast %parallel_loop3A_515 : i32 to index
      %parallel_loop3A_517 = arith.index_cast %parallel_loop3A_514 : i32 to index
      %parallel_loop3A_518 = tpu.vector_load %arg8[%parallel_loop3A_516, %parallel_loop3A_517] {strides = array<i32>} : memref<16x2048xf32, #tpu.memory_space<vmem>>, vector<16xf32>,
      tpu.vector_store %arg8[%parallel_loop3A_516, %parallel_loop3A_517], %parallel_loop3A_512 {strides = array<i32>} : memref<16x2048xf32, #tpu.memory_space<vmem>>, vector<16xf32>,
      %parallel_loop3A_519 = arith.select %parallel_loop3A_494, %gather3A_152, %gather3A_128 : vector<16xi1>, vector<16xf32>
      %parallel_loop3A_520 = arith.select %parallel_loop3A_494, %gather3A_200, %gather3A_176 : vector<16xi1>, vector<16xf32>
      %parallel_loop3A_521 = arith.select %parallel_loop3A_500, %parallel_loop3A_520, %parallel_loop3A_519 : vector<16xi1>, vector<16xf32>
      %parallel_loop3A_522 = arith.constant 16 : i32
      %parallel_loop3A_523 = arith.muli %parallel_loop3A_484, %parallel_loop3A_522 : i32
      %parallel_loop3A_524 = arith.constant 10 : i32
      %parallel_loop3A_525 = arith.index_cast %parallel_loop3A_524 : i32 to index
      %parallel_loop3A_526 = arith.index_cast %parallel_loop3A_523 : i32 to index
      %parallel_loop3A_527 = tpu.vector_load %arg8[%parallel_loop3A_525, %parallel_loop3A_526] {strides = array<i32>} : memref<16x2048xf32, #tpu.memory_space<vmem>>, vector<16xf32>,
      tpu.vector_store %arg8[%parallel_loop3A_525, %parallel_loop3A_526], %parallel_loop3A_521 {strides = array<i32>} : memref<16x2048xf32, #tpu.memory_space<vmem>>, vector<16xf32>,
      %parallel_loop3A_528 = arith.select %parallel_loop3A_494, %gather3A_155, %gather3A_131 : vector<16xi1>, vector<16xf32>
      %parallel_loop3A_529 = arith.select %parallel_loop3A_494, %gather3A_203, %gather3A_179 : vector<16xi1>, vector<16xf32>
      %parallel_loop3A_530 = arith.select %parallel_loop3A_500, %parallel_loop3A_529, %parallel_loop3A_528 : vector<16xi1>, vector<16xf32>
      %parallel_loop3A_531 = arith.constant 16 : i32
      %parallel_loop3A_532 = arith.muli %parallel_loop3A_484, %parallel_loop3A_531 : i32
      %parallel_loop3A_533 = arith.constant 11 : i32
      %parallel_loop3A_534 = arith.index_cast %parallel_loop3A_533 : i32 to index
      %parallel_loop3A_535 = arith.index_cast %parallel_loop3A_532 : i32 to index
      %parallel_loop3A_536 = tpu.vector_load %arg8[%parallel_loop3A_534, %parallel_loop3A_535] {strides = array<i32>} : memref<16x2048xf32, #tpu.memory_space<vmem>>, vector<16xf32>,
      tpu.vector_store %arg8[%parallel_loop3A_534, %parallel_loop3A_535], %parallel_loop3A_530 {strides = array<i32>} : memref<16x2048xf32, #tpu.memory_space<vmem>>, vector<16xf32>,
      %parallel_loop3A_537 = arith.select %parallel_loop3A_494, %gather3A_158, %gather3A_134 : vector<16xi1>, vector<16xf32>
      %parallel_loop3A_538 = arith.select %parallel_loop3A_494, %gather3A_206, %gather3A_182 : vector<16xi1>, vector<16xf32>
      %parallel_loop3A_539 = arith.select %parallel_loop3A_500, %parallel_loop3A_538, %parallel_loop3A_537 : vector<16xi1>, vector<16xf32>
      %parallel_loop3A_540 = arith.constant 16 : i32
      %parallel_loop3A_541 = arith.muli %parallel_loop3A_484, %parallel_loop3A_540 : i32
      %parallel_loop3A_542 = arith.constant 12 : i32
      %parallel_loop3A_543 = arith.index_cast %parallel_loop3A_542 : i32 to index
      %parallel_loop3A_544 = arith.index_cast %parallel_loop3A_541 : i32 to index
      %parallel_loop3A_545 = tpu.vector_load %arg8[%parallel_loop3A_543, %parallel_loop3A_544] {strides = array<i32>} : memref<16x2048xf32, #tpu.memory_space<vmem>>, vector<16xf32>,
      tpu.vector_store %arg8[%parallel_loop3A_543, %parallel_loop3A_544], %parallel_loop3A_539 {strides = array<i32>} : memref<16x2048xf32, #tpu.memory_space<vmem>>, vector<16xf32>,
      %parallel_loop3A_546 = arith.select %parallel_loop3A_494, %gather3A_161, %gather3A_137 : vector<16xi1>, vector<16xf32>
      %parallel_loop3A_547 = arith.select %parallel_loop3A_494, %gather3A_209, %gather3A_185 : vector<16xi1>, vector<16xf32>
      %parallel_loop3A_548 = arith.select %parallel_loop3A_500, %parallel_loop3A_547, %parallel_loop3A_546 : vector<16xi1>, vector<16xf32>
      %parallel_loop3A_549 = arith.constant 16 : i32
      %parallel_loop3A_550 = arith.muli %parallel_loop3A_484, %parallel_loop3A_549 : i32
      %parallel_loop3A_551 = arith.constant 13 : i32
      %parallel_loop3A_552 = arith.index_cast %parallel_loop3A_551 : i32 to index
      %parallel_loop3A_553 = arith.index_cast %parallel_loop3A_550 : i32 to index
      %parallel_loop3A_554 = tpu.vector_load %arg8[%parallel_loop3A_552, %parallel_loop3A_553] {strides = array<i32>} : memref<16x2048xf32, #tpu.memory_space<vmem>>, vector<16xf32>,
      tpu.vector_store %arg8[%parallel_loop3A_552, %parallel_loop3A_553], %parallel_loop3A_548 {strides = array<i32>} : memref<16x2048xf32, #tpu.memory_space<vmem>>, vector<16xf32>,
      %parallel_loop3A_555 = arith.select %parallel_loop3A_494, %gather3A_164, %gather3A_140 : vector<16xi1>, vector<16xf32>
      %parallel_loop3A_556 = arith.select %parallel_loop3A_494, %gather3A_212, %gather3A_188 : vector<16xi1>, vector<16xf32>
      %parallel_loop3A_557 = arith.select %parallel_loop3A_500, %parallel_loop3A_556, %parallel_loop3A_555 : vector<16xi1>, vector<16xf32>
      %parallel_loop3A_558 = arith.constant 16 : i32
      %parallel_loop3A_559 = arith.muli %parallel_loop3A_484, %parallel_loop3A_558 : i32
      %parallel_loop3A_560 = arith.constant 14 : i32
      %parallel_loop3A_561 = arith.index_cast %parallel_loop3A_560 : i32 to index
      %parallel_loop3A_562 = arith.index_cast %parallel_loop3A_559 : i32 to index
      %parallel_loop3A_563 = tpu.vector_load %arg8[%parallel_loop3A_561, %parallel_loop3A_562] {strides = array<i32>} : memref<16x2048xf32, #tpu.memory_space<vmem>>, vector<16xf32>,
      tpu.vector_store %arg8[%parallel_loop3A_561, %parallel_loop3A_562], %parallel_loop3A_557 {strides = array<i32>} : memref<16x2048xf32, #tpu.memory_space<vmem>>, vector<16xf32>,
      %parallel_loop3A_564 = arith.select %parallel_loop3A_494, %gather3A_167, %gather3A_143 : vector<16xi1>, vector<16xf32>
      %parallel_loop3A_565 = arith.select %parallel_loop3A_494, %gather3A_215, %gather3A_191 : vector<16xi1>, vector<16xf32>
      %parallel_loop3A_566 = arith.select %parallel_loop3A_500, %parallel_loop3A_565, %parallel_loop3A_564 : vector<16xi1>, vector<16xf32>
      %parallel_loop3A_567 = arith.constant 16 : i32
      %parallel_loop3A_568 = arith.muli %parallel_loop3A_484, %parallel_loop3A_567 : i32
      %parallel_loop3A_569 = arith.constant 15 : i32
      %parallel_loop3A_570 = arith.index_cast %parallel_loop3A_569 : i32 to index
      %parallel_loop3A_571 = arith.index_cast %parallel_loop3A_568 : i32 to index
      %parallel_loop3A_572 = tpu.vector_load %arg8[%parallel_loop3A_570, %parallel_loop3A_571] {strides = array<i32>} : memref<16x2048xf32, #tpu.memory_space<vmem>>, vector<16xf32>,
      tpu.vector_store %arg8[%parallel_loop3A_570, %parallel_loop3A_571], %parallel_loop3A_566 {strides = array<i32>} : memref<16x2048xf32, #tpu.memory_space<vmem>>, vector<16xf32>,
    } {sc.loop_unroll_factor = 2 : i64, sc.parallel_access}
    %add3A_219 = arith.constant 0 : i32
    %add3A_220 = arith.addi %mul3A_2, %add3A_219 : i32
    %shift_right_logical3A_221 = arith.constant 3 : i32
    %shift_right_logical3A_222 = arith.shrui %add3A_220, %shift_right_logical3A_221 : i32
    %and3A_223 = arith.constant 7 : i32
    %and3A_224 = arith.andi %add3A_220, %and3A_223 : i32
    %mul3A_225 = arith.constant 2048 : i32
    %mul3A_226 = arith.muli %and3A_224, %mul3A_225 : i32
    %dma_start3A_227 = arith.constant 0 : i32
    %dma_start3A_228 = tpu.memref_slice %arg4[%shift_right_logical3A_222, %dma_start3A_227, %mul3A_226] : memref<200x16x16384xf32, #tpu.memory_space<hbm>> -> memref<1x16x2048xf32, #tpu.memory_space<hbm>>
    %dma_start3A_229 = tpu.memref_squeeze %dma_start3A_228 : memref<1x16x2048xf32, #tpu.memory_space<hbm>> -> memref<16x2048xf32, #tpu.memory_space<hbm>>
    %dma_start3A_230 = arith.constant 0 : i32
    %dma_start3A_231 = tpu.memref_slice %arg4[%shift_right_logical3A_222, %dma_start3A_230, %mul3A_226] : memref<200x16x16384xf32, #tpu.memory_space<hbm>> -> memref<1x16x2048xf32, #tpu.memory_space<hbm>>
    %dma_start3A_232 = tpu.memref_squeeze %dma_start3A_231 : memref<1x16x2048xf32, #tpu.memory_space<hbm>> -> memref<16x2048xf32, #tpu.memory_space<hbm>>
    tpu.enqueue_dma source(%arg8 : memref<16x2048xf32, #tpu.memory_space<vmem>>) target(%dma_start3A_232 : memref<16x2048xf32, #tpu.memory_space<hbm>>) target_semaphore(%arg12 : memref<!tpu.dma_semaphore, #tpu.memory_space<semaphore_mem>>)
    %dma_wait3A_233 = arith.constant 0 : i32
    %dma_wait3A_234 = arith.constant 0 : i32
    %dma_wait3A_235 = tpu.memref_slice %arg2[%dma_wait3A_233, %dma_wait3A_234] : memref<200x16384xi32, #tpu.memory_space<hbm>> -> memref<1x2048xi32, #tpu.memory_space<hbm>>
    %dma_wait3A_236 = tpu.memref_squeeze %dma_wait3A_235 : memref<1x2048xi32, #tpu.memory_space<hbm>> -> memref<2048xi32, #tpu.memory_space<hbm>>
    %dma_wait3A_237 = arith.constant 0 : i32
    %dma_wait3A_238 = tpu.memref_slice %arg2[%dma_wait3A_233, %dma_wait3A_237] : memref<200x16384xi32, #tpu.memory_space<hbm>> -> memref<1x2048xi32, #tpu.memory_space<hbm>>
    %dma_wait3A_239 = tpu.memref_squeeze %dma_wait3A_238 : memref<1x2048xi32, #tpu.memory_space<hbm>> -> memref<2048xi32, #tpu.memory_space<hbm>>
    tpu.wait_dma2 semaphore(%arg11 : memref<!tpu.dma_semaphore, #tpu.memory_space<semaphore_mem>>) src(%dma_wait3A_239 : memref<2048xi32, #tpu.memory_space<hbm>>) dst(%arg7 : memref<2048xi32, #tpu.memory_space<vmem>>)
    %add3A_240 = arith.constant 1 : i32
    %add3A_241 = arith.constant 1 : i32
    %add3A_242 = arith.addi %add3A_240, %add3A_241 : i32
    %lt3A_243 = arith.constant 50 : i32
    %lt3A_244 = arith.cmpi slt, %add3A_242, %lt3A_243 : i32
    %convert_element_type3A_245 = arith.extui %lt3A_244 : i1 to i32
    %cond3A_246 = arith.constant 1 : i32
    %cond3A_247 = arith.constant 0 : i32
    %cond3A_248 = arith.cmpi ne, %convert_element_type3A_245, %cond3A_247 : i32
    scf.if %cond3A_248 {
      %add3A_484 = arith.constant 1 : i32
      %add3A_485 = arith.addi %cond3A_246, %add3A_484 : i32
      %add3A_486 = arith.addi %mul3A_2, %add3A_485 : i32
      %shift_right_logical3A_487 = arith.constant 3 : i32
      %shift_right_logical3A_488 = arith.shrui %add3A_486, %shift_right_logical3A_487 : i32
      %and3A_489 = arith.constant 7 : i32
      %and3A_490 = arith.andi %add3A_486, %and3A_489 : i32
      %mul3A_491 = arith.constant 2048 : i32
      %mul3A_492 = arith.muli %and3A_490, %mul3A_491 : i32
      %dma_start3A_493 = tpu.memref_slice %arg2[%shift_right_logical3A_488, %mul3A_492] : memref<200x16384xi32, #tpu.memory_space<hbm>> -> memref<1x2048xi32, #tpu.memory_space<hbm>>
      %dma_start3A_494 = tpu.memref_squeeze %dma_start3A_493 : memref<1x2048xi32, #tpu.memory_space<hbm>> -> memref<2048xi32, #tpu.memory_space<hbm>>
      %dma_start3A_495 = tpu.memref_slice %arg2[%shift_right_logical3A_488, %mul3A_492] : memref<200x16384xi32, #tpu.memory_space<hbm>> -> memref<1x2048xi32, #tpu.memory_space<hbm>>
      %dma_start3A_496 = tpu.memref_squeeze %dma_start3A_495 : memref<1x2048xi32, #tpu.memory_space<hbm>> -> memref<2048xi32, #tpu.memory_space<hbm>>
      tpu.enqueue_dma source(%dma_start3A_496 : memref<2048xi32, #tpu.memory_space<hbm>>) target(%arg6 : memref<2048xi32, #tpu.memory_space<vmem>>) target_semaphore(%arg10 : memref<!tpu.dma_semaphore, #tpu.memory_space<semaphore_mem>>)
    } else {
    }
    %broadcast_in_dim3A_249 = arith.constant 0 : i32
    %broadcast_in_dim3A_250 = vector.broadcast %broadcast_in_dim3A_249 : i32 to vector<16xi32>
    %gather3A_251 = tpu.vector_load_idx %arg5[%broadcast_in_dim3A_250] : memref<64xf32, #tpu.memory_space<vmem>>[vector<16xi32>], vector<16xf32>,
    %broadcast_in_dim3A_252 = arith.constant 1 : i32
    %broadcast_in_dim3A_253 = vector.broadcast %broadcast_in_dim3A_252 : i32 to vector<16xi32>
    %gather3A_254 = tpu.vector_load_idx %arg5[%broadcast_in_dim3A_253] : memref<64xf32, #tpu.memory_space<vmem>>[vector<16xi32>], vector<16xf32>,
    %broadcast_in_dim3A_255 = arith.constant 2 : i32
    %broadcast_in_dim3A_256 = vector.broadcast %broadcast_in_dim3A_255 : i32 to vector<16xi32>
    %gather3A_257 = tpu.vector_load_idx %arg5[%broadcast_in_dim3A_256] : memref<64xf32, #tpu.memory_space<vmem>>[vector<16xi32>], vector<16xf32>,
    %broadcast_in_dim3A_258 = arith.constant 3 : i32
    %broadcast_in_dim3A_259 = vector.broadcast %broadcast_in_dim3A_258 : i32 to vector<16xi32>
    %gather3A_260 = tpu.vector_load_idx %arg5[%broadcast_in_dim3A_259] : memref<64xf32, #tpu.memory_space<vmem>>[vector<16xi32>], vector<16xf32>,
    %broadcast_in_dim3A_261 = arith.constant 4 : i32
    %broadcast_in_dim3A_262 = vector.broadcast %broadcast_in_dim3A_261 : i32 to vector<16xi32>
    %gather3A_263 = tpu.vector_load_idx %arg5[%broadcast_in_dim3A_262] : memref<64xf32, #tpu.memory_space<vmem>>[vector<16xi32>], vector<16xf32>,
    %broadcast_in_dim3A_264 = arith.constant 5 : i32
    %broadcast_in_dim3A_265 = vector.broadcast %broadcast_in_dim3A_264 : i32 to vector<16xi32>
    %gather3A_266 = tpu.vector_load_idx %arg5[%broadcast_in_dim3A_265] : memref<64xf32, #tpu.memory_space<vmem>>[vector<16xi32>], vector<16xf32>,
    %broadcast_in_dim3A_267 = arith.constant 6 : i32
    %broadcast_in_dim3A_268 = vector.broadcast %broadcast_in_dim3A_267 : i32 to vector<16xi32>
    %gather3A_269 = tpu.vector_load_idx %arg5[%broadcast_in_dim3A_268] : memref<64xf32, #tpu.memory_space<vmem>>[vector<16xi32>], vector<16xf32>,
    %broadcast_in_dim3A_270 = arith.constant 7 : i32
    %broadcast_in_dim3A_271 = vector.broadcast %broadcast_in_dim3A_270 : i32 to vector<16xi32>
    %gather3A_272 = tpu.vector_load_idx %arg5[%broadcast_in_dim3A_271] : memref<64xf32, #tpu.memory_space<vmem>>[vector<16xi32>], vector<16xf32>,
    %broadcast_in_dim3A_273 = arith.constant 16 : i32
    %broadcast_in_dim3A_274 = vector.broadcast %broadcast_in_dim3A_273 : i32 to vector<16xi32>
    %gather3A_275 = tpu.vector_load_idx %arg5[%broadcast_in_dim3A_274] : memref<64xf32, #tpu.memory_space<vmem>>[vector<16xi32>], vector<16xf32>,
    %broadcast_in_dim3A_276 = arith.constant 17 : i32
    %broadcast_in_dim3A_277 = vector.broadcast %broadcast_in_dim3A_276 : i32 to vector<16xi32>
    %gather3A_278 = tpu.vector_load_idx %arg5[%broadcast_in_dim3A_277] : memref<64xf32, #tpu.memory_space<vmem>>[vector<16xi32>], vector<16xf32>,
    %broadcast_in_dim3A_279 = arith.constant 18 : i32
    %broadcast_in_dim3A_280 = vector.broadcast %broadcast_in_dim3A_279 : i32 to vector<16xi32>
    %gather3A_281 = tpu.vector_load_idx %arg5[%broadcast_in_dim3A_280] : memref<64xf32, #tpu.memory_space<vmem>>[vector<16xi32>], vector<16xf32>,
    %broadcast_in_dim3A_282 = arith.constant 19 : i32
    %broadcast_in_dim3A_283 = vector.broadcast %broadcast_in_dim3A_282 : i32 to vector<16xi32>
    %gather3A_284 = tpu.vector_load_idx %arg5[%broadcast_in_dim3A_283] : memref<64xf32, #tpu.memory_space<vmem>>[vector<16xi32>], vector<16xf32>,
    %broadcast_in_dim3A_285 = arith.constant 20 : i32
    %broadcast_in_dim3A_286 = vector.broadcast %broadcast_in_dim3A_285 : i32 to vector<16xi32>
    %gather3A_287 = tpu.vector_load_idx %arg5[%broadcast_in_dim3A_286] : memref<64xf32, #tpu.memory_space<vmem>>[vector<16xi32>], vector<16xf32>,
    %broadcast_in_dim3A_288 = arith.constant 21 : i32
    %broadcast_in_dim3A_289 = vector.broadcast %broadcast_in_dim3A_288 : i32 to vector<16xi32>
    %gather3A_290 = tpu.vector_load_idx %arg5[%broadcast_in_dim3A_289] : memref<64xf32, #tpu.memory_space<vmem>>[vector<16xi32>], vector<16xf32>,
    %broadcast_in_dim3A_291 = arith.constant 22 : i32
    %broadcast_in_dim3A_292 = vector.broadcast %broadcast_in_dim3A_291 : i32 to vector<16xi32>
    %gather3A_293 = tpu.vector_load_idx %arg5[%broadcast_in_dim3A_292] : memref<64xf32, #tpu.memory_space<vmem>>[vector<16xi32>], vector<16xf32>,
    %broadcast_in_dim3A_294 = arith.constant 23 : i32
    %broadcast_in_dim3A_295 = vector.broadcast %broadcast_in_dim3A_294 : i32 to vector<16xi32>
    %gather3A_296 = tpu.vector_load_idx %arg5[%broadcast_in_dim3A_295] : memref<64xf32, #tpu.memory_space<vmem>>[vector<16xi32>], vector<16xf32>,
    %broadcast_in_dim3A_297 = arith.constant 32 : i32
    %broadcast_in_dim3A_298 = vector.broadcast %broadcast_in_dim3A_297 : i32 to vector<16xi32>
    %gather3A_299 = tpu.vector_load_idx %arg5[%broadcast_in_dim3A_298] : memref<64xf32, #tpu.memory_space<vmem>>[vector<16xi32>], vector<16xf32>,
    %broadcast_in_dim3A_300 = arith.constant 33 : i32
    %broadcast_in_dim3A_301 = vector.broadcast %broadcast_in_dim3A_300 : i32 to vector<16xi32>
    %gather3A_302 = tpu.vector_load_idx %arg5[%broadcast_in_dim3A_301] : memref<64xf32, #tpu.memory_space<vmem>>[vector<16xi32>], vector<16xf32>,
    %broadcast_in_dim3A_303 = arith.constant 34 : i32
    %broadcast_in_dim3A_304 = vector.broadcast %broadcast_in_dim3A_303 : i32 to vector<16xi32>
    %gather3A_305 = tpu.vector_load_idx %arg5[%broadcast_in_dim3A_304] : memref<64xf32, #tpu.memory_space<vmem>>[vector<16xi32>], vector<16xf32>,
    %broadcast_in_dim3A_306 = arith.constant 35 : i32
    %broadcast_in_dim3A_307 = vector.broadcast %broadcast_in_dim3A_306 : i32 to vector<16xi32>
    %gather3A_308 = tpu.vector_load_idx %arg5[%broadcast_in_dim3A_307] : memref<64xf32, #tpu.memory_space<vmem>>[vector<16xi32>], vector<16xf32>,
    %broadcast_in_dim3A_309 = arith.constant 36 : i32
    %broadcast_in_dim3A_310 = vector.broadcast %broadcast_in_dim3A_309 : i32 to vector<16xi32>
    %gather3A_311 = tpu.vector_load_idx %arg5[%broadcast_in_dim3A_310] : memref<64xf32, #tpu.memory_space<vmem>>[vector<16xi32>], vector<16xf32>,
    %broadcast_in_dim3A_312 = arith.constant 37 : i32
    %broadcast_in_dim3A_313 = vector.broadcast %broadcast_in_dim3A_312 : i32 to vector<16xi32>
    %gather3A_314 = tpu.vector_load_idx %arg5[%broadcast_in_dim3A_313] : memref<64xf32, #tpu.memory_space<vmem>>[vector<16xi32>], vector<16xf32>,
    %broadcast_in_dim3A_315 = arith.constant 38 : i32
    %broadcast_in_dim3A_316 = vector.broadcast %broadcast_in_dim3A_315 : i32 to vector<16xi32>
    %gather3A_317 = tpu.vector_load_idx %arg5[%broadcast_in_dim3A_316] : memref<64xf32, #tpu.memory_space<vmem>>[vector<16xi32>], vector<16xf32>,
    %broadcast_in_dim3A_318 = arith.constant 39 : i32
    %broadcast_in_dim3A_319 = vector.broadcast %broadcast_in_dim3A_318 : i32 to vector<16xi32>
    %gather3A_320 = tpu.vector_load_idx %arg5[%broadcast_in_dim3A_319] : memref<64xf32, #tpu.memory_space<vmem>>[vector<16xi32>], vector<16xf32>,
    %broadcast_in_dim3A_321 = arith.constant 48 : i32
    %broadcast_in_dim3A_322 = vector.broadcast %broadcast_in_dim3A_321 : i32 to vector<16xi32>
    %gather3A_323 = tpu.vector_load_idx %arg5[%broadcast_in_dim3A_322] : memref<64xf32, #tpu.memory_space<vmem>>[vector<16xi32>], vector<16xf32>,
    %broadcast_in_dim3A_324 = arith.constant 49 : i32
    %broadcast_in_dim3A_325 = vector.broadcast %broadcast_in_dim3A_324 : i32 to vector<16xi32>
    %gather3A_326 = tpu.vector_load_idx %arg5[%broadcast_in_dim3A_325] : memref<64xf32, #tpu.memory_space<vmem>>[vector<16xi32>], vector<16xf32>,
    %broadcast_in_dim3A_327 = arith.constant 50 : i32
    %broadcast_in_dim3A_328 = vector.broadcast %broadcast_in_dim3A_327 : i32 to vector<16xi32>
    %gather3A_329 = tpu.vector_load_idx %arg5[%broadcast_in_dim3A_328] : memref<64xf32, #tpu.memory_space<vmem>>[vector<16xi32>], vector<16xf32>,
    %broadcast_in_dim3A_330 = arith.constant 51 : i32
    %broadcast_in_dim3A_331 = vector.broadcast %broadcast_in_dim3A_330 : i32 to vector<16xi32>
    %gather3A_332 = tpu.vector_load_idx %arg5[%broadcast_in_dim3A_331] : memref<64xf32, #tpu.memory_space<vmem>>[vector<16xi32>], vector<16xf32>,
    %broadcast_in_dim3A_333 = arith.constant 52 : i32
    %broadcast_in_dim3A_334 = vector.broadcast %broadcast_in_dim3A_333 : i32 to vector<16xi32>
    %gather3A_335 = tpu.vector_load_idx %arg5[%broadcast_in_dim3A_334] : memref<64xf32, #tpu.memory_space<vmem>>[vector<16xi32>], vector<16xf32>,
    %broadcast_in_dim3A_336 = arith.constant 53 : i32
    %broadcast_in_dim3A_337 = vector.broadcast %broadcast_in_dim3A_336 : i32 to vector<16xi32>
    %gather3A_338 = tpu.vector_load_idx %arg5[%broadcast_in_dim3A_337] : memref<64xf32, #tpu.memory_space<vmem>>[vector<16xi32>], vector<16xf32>,
    %broadcast_in_dim3A_339 = arith.constant 54 : i32
    %broadcast_in_dim3A_340 = vector.broadcast %broadcast_in_dim3A_339 : i32 to vector<16xi32>
    %gather3A_341 = tpu.vector_load_idx %arg5[%broadcast_in_dim3A_340] : memref<64xf32, #tpu.memory_space<vmem>>[vector<16xi32>], vector<16xf32>,
    %broadcast_in_dim3A_342 = arith.constant 55 : i32
    %broadcast_in_dim3A_343 = vector.broadcast %broadcast_in_dim3A_342 : i32 to vector<16xi32>
    %gather3A_344 = tpu.vector_load_idx %arg5[%broadcast_in_dim3A_343] : memref<64xf32, #tpu.memory_space<vmem>>[vector<16xi32>], vector<16xf32>,
    %parallel_loop3A_345 = arith.constant 0 : i32
    %parallel_loop3A_346 = arith.constant 128 : i32
    %parallel_loop3A_347 = arith.constant 1 : i32
    scf.for %parallel_loop3A_484 = %parallel_loop3A_345 to %parallel_loop3A_346 step %parallel_loop3A_347  : i32 {
      %parallel_loop3A_485 = arith.constant 16 : i32
      %parallel_loop3A_486 = arith.muli %parallel_loop3A_484, %parallel_loop3A_485 : i32
      %parallel_loop3A_487 = arith.index_cast %parallel_loop3A_486 : i32 to index
      %parallel_loop3A_488 = tpu.vector_load %arg7[%parallel_loop3A_487] {strides = array<i32>} : memref<2048xi32, #tpu.memory_space<vmem>>, vector<16xi32>,
      %parallel_loop3A_489 = arith.constant 1 : i32
      %parallel_loop3A_490 = vector.broadcast %parallel_loop3A_489 : i32 to vector<16xi32>
      %parallel_loop3A_491 = arith.andi %parallel_loop3A_488, %parallel_loop3A_490 : vector<16xi32>
      %parallel_loop3A_492 = arith.constant 0 : i32
      %parallel_loop3A_493 = vector.broadcast %parallel_loop3A_492 : i32 to vector<16xi32>
      %parallel_loop3A_494 = arith.cmpi ne, %parallel_loop3A_491, %parallel_loop3A_493 : vector<16xi32>
      %parallel_loop3A_495 = arith.constant 2 : i32
      %parallel_loop3A_496 = vector.broadcast %parallel_loop3A_495 : i32 to vector<16xi32>
      %parallel_loop3A_497 = arith.andi %parallel_loop3A_488, %parallel_loop3A_496 : vector<16xi32>
      %parallel_loop3A_498 = arith.constant 0 : i32
      %parallel_loop3A_499 = vector.broadcast %parallel_loop3A_498 : i32 to vector<16xi32>
      %parallel_loop3A_500 = arith.cmpi ne, %parallel_loop3A_497, %parallel_loop3A_499 : vector<16xi32>
      %parallel_loop3A_501 = arith.select %parallel_loop3A_494, %gather3A_275, %gather3A_251 : vector<16xi1>, vector<16xf32>
      %parallel_loop3A_502 = arith.select %parallel_loop3A_494, %gather3A_323, %gather3A_299 : vector<16xi1>, vector<16xf32>
      %parallel_loop3A_503 = arith.select %parallel_loop3A_500, %parallel_loop3A_502, %parallel_loop3A_501 : vector<16xi1>, vector<16xf32>
      %parallel_loop3A_504 = arith.constant 16 : i32
      %parallel_loop3A_505 = arith.muli %parallel_loop3A_484, %parallel_loop3A_504 : i32
      %parallel_loop3A_506 = arith.constant 0 : i32
      %parallel_loop3A_507 = arith.index_cast %parallel_loop3A_506 : i32 to index
      %parallel_loop3A_508 = arith.index_cast %parallel_loop3A_505 : i32 to index
      %parallel_loop3A_509 = tpu.vector_load %arg9[%parallel_loop3A_507, %parallel_loop3A_508] {strides = array<i32>} : memref<16x2048xf32, #tpu.memory_space<vmem>>, vector<16xf32>,
      tpu.vector_store %arg9[%parallel_loop3A_507, %parallel_loop3A_508], %parallel_loop3A_503 {strides = array<i32>} : memref<16x2048xf32, #tpu.memory_space<vmem>>, vector<16xf32>,
      %parallel_loop3A_510 = arith.select %parallel_loop3A_494, %gather3A_278, %gather3A_254 : vector<16xi1>, vector<16xf32>
      %parallel_loop3A_511 = arith.select %parallel_loop3A_494, %gather3A_326, %gather3A_302 : vector<16xi1>, vector<16xf32>
      %parallel_loop3A_512 = arith.select %parallel_loop3A_500, %parallel_loop3A_511, %parallel_loop3A_510 : vector<16xi1>, vector<16xf32>
      %parallel_loop3A_513 = arith.constant 16 : i32
      %parallel_loop3A_514 = arith.muli %parallel_loop3A_484, %parallel_loop3A_513 : i32
      %parallel_loop3A_515 = arith.constant 1 : i32
      %parallel_loop3A_516 = arith.index_cast %parallel_loop3A_515 : i32 to index
      %parallel_loop3A_517 = arith.index_cast %parallel_loop3A_514 : i32 to index
      %parallel_loop3A_518 = tpu.vector_load %arg9[%parallel_loop3A_516, %parallel_loop3A_517] {strides = array<i32>} : memref<16x2048xf32, #tpu.memory_space<vmem>>, vector<16xf32>,
      tpu.vector_store %arg9[%parallel_loop3A_516, %parallel_loop3A_517], %parallel_loop3A_512 {strides = array<i32>} : memref<16x2048xf32, #tpu.memory_space<vmem>>, vector<16xf32>,
      %parallel_loop3A_519 = arith.select %parallel_loop3A_494, %gather3A_281, %gather3A_257 : vector<16xi1>, vector<16xf32>
      %parallel_loop3A_520 = arith.select %parallel_loop3A_494, %gather3A_329, %gather3A_305 : vector<16xi1>, vector<16xf32>
      %parallel_loop3A_521 = arith.select %parallel_loop3A_500, %parallel_loop3A_520, %parallel_loop3A_519 : vector<16xi1>, vector<16xf32>
      %parallel_loop3A_522 = arith.constant 16 : i32
      %parallel_loop3A_523 = arith.muli %parallel_loop3A_484, %parallel_loop3A_522 : i32
      %parallel_loop3A_524 = arith.constant 2 : i32
      %parallel_loop3A_525 = arith.index_cast %parallel_loop3A_524 : i32 to index
      %parallel_loop3A_526 = arith.index_cast %parallel_loop3A_523 : i32 to index
      %parallel_loop3A_527 = tpu.vector_load %arg9[%parallel_loop3A_525, %parallel_loop3A_526] {strides = array<i32>} : memref<16x2048xf32, #tpu.memory_space<vmem>>, vector<16xf32>,
      tpu.vector_store %arg9[%parallel_loop3A_525, %parallel_loop3A_526], %parallel_loop3A_521 {strides = array<i32>} : memref<16x2048xf32, #tpu.memory_space<vmem>>, vector<16xf32>,
      %parallel_loop3A_528 = arith.select %parallel_loop3A_494, %gather3A_284, %gather3A_260 : vector<16xi1>, vector<16xf32>
      %parallel_loop3A_529 = arith.select %parallel_loop3A_494, %gather3A_332, %gather3A_308 : vector<16xi1>, vector<16xf32>
      %parallel_loop3A_530 = arith.select %parallel_loop3A_500, %parallel_loop3A_529, %parallel_loop3A_528 : vector<16xi1>, vector<16xf32>
      %parallel_loop3A_531 = arith.constant 16 : i32
      %parallel_loop3A_532 = arith.muli %parallel_loop3A_484, %parallel_loop3A_531 : i32
      %parallel_loop3A_533 = arith.constant 3 : i32
      %parallel_loop3A_534 = arith.index_cast %parallel_loop3A_533 : i32 to index
      %parallel_loop3A_535 = arith.index_cast %parallel_loop3A_532 : i32 to index
      %parallel_loop3A_536 = tpu.vector_load %arg9[%parallel_loop3A_534, %parallel_loop3A_535] {strides = array<i32>} : memref<16x2048xf32, #tpu.memory_space<vmem>>, vector<16xf32>,
      tpu.vector_store %arg9[%parallel_loop3A_534, %parallel_loop3A_535], %parallel_loop3A_530 {strides = array<i32>} : memref<16x2048xf32, #tpu.memory_space<vmem>>, vector<16xf32>,
      %parallel_loop3A_537 = arith.select %parallel_loop3A_494, %gather3A_287, %gather3A_263 : vector<16xi1>, vector<16xf32>
      %parallel_loop3A_538 = arith.select %parallel_loop3A_494, %gather3A_335, %gather3A_311 : vector<16xi1>, vector<16xf32>
      %parallel_loop3A_539 = arith.select %parallel_loop3A_500, %parallel_loop3A_538, %parallel_loop3A_537 : vector<16xi1>, vector<16xf32>
      %parallel_loop3A_540 = arith.constant 16 : i32
      %parallel_loop3A_541 = arith.muli %parallel_loop3A_484, %parallel_loop3A_540 : i32
      %parallel_loop3A_542 = arith.constant 4 : i32
      %parallel_loop3A_543 = arith.index_cast %parallel_loop3A_542 : i32 to index
      %parallel_loop3A_544 = arith.index_cast %parallel_loop3A_541 : i32 to index
      %parallel_loop3A_545 = tpu.vector_load %arg9[%parallel_loop3A_543, %parallel_loop3A_544] {strides = array<i32>} : memref<16x2048xf32, #tpu.memory_space<vmem>>, vector<16xf32>,
      tpu.vector_store %arg9[%parallel_loop3A_543, %parallel_loop3A_544], %parallel_loop3A_539 {strides = array<i32>} : memref<16x2048xf32, #tpu.memory_space<vmem>>, vector<16xf32>,
      %parallel_loop3A_546 = arith.select %parallel_loop3A_494, %gather3A_290, %gather3A_266 : vector<16xi1>, vector<16xf32>
      %parallel_loop3A_547 = arith.select %parallel_loop3A_494, %gather3A_338, %gather3A_314 : vector<16xi1>, vector<16xf32>
      %parallel_loop3A_548 = arith.select %parallel_loop3A_500, %parallel_loop3A_547, %parallel_loop3A_546 : vector<16xi1>, vector<16xf32>
      %parallel_loop3A_549 = arith.constant 16 : i32
      %parallel_loop3A_550 = arith.muli %parallel_loop3A_484, %parallel_loop3A_549 : i32
      %parallel_loop3A_551 = arith.constant 5 : i32
      %parallel_loop3A_552 = arith.index_cast %parallel_loop3A_551 : i32 to index
      %parallel_loop3A_553 = arith.index_cast %parallel_loop3A_550 : i32 to index
      %parallel_loop3A_554 = tpu.vector_load %arg9[%parallel_loop3A_552, %parallel_loop3A_553] {strides = array<i32>} : memref<16x2048xf32, #tpu.memory_space<vmem>>, vector<16xf32>,
      tpu.vector_store %arg9[%parallel_loop3A_552, %parallel_loop3A_553], %parallel_loop3A_548 {strides = array<i32>} : memref<16x2048xf32, #tpu.memory_space<vmem>>, vector<16xf32>,
      %parallel_loop3A_555 = arith.select %parallel_loop3A_494, %gather3A_293, %gather3A_269 : vector<16xi1>, vector<16xf32>
      %parallel_loop3A_556 = arith.select %parallel_loop3A_494, %gather3A_341, %gather3A_317 : vector<16xi1>, vector<16xf32>
      %parallel_loop3A_557 = arith.select %parallel_loop3A_500, %parallel_loop3A_556, %parallel_loop3A_555 : vector<16xi1>, vector<16xf32>
      %parallel_loop3A_558 = arith.constant 16 : i32
      %parallel_loop3A_559 = arith.muli %parallel_loop3A_484, %parallel_loop3A_558 : i32
      %parallel_loop3A_560 = arith.constant 6 : i32
      %parallel_loop3A_561 = arith.index_cast %parallel_loop3A_560 : i32 to index
      %parallel_loop3A_562 = arith.index_cast %parallel_loop3A_559 : i32 to index
      %parallel_loop3A_563 = tpu.vector_load %arg9[%parallel_loop3A_561, %parallel_loop3A_562] {strides = array<i32>} : memref<16x2048xf32, #tpu.memory_space<vmem>>, vector<16xf32>,
      tpu.vector_store %arg9[%parallel_loop3A_561, %parallel_loop3A_562], %parallel_loop3A_557 {strides = array<i32>} : memref<16x2048xf32, #tpu.memory_space<vmem>>, vector<16xf32>,
      %parallel_loop3A_564 = arith.select %parallel_loop3A_494, %gather3A_296, %gather3A_272 : vector<16xi1>, vector<16xf32>
      %parallel_loop3A_565 = arith.select %parallel_loop3A_494, %gather3A_344, %gather3A_320 : vector<16xi1>, vector<16xf32>
      %parallel_loop3A_566 = arith.select %parallel_loop3A_500, %parallel_loop3A_565, %parallel_loop3A_564 : vector<16xi1>, vector<16xf32>
      %parallel_loop3A_567 = arith.constant 16 : i32
      %parallel_loop3A_568 = arith.muli %parallel_loop3A_484, %parallel_loop3A_567 : i32
      %parallel_loop3A_569 = arith.constant 7 : i32
      %parallel_loop3A_570 = arith.index_cast %parallel_loop3A_569 : i32 to index
      %parallel_loop3A_571 = arith.index_cast %parallel_loop3A_568 : i32 to index
      %parallel_loop3A_572 = tpu.vector_load %arg9[%parallel_loop3A_570, %parallel_loop3A_571] {strides = array<i32>} : memref<16x2048xf32, #tpu.memory_space<vmem>>, vector<16xf32>,
      tpu.vector_store %arg9[%parallel_loop3A_570, %parallel_loop3A_571], %parallel_loop3A_566 {strides = array<i32>} : memref<16x2048xf32, #tpu.memory_space<vmem>>, vector<16xf32>,
    } {sc.loop_unroll_factor = 2 : i64, sc.parallel_access}
    %broadcast_in_dim3A_348 = arith.constant 8 : i32
    %broadcast_in_dim3A_349 = vector.broadcast %broadcast_in_dim3A_348 : i32 to vector<16xi32>
    %gather3A_350 = tpu.vector_load_idx %arg5[%broadcast_in_dim3A_349] : memref<64xf32, #tpu.memory_space<vmem>>[vector<16xi32>], vector<16xf32>,
    %broadcast_in_dim3A_351 = arith.constant 9 : i32
    %broadcast_in_dim3A_352 = vector.broadcast %broadcast_in_dim3A_351 : i32 to vector<16xi32>
    %gather3A_353 = tpu.vector_load_idx %arg5[%broadcast_in_dim3A_352] : memref<64xf32, #tpu.memory_space<vmem>>[vector<16xi32>], vector<16xf32>,
    %broadcast_in_dim3A_354 = arith.constant 10 : i32
    %broadcast_in_dim3A_355 = vector.broadcast %broadcast_in_dim3A_354 : i32 to vector<16xi32>
    %gather3A_356 = tpu.vector_load_idx %arg5[%broadcast_in_dim3A_355] : memref<64xf32, #tpu.memory_space<vmem>>[vector<16xi32>], vector<16xf32>,
    %broadcast_in_dim3A_357 = arith.constant 11 : i32
    %broadcast_in_dim3A_358 = vector.broadcast %broadcast_in_dim3A_357 : i32 to vector<16xi32>
    %gather3A_359 = tpu.vector_load_idx %arg5[%broadcast_in_dim3A_358] : memref<64xf32, #tpu.memory_space<vmem>>[vector<16xi32>], vector<16xf32>,
    %broadcast_in_dim3A_360 = arith.constant 12 : i32
    %broadcast_in_dim3A_361 = vector.broadcast %broadcast_in_dim3A_360 : i32 to vector<16xi32>
    %gather3A_362 = tpu.vector_load_idx %arg5[%broadcast_in_dim3A_361] : memref<64xf32, #tpu.memory_space<vmem>>[vector<16xi32>], vector<16xf32>,
    %broadcast_in_dim3A_363 = arith.constant 13 : i32
    %broadcast_in_dim3A_364 = vector.broadcast %broadcast_in_dim3A_363 : i32 to vector<16xi32>
    %gather3A_365 = tpu.vector_load_idx %arg5[%broadcast_in_dim3A_364] : memref<64xf32, #tpu.memory_space<vmem>>[vector<16xi32>], vector<16xf32>,
    %broadcast_in_dim3A_366 = arith.constant 14 : i32
    %broadcast_in_dim3A_367 = vector.broadcast %broadcast_in_dim3A_366 : i32 to vector<16xi32>
    %gather3A_368 = tpu.vector_load_idx %arg5[%broadcast_in_dim3A_367] : memref<64xf32, #tpu.memory_space<vmem>>[vector<16xi32>], vector<16xf32>,
    %broadcast_in_dim3A_369 = arith.constant 15 : i32
    %broadcast_in_dim3A_370 = vector.broadcast %broadcast_in_dim3A_369 : i32 to vector<16xi32>
    %gather3A_371 = tpu.vector_load_idx %arg5[%broadcast_in_dim3A_370] : memref<64xf32, #tpu.memory_space<vmem>>[vector<16xi32>], vector<16xf32>,
    %broadcast_in_dim3A_372 = arith.constant 24 : i32
    %broadcast_in_dim3A_373 = vector.broadcast %broadcast_in_dim3A_372 : i32 to vector<16xi32>
    %gather3A_374 = tpu.vector_load_idx %arg5[%broadcast_in_dim3A_373] : memref<64xf32, #tpu.memory_space<vmem>>[vector<16xi32>], vector<16xf32>,
    %broadcast_in_dim3A_375 = arith.constant 25 : i32
    %broadcast_in_dim3A_376 = vector.broadcast %broadcast_in_dim3A_375 : i32 to vector<16xi32>
    %gather3A_377 = tpu.vector_load_idx %arg5[%broadcast_in_dim3A_376] : memref<64xf32, #tpu.memory_space<vmem>>[vector<16xi32>], vector<16xf32>,
    %broadcast_in_dim3A_378 = arith.constant 26 : i32
    %broadcast_in_dim3A_379 = vector.broadcast %broadcast_in_dim3A_378 : i32 to vector<16xi32>
    %gather3A_380 = tpu.vector_load_idx %arg5[%broadcast_in_dim3A_379] : memref<64xf32, #tpu.memory_space<vmem>>[vector<16xi32>], vector<16xf32>,
    %broadcast_in_dim3A_381 = arith.constant 27 : i32
    %broadcast_in_dim3A_382 = vector.broadcast %broadcast_in_dim3A_381 : i32 to vector<16xi32>
    %gather3A_383 = tpu.vector_load_idx %arg5[%broadcast_in_dim3A_382] : memref<64xf32, #tpu.memory_space<vmem>>[vector<16xi32>], vector<16xf32>,
    %broadcast_in_dim3A_384 = arith.constant 28 : i32
    %broadcast_in_dim3A_385 = vector.broadcast %broadcast_in_dim3A_384 : i32 to vector<16xi32>
    %gather3A_386 = tpu.vector_load_idx %arg5[%broadcast_in_dim3A_385] : memref<64xf32, #tpu.memory_space<vmem>>[vector<16xi32>], vector<16xf32>,
    %broadcast_in_dim3A_387 = arith.constant 29 : i32
    %broadcast_in_dim3A_388 = vector.broadcast %broadcast_in_dim3A_387 : i32 to vector<16xi32>
    %gather3A_389 = tpu.vector_load_idx %arg5[%broadcast_in_dim3A_388] : memref<64xf32, #tpu.memory_space<vmem>>[vector<16xi32>], vector<16xf32>,
    %broadcast_in_dim3A_390 = arith.constant 30 : i32
    %broadcast_in_dim3A_391 = vector.broadcast %broadcast_in_dim3A_390 : i32 to vector<16xi32>
    %gather3A_392 = tpu.vector_load_idx %arg5[%broadcast_in_dim3A_391] : memref<64xf32, #tpu.memory_space<vmem>>[vector<16xi32>], vector<16xf32>,
    %broadcast_in_dim3A_393 = arith.constant 31 : i32
    %broadcast_in_dim3A_394 = vector.broadcast %broadcast_in_dim3A_393 : i32 to vector<16xi32>
    %gather3A_395 = tpu.vector_load_idx %arg5[%broadcast_in_dim3A_394] : memref<64xf32, #tpu.memory_space<vmem>>[vector<16xi32>], vector<16xf32>,
    %broadcast_in_dim3A_396 = arith.constant 40 : i32
    %broadcast_in_dim3A_397 = vector.broadcast %broadcast_in_dim3A_396 : i32 to vector<16xi32>
    %gather3A_398 = tpu.vector_load_idx %arg5[%broadcast_in_dim3A_397] : memref<64xf32, #tpu.memory_space<vmem>>[vector<16xi32>], vector<16xf32>,
    %broadcast_in_dim3A_399 = arith.constant 41 : i32
    %broadcast_in_dim3A_400 = vector.broadcast %broadcast_in_dim3A_399 : i32 to vector<16xi32>
    %gather3A_401 = tpu.vector_load_idx %arg5[%broadcast_in_dim3A_400] : memref<64xf32, #tpu.memory_space<vmem>>[vector<16xi32>], vector<16xf32>,
    %broadcast_in_dim3A_402 = arith.constant 42 : i32
    %broadcast_in_dim3A_403 = vector.broadcast %broadcast_in_dim3A_402 : i32 to vector<16xi32>
    %gather3A_404 = tpu.vector_load_idx %arg5[%broadcast_in_dim3A_403] : memref<64xf32, #tpu.memory_space<vmem>>[vector<16xi32>], vector<16xf32>,
    %broadcast_in_dim3A_405 = arith.constant 43 : i32
    %broadcast_in_dim3A_406 = vector.broadcast %broadcast_in_dim3A_405 : i32 to vector<16xi32>
    %gather3A_407 = tpu.vector_load_idx %arg5[%broadcast_in_dim3A_406] : memref<64xf32, #tpu.memory_space<vmem>>[vector<16xi32>], vector<16xf32>,
    %broadcast_in_dim3A_408 = arith.constant 44 : i32
    %broadcast_in_dim3A_409 = vector.broadcast %broadcast_in_dim3A_408 : i32 to vector<16xi32>
    %gather3A_410 = tpu.vector_load_idx %arg5[%broadcast_in_dim3A_409] : memref<64xf32, #tpu.memory_space<vmem>>[vector<16xi32>], vector<16xf32>,
    %broadcast_in_dim3A_411 = arith.constant 45 : i32
    %broadcast_in_dim3A_412 = vector.broadcast %broadcast_in_dim3A_411 : i32 to vector<16xi32>
    %gather3A_413 = tpu.vector_load_idx %arg5[%broadcast_in_dim3A_412] : memref<64xf32, #tpu.memory_space<vmem>>[vector<16xi32>], vector<16xf32>,
    %broadcast_in_dim3A_414 = arith.constant 46 : i32
    %broadcast_in_dim3A_415 = vector.broadcast %broadcast_in_dim3A_414 : i32 to vector<16xi32>
    %gather3A_416 = tpu.vector_load_idx %arg5[%broadcast_in_dim3A_415] : memref<64xf32, #tpu.memory_space<vmem>>[vector<16xi32>], vector<16xf32>,
    %broadcast_in_dim3A_417 = arith.constant 47 : i32
    %broadcast_in_dim3A_418 = vector.broadcast %broadcast_in_dim3A_417 : i32 to vector<16xi32>
    %gather3A_419 = tpu.vector_load_idx %arg5[%broadcast_in_dim3A_418] : memref<64xf32, #tpu.memory_space<vmem>>[vector<16xi32>], vector<16xf32>,
    %broadcast_in_dim3A_420 = arith.constant 56 : i32
    %broadcast_in_dim3A_421 = vector.broadcast %broadcast_in_dim3A_420 : i32 to vector<16xi32>
    %gather3A_422 = tpu.vector_load_idx %arg5[%broadcast_in_dim3A_421] : memref<64xf32, #tpu.memory_space<vmem>>[vector<16xi32>], vector<16xf32>,
    %broadcast_in_dim3A_423 = arith.constant 57 : i32
    %broadcast_in_dim3A_424 = vector.broadcast %broadcast_in_dim3A_423 : i32 to vector<16xi32>
    %gather3A_425 = tpu.vector_load_idx %arg5[%broadcast_in_dim3A_424] : memref<64xf32, #tpu.memory_space<vmem>>[vector<16xi32>], vector<16xf32>,
    %broadcast_in_dim3A_426 = arith.constant 58 : i32
    %broadcast_in_dim3A_427 = vector.broadcast %broadcast_in_dim3A_426 : i32 to vector<16xi32>
    %gather3A_428 = tpu.vector_load_idx %arg5[%broadcast_in_dim3A_427] : memref<64xf32, #tpu.memory_space<vmem>>[vector<16xi32>], vector<16xf32>,
    %broadcast_in_dim3A_429 = arith.constant 59 : i32
    %broadcast_in_dim3A_430 = vector.broadcast %broadcast_in_dim3A_429 : i32 to vector<16xi32>
    %gather3A_431 = tpu.vector_load_idx %arg5[%broadcast_in_dim3A_430] : memref<64xf32, #tpu.memory_space<vmem>>[vector<16xi32>], vector<16xf32>,
    %broadcast_in_dim3A_432 = arith.constant 60 : i32
    %broadcast_in_dim3A_433 = vector.broadcast %broadcast_in_dim3A_432 : i32 to vector<16xi32>
    %gather3A_434 = tpu.vector_load_idx %arg5[%broadcast_in_dim3A_433] : memref<64xf32, #tpu.memory_space<vmem>>[vector<16xi32>], vector<16xf32>,
    %broadcast_in_dim3A_435 = arith.constant 61 : i32
    %broadcast_in_dim3A_436 = vector.broadcast %broadcast_in_dim3A_435 : i32 to vector<16xi32>
    %gather3A_437 = tpu.vector_load_idx %arg5[%broadcast_in_dim3A_436] : memref<64xf32, #tpu.memory_space<vmem>>[vector<16xi32>], vector<16xf32>,
    %broadcast_in_dim3A_438 = arith.constant 62 : i32
    %broadcast_in_dim3A_439 = vector.broadcast %broadcast_in_dim3A_438 : i32 to vector<16xi32>
    %gather3A_440 = tpu.vector_load_idx %arg5[%broadcast_in_dim3A_439] : memref<64xf32, #tpu.memory_space<vmem>>[vector<16xi32>], vector<16xf32>,
    %broadcast_in_dim3A_441 = arith.constant 63 : i32
    %broadcast_in_dim3A_442 = vector.broadcast %broadcast_in_dim3A_441 : i32 to vector<16xi32>
    %gather3A_443 = tpu.vector_load_idx %arg5[%broadcast_in_dim3A_442] : memref<64xf32, #tpu.memory_space<vmem>>[vector<16xi32>], vector<16xf32>,
    %parallel_loop3A_444 = arith.constant 0 : i32
    %parallel_loop3A_445 = arith.constant 128 : i32
    %parallel_loop3A_446 = arith.constant 1 : i32
    scf.for %parallel_loop3A_484 = %parallel_loop3A_444 to %parallel_loop3A_445 step %parallel_loop3A_446  : i32 {
      %parallel_loop3A_485 = arith.constant 16 : i32
      %parallel_loop3A_486 = arith.muli %parallel_loop3A_484, %parallel_loop3A_485 : i32
      %parallel_loop3A_487 = arith.index_cast %parallel_loop3A_486 : i32 to index
      %parallel_loop3A_488 = tpu.vector_load %arg7[%parallel_loop3A_487] {strides = array<i32>} : memref<2048xi32, #tpu.memory_space<vmem>>, vector<16xi32>,
      %parallel_loop3A_489 = arith.constant 1 : i32
      %parallel_loop3A_490 = vector.broadcast %parallel_loop3A_489 : i32 to vector<16xi32>
      %parallel_loop3A_491 = arith.andi %parallel_loop3A_488, %parallel_loop3A_490 : vector<16xi32>
      %parallel_loop3A_492 = arith.constant 0 : i32
      %parallel_loop3A_493 = vector.broadcast %parallel_loop3A_492 : i32 to vector<16xi32>
      %parallel_loop3A_494 = arith.cmpi ne, %parallel_loop3A_491, %parallel_loop3A_493 : vector<16xi32>
      %parallel_loop3A_495 = arith.constant 2 : i32
      %parallel_loop3A_496 = vector.broadcast %parallel_loop3A_495 : i32 to vector<16xi32>
      %parallel_loop3A_497 = arith.andi %parallel_loop3A_488, %parallel_loop3A_496 : vector<16xi32>
      %parallel_loop3A_498 = arith.constant 0 : i32
      %parallel_loop3A_499 = vector.broadcast %parallel_loop3A_498 : i32 to vector<16xi32>
      %parallel_loop3A_500 = arith.cmpi ne, %parallel_loop3A_497, %parallel_loop3A_499 : vector<16xi32>
      %parallel_loop3A_501 = arith.select %parallel_loop3A_494, %gather3A_374, %gather3A_350 : vector<16xi1>, vector<16xf32>
      %parallel_loop3A_502 = arith.select %parallel_loop3A_494, %gather3A_422, %gather3A_398 : vector<16xi1>, vector<16xf32>
      %parallel_loop3A_503 = arith.select %parallel_loop3A_500, %parallel_loop3A_502, %parallel_loop3A_501 : vector<16xi1>, vector<16xf32>
      %parallel_loop3A_504 = arith.constant 16 : i32
      %parallel_loop3A_505 = arith.muli %parallel_loop3A_484, %parallel_loop3A_504 : i32
      %parallel_loop3A_506 = arith.constant 8 : i32
      %parallel_loop3A_507 = arith.index_cast %parallel_loop3A_506 : i32 to index
      %parallel_loop3A_508 = arith.index_cast %parallel_loop3A_505 : i32 to index
      %parallel_loop3A_509 = tpu.vector_load %arg9[%parallel_loop3A_507, %parallel_loop3A_508] {strides = array<i32>} : memref<16x2048xf32, #tpu.memory_space<vmem>>, vector<16xf32>,
      tpu.vector_store %arg9[%parallel_loop3A_507, %parallel_loop3A_508], %parallel_loop3A_503 {strides = array<i32>} : memref<16x2048xf32, #tpu.memory_space<vmem>>, vector<16xf32>,
      %parallel_loop3A_510 = arith.select %parallel_loop3A_494, %gather3A_377, %gather3A_353 : vector<16xi1>, vector<16xf32>
      %parallel_loop3A_511 = arith.select %parallel_loop3A_494, %gather3A_425, %gather3A_401 : vector<16xi1>, vector<16xf32>
      %parallel_loop3A_512 = arith.select %parallel_loop3A_500, %parallel_loop3A_511, %parallel_loop3A_510 : vector<16xi1>, vector<16xf32>
      %parallel_loop3A_513 = arith.constant 16 : i32
      %parallel_loop3A_514 = arith.muli %parallel_loop3A_484, %parallel_loop3A_513 : i32
      %parallel_loop3A_515 = arith.constant 9 : i32
      %parallel_loop3A_516 = arith.index_cast %parallel_loop3A_515 : i32 to index
      %parallel_loop3A_517 = arith.index_cast %parallel_loop3A_514 : i32 to index
      %parallel_loop3A_518 = tpu.vector_load %arg9[%parallel_loop3A_516, %parallel_loop3A_517] {strides = array<i32>} : memref<16x2048xf32, #tpu.memory_space<vmem>>, vector<16xf32>,
      tpu.vector_store %arg9[%parallel_loop3A_516, %parallel_loop3A_517], %parallel_loop3A_512 {strides = array<i32>} : memref<16x2048xf32, #tpu.memory_space<vmem>>, vector<16xf32>,
      %parallel_loop3A_519 = arith.select %parallel_loop3A_494, %gather3A_380, %gather3A_356 : vector<16xi1>, vector<16xf32>
      %parallel_loop3A_520 = arith.select %parallel_loop3A_494, %gather3A_428, %gather3A_404 : vector<16xi1>, vector<16xf32>
      %parallel_loop3A_521 = arith.select %parallel_loop3A_500, %parallel_loop3A_520, %parallel_loop3A_519 : vector<16xi1>, vector<16xf32>
      %parallel_loop3A_522 = arith.constant 16 : i32
      %parallel_loop3A_523 = arith.muli %parallel_loop3A_484, %parallel_loop3A_522 : i32
      %parallel_loop3A_524 = arith.constant 10 : i32
      %parallel_loop3A_525 = arith.index_cast %parallel_loop3A_524 : i32 to index
      %parallel_loop3A_526 = arith.index_cast %parallel_loop3A_523 : i32 to index
      %parallel_loop3A_527 = tpu.vector_load %arg9[%parallel_loop3A_525, %parallel_loop3A_526] {strides = array<i32>} : memref<16x2048xf32, #tpu.memory_space<vmem>>, vector<16xf32>,
      tpu.vector_store %arg9[%parallel_loop3A_525, %parallel_loop3A_526], %parallel_loop3A_521 {strides = array<i32>} : memref<16x2048xf32, #tpu.memory_space<vmem>>, vector<16xf32>,
      %parallel_loop3A_528 = arith.select %parallel_loop3A_494, %gather3A_383, %gather3A_359 : vector<16xi1>, vector<16xf32>
      %parallel_loop3A_529 = arith.select %parallel_loop3A_494, %gather3A_431, %gather3A_407 : vector<16xi1>, vector<16xf32>
      %parallel_loop3A_530 = arith.select %parallel_loop3A_500, %parallel_loop3A_529, %parallel_loop3A_528 : vector<16xi1>, vector<16xf32>
      %parallel_loop3A_531 = arith.constant 16 : i32
      %parallel_loop3A_532 = arith.muli %parallel_loop3A_484, %parallel_loop3A_531 : i32
      %parallel_loop3A_533 = arith.constant 11 : i32
      %parallel_loop3A_534 = arith.index_cast %parallel_loop3A_533 : i32 to index
      %parallel_loop3A_535 = arith.index_cast %parallel_loop3A_532 : i32 to index
      %parallel_loop3A_536 = tpu.vector_load %arg9[%parallel_loop3A_534, %parallel_loop3A_535] {strides = array<i32>} : memref<16x2048xf32, #tpu.memory_space<vmem>>, vector<16xf32>,
      tpu.vector_store %arg9[%parallel_loop3A_534, %parallel_loop3A_535], %parallel_loop3A_530 {strides = array<i32>} : memref<16x2048xf32, #tpu.memory_space<vmem>>, vector<16xf32>,
      %parallel_loop3A_537 = arith.select %parallel_loop3A_494, %gather3A_386, %gather3A_362 : vector<16xi1>, vector<16xf32>
      %parallel_loop3A_538 = arith.select %parallel_loop3A_494, %gather3A_434, %gather3A_410 : vector<16xi1>, vector<16xf32>
      %parallel_loop3A_539 = arith.select %parallel_loop3A_500, %parallel_loop3A_538, %parallel_loop3A_537 : vector<16xi1>, vector<16xf32>
      %parallel_loop3A_540 = arith.constant 16 : i32
      %parallel_loop3A_541 = arith.muli %parallel_loop3A_484, %parallel_loop3A_540 : i32
      %parallel_loop3A_542 = arith.constant 12 : i32
      %parallel_loop3A_543 = arith.index_cast %parallel_loop3A_542 : i32 to index
      %parallel_loop3A_544 = arith.index_cast %parallel_loop3A_541 : i32 to index
      %parallel_loop3A_545 = tpu.vector_load %arg9[%parallel_loop3A_543, %parallel_loop3A_544] {strides = array<i32>} : memref<16x2048xf32, #tpu.memory_space<vmem>>, vector<16xf32>,
      tpu.vector_store %arg9[%parallel_loop3A_543, %parallel_loop3A_544], %parallel_loop3A_539 {strides = array<i32>} : memref<16x2048xf32, #tpu.memory_space<vmem>>, vector<16xf32>,
      %parallel_loop3A_546 = arith.select %parallel_loop3A_494, %gather3A_389, %gather3A_365 : vector<16xi1>, vector<16xf32>
      %parallel_loop3A_547 = arith.select %parallel_loop3A_494, %gather3A_437, %gather3A_413 : vector<16xi1>, vector<16xf32>
      %parallel_loop3A_548 = arith.select %parallel_loop3A_500, %parallel_loop3A_547, %parallel_loop3A_546 : vector<16xi1>, vector<16xf32>
      %parallel_loop3A_549 = arith.constant 16 : i32
      %parallel_loop3A_550 = arith.muli %parallel_loop3A_484, %parallel_loop3A_549 : i32
      %parallel_loop3A_551 = arith.constant 13 : i32
      %parallel_loop3A_552 = arith.index_cast %parallel_loop3A_551 : i32 to index
      %parallel_loop3A_553 = arith.index_cast %parallel_loop3A_550 : i32 to index
      %parallel_loop3A_554 = tpu.vector_load %arg9[%parallel_loop3A_552, %parallel_loop3A_553] {strides = array<i32>} : memref<16x2048xf32, #tpu.memory_space<vmem>>, vector<16xf32>,
      tpu.vector_store %arg9[%parallel_loop3A_552, %parallel_loop3A_553], %parallel_loop3A_548 {strides = array<i32>} : memref<16x2048xf32, #tpu.memory_space<vmem>>, vector<16xf32>,
      %parallel_loop3A_555 = arith.select %parallel_loop3A_494, %gather3A_392, %gather3A_368 : vector<16xi1>, vector<16xf32>
      %parallel_loop3A_556 = arith.select %parallel_loop3A_494, %gather3A_440, %gather3A_416 : vector<16xi1>, vector<16xf32>
      %parallel_loop3A_557 = arith.select %parallel_loop3A_500, %parallel_loop3A_556, %parallel_loop3A_555 : vector<16xi1>, vector<16xf32>
      %parallel_loop3A_558 = arith.constant 16 : i32
      %parallel_loop3A_559 = arith.muli %parallel_loop3A_484, %parallel_loop3A_558 : i32
      %parallel_loop3A_560 = arith.constant 14 : i32
      %parallel_loop3A_561 = arith.index_cast %parallel_loop3A_560 : i32 to index
      %parallel_loop3A_562 = arith.index_cast %parallel_loop3A_559 : i32 to index
      %parallel_loop3A_563 = tpu.vector_load %arg9[%parallel_loop3A_561, %parallel_loop3A_562] {strides = array<i32>} : memref<16x2048xf32, #tpu.memory_space<vmem>>, vector<16xf32>,
      tpu.vector_store %arg9[%parallel_loop3A_561, %parallel_loop3A_562], %parallel_loop3A_557 {strides = array<i32>} : memref<16x2048xf32, #tpu.memory_space<vmem>>, vector<16xf32>,
      %parallel_loop3A_564 = arith.select %parallel_loop3A_494, %gather3A_395, %gather3A_371 : vector<16xi1>, vector<16xf32>
      %parallel_loop3A_565 = arith.select %parallel_loop3A_494, %gather3A_443, %gather3A_419 : vector<16xi1>, vector<16xf32>
      %parallel_loop3A_566 = arith.select %parallel_loop3A_500, %parallel_loop3A_565, %parallel_loop3A_564 : vector<16xi1>, vector<16xf32>
      %parallel_loop3A_567 = arith.constant 16 : i32
      %parallel_loop3A_568 = arith.muli %parallel_loop3A_484, %parallel_loop3A_567 : i32
      %parallel_loop3A_569 = arith.constant 15 : i32
      %parallel_loop3A_570 = arith.index_cast %parallel_loop3A_569 : i32 to index
      %parallel_loop3A_571 = arith.index_cast %parallel_loop3A_568 : i32 to index
      %parallel_loop3A_572 = tpu.vector_load %arg9[%parallel_loop3A_570, %parallel_loop3A_571] {strides = array<i32>} : memref<16x2048xf32, #tpu.memory_space<vmem>>, vector<16xf32>,
      tpu.vector_store %arg9[%parallel_loop3A_570, %parallel_loop3A_571], %parallel_loop3A_566 {strides = array<i32>} : memref<16x2048xf32, #tpu.memory_space<vmem>>, vector<16xf32>,
    } {sc.loop_unroll_factor = 2 : i64, sc.parallel_access}
    %add3A_447 = arith.constant 1 : i32
    %add3A_448 = arith.addi %mul3A_2, %add3A_447 : i32
    %shift_right_logical3A_449 = arith.constant 3 : i32
    %shift_right_logical3A_450 = arith.shrui %add3A_448, %shift_right_logical3A_449 : i32
    %and3A_451 = arith.constant 7 : i32
    %and3A_452 = arith.andi %add3A_448, %and3A_451 : i32
    %mul3A_453 = arith.constant 2048 : i32
    %mul3A_454 = arith.muli %and3A_452, %mul3A_453 : i32
    %dma_start3A_455 = arith.constant 0 : i32
    %dma_start3A_456 = tpu.memref_slice %arg4[%shift_right_logical3A_450, %dma_start3A_455, %mul3A_454] : memref<200x16x16384xf32, #tpu.memory_space<hbm>> -> memref<1x16x2048xf32, #tpu.memory_space<hbm>>
    %dma_start3A_457 = tpu.memref_squeeze %dma_start3A_456 : memref<1x16x2048xf32, #tpu.memory_space<hbm>> -> memref<16x2048xf32, #tpu.memory_space<hbm>>
    %dma_start3A_458 = arith.constant 0 : i32
    %dma_start3A_459 = tpu.memref_slice %arg4[%shift_right_logical3A_450, %dma_start3A_458, %mul3A_454] : memref<200x16x16384xf32, #tpu.memory_space<hbm>> -> memref<1x16x2048xf32, #tpu.memory_space<hbm>>
    %dma_start3A_460 = tpu.memref_squeeze %dma_start3A_459 : memref<1x16x2048xf32, #tpu.memory_space<hbm>> -> memref<16x2048xf32, #tpu.memory_space<hbm>>
    tpu.enqueue_dma source(%arg9 : memref<16x2048xf32, #tpu.memory_space<vmem>>) target(%dma_start3A_460 : memref<16x2048xf32, #tpu.memory_space<hbm>>) target_semaphore(%arg13 : memref<!tpu.dma_semaphore, #tpu.memory_space<semaphore_mem>>)
    %scan3A = arith.constant 0 : i32
    %scan3A_461 = arith.constant 1 : i32
    %scan3A_462 = arith.constant 24 : i32
    %scan3A_463 = arith.addi %scan3A_461, %scan3A_462 : i32
    %scan3A_464 = arith.constant 1 : i32
    scf.for %scan3A_484 = %scan3A_461 to %scan3A_463 step %scan3A_464  : i32 {
      %mul3A_485 = arith.constant 2 : i32
      %mul3A_486 = arith.muli %scan3A_484, %mul3A_485 : i32
      %add3A_487 = arith.constant 0 : i32
      %add3A_488 = arith.addi %mul3A_486, %add3A_487 : i32
      %dma_wait3A_489 = arith.constant 0 : i32
      %dma_wait3A_490 = arith.constant 0 : i32
      %dma_wait3A_491 = tpu.memref_slice %arg2[%dma_wait3A_489, %dma_wait3A_490] : memref<200x16384xi32, #tpu.memory_space<hbm>> -> memref<1x2048xi32, #tpu.memory_space<hbm>>
      %dma_wait3A_492 = tpu.memref_squeeze %dma_wait3A_491 : memref<1x2048xi32, #tpu.memory_space<hbm>> -> memref<2048xi32, #tpu.memory_space<hbm>>
      %dma_wait3A_493 = arith.constant 0 : i32
      %dma_wait3A_494 = tpu.memref_slice %arg2[%dma_wait3A_489, %dma_wait3A_493] : memref<200x16384xi32, #tpu.memory_space<hbm>> -> memref<1x2048xi32, #tpu.memory_space<hbm>>
      %dma_wait3A_495 = tpu.memref_squeeze %dma_wait3A_494 : memref<1x2048xi32, #tpu.memory_space<hbm>> -> memref<2048xi32, #tpu.memory_space<hbm>>
      tpu.wait_dma2 semaphore(%arg10 : memref<!tpu.dma_semaphore, #tpu.memory_space<semaphore_mem>>) src(%dma_wait3A_495 : memref<2048xi32, #tpu.memory_space<hbm>>) dst(%arg6 : memref<2048xi32, #tpu.memory_space<vmem>>)
      %add3A_496 = arith.constant 1 : i32
      %add3A_497 = arith.addi %add3A_488, %add3A_496 : i32
      %lt3A_498 = arith.constant 50 : i32
      %lt3A_499 = arith.cmpi slt, %add3A_497, %lt3A_498 : i32
      %convert_element_type3A_500 = arith.extui %lt3A_499 : i1 to i32
      %cond3A_501 = arith.constant 0 : i32
      %cond3A_502 = arith.cmpi ne, %convert_element_type3A_500, %cond3A_501 : i32
      scf.if %cond3A_502 {
        %add3A_961 = arith.constant 1 : i32
        %add3A_962 = arith.addi %add3A_488, %add3A_961 : i32
        %add3A_963 = arith.addi %mul3A_2, %add3A_962 : i32
        %shift_right_logical3A_964 = arith.constant 3 : i32
        %shift_right_logical3A_965 = arith.shrui %add3A_963, %shift_right_logical3A_964 : i32
        %and3A_966 = arith.constant 7 : i32
        %and3A_967 = arith.andi %add3A_963, %and3A_966 : i32
        %mul3A_968 = arith.constant 2048 : i32
        %mul3A_969 = arith.muli %and3A_967, %mul3A_968 : i32
        %dma_start3A_970 = tpu.memref_slice %arg2[%shift_right_logical3A_965, %mul3A_969] : memref<200x16384xi32, #tpu.memory_space<hbm>> -> memref<1x2048xi32, #tpu.memory_space<hbm>>
        %dma_start3A_971 = tpu.memref_squeeze %dma_start3A_970 : memref<1x2048xi32, #tpu.memory_space<hbm>> -> memref<2048xi32, #tpu.memory_space<hbm>>
        %dma_start3A_972 = tpu.memref_slice %arg2[%shift_right_logical3A_965, %mul3A_969] : memref<200x16384xi32, #tpu.memory_space<hbm>> -> memref<1x2048xi32, #tpu.memory_space<hbm>>
        %dma_start3A_973 = tpu.memref_squeeze %dma_start3A_972 : memref<1x2048xi32, #tpu.memory_space<hbm>> -> memref<2048xi32, #tpu.memory_space<hbm>>
        tpu.enqueue_dma source(%dma_start3A_973 : memref<2048xi32, #tpu.memory_space<hbm>>) target(%arg7 : memref<2048xi32, #tpu.memory_space<vmem>>) target_semaphore(%arg11 : memref<!tpu.dma_semaphore, #tpu.memory_space<semaphore_mem>>)
      } else {
      }
      %dma_wait3A_503 = arith.constant 0 : i32
      %dma_wait3A_504 = arith.constant 0 : i32
      %dma_wait3A_505 = arith.constant 0 : i32
      %dma_wait3A_506 = tpu.memref_slice %arg4[%dma_wait3A_503, %dma_wait3A_504, %dma_wait3A_505] : memref<200x16x16384xf32, #tpu.memory_space<hbm>> -> memref<1x16x2048xf32, #tpu.memory_space<hbm>>
      %dma_wait3A_507 = tpu.memref_squeeze %dma_wait3A_506 : memref<1x16x2048xf32, #tpu.memory_space<hbm>> -> memref<16x2048xf32, #tpu.memory_space<hbm>>
      %dma_wait3A_508 = arith.constant 0 : i32
      %dma_wait3A_509 = arith.constant 0 : i32
      %dma_wait3A_510 = tpu.memref_slice %arg4[%dma_wait3A_503, %dma_wait3A_508, %dma_wait3A_509] : memref<200x16x16384xf32, #tpu.memory_space<hbm>> -> memref<1x16x2048xf32, #tpu.memory_space<hbm>>
      %dma_wait3A_511 = tpu.memref_squeeze %dma_wait3A_510 : memref<1x16x2048xf32, #tpu.memory_space<hbm>> -> memref<16x2048xf32, #tpu.memory_space<hbm>>
      tpu.wait_dma2 semaphore(%arg12 : memref<!tpu.dma_semaphore, #tpu.memory_space<semaphore_mem>>) src(%arg8 : memref<16x2048xf32, #tpu.memory_space<vmem>>) dst(%dma_wait3A_511 : memref<16x2048xf32, #tpu.memory_space<hbm>>)
      %broadcast_in_dim3A_512 = arith.constant 0 : i32
      %broadcast_in_dim3A_513 = vector.broadcast %broadcast_in_dim3A_512 : i32 to vector<16xi32>
      %gather3A_514 = tpu.vector_load_idx %arg5[%broadcast_in_dim3A_513] : memref<64xf32, #tpu.memory_space<vmem>>[vector<16xi32>], vector<16xf32>,
      %broadcast_in_dim3A_515 = arith.constant 1 : i32
      %broadcast_in_dim3A_516 = vector.broadcast %broadcast_in_dim3A_515 : i32 to vector<16xi32>
      %gather3A_517 = tpu.vector_load_idx %arg5[%broadcast_in_dim3A_516] : memref<64xf32, #tpu.memory_space<vmem>>[vector<16xi32>], vector<16xf32>,
      %broadcast_in_dim3A_518 = arith.constant 2 : i32
      %broadcast_in_dim3A_519 = vector.broadcast %broadcast_in_dim3A_518 : i32 to vector<16xi32>
      %gather3A_520 = tpu.vector_load_idx %arg5[%broadcast_in_dim3A_519] : memref<64xf32, #tpu.memory_space<vmem>>[vector<16xi32>], vector<16xf32>,
      %broadcast_in_dim3A_521 = arith.constant 3 : i32
      %broadcast_in_dim3A_522 = vector.broadcast %broadcast_in_dim3A_521 : i32 to vector<16xi32>
      %gather3A_523 = tpu.vector_load_idx %arg5[%broadcast_in_dim3A_522] : memref<64xf32, #tpu.memory_space<vmem>>[vector<16xi32>], vector<16xf32>,
      %broadcast_in_dim3A_524 = arith.constant 4 : i32
      %broadcast_in_dim3A_525 = vector.broadcast %broadcast_in_dim3A_524 : i32 to vector<16xi32>
      %gather3A_526 = tpu.vector_load_idx %arg5[%broadcast_in_dim3A_525] : memref<64xf32, #tpu.memory_space<vmem>>[vector<16xi32>], vector<16xf32>,
      %broadcast_in_dim3A_527 = arith.constant 5 : i32
      %broadcast_in_dim3A_528 = vector.broadcast %broadcast_in_dim3A_527 : i32 to vector<16xi32>
      %gather3A_529 = tpu.vector_load_idx %arg5[%broadcast_in_dim3A_528] : memref<64xf32, #tpu.memory_space<vmem>>[vector<16xi32>], vector<16xf32>,
      %broadcast_in_dim3A_530 = arith.constant 6 : i32
      %broadcast_in_dim3A_531 = vector.broadcast %broadcast_in_dim3A_530 : i32 to vector<16xi32>
      %gather3A_532 = tpu.vector_load_idx %arg5[%broadcast_in_dim3A_531] : memref<64xf32, #tpu.memory_space<vmem>>[vector<16xi32>], vector<16xf32>,
      %broadcast_in_dim3A_533 = arith.constant 7 : i32
      %broadcast_in_dim3A_534 = vector.broadcast %broadcast_in_dim3A_533 : i32 to vector<16xi32>
      %gather3A_535 = tpu.vector_load_idx %arg5[%broadcast_in_dim3A_534] : memref<64xf32, #tpu.memory_space<vmem>>[vector<16xi32>], vector<16xf32>,
      %broadcast_in_dim3A_536 = arith.constant 16 : i32
      %broadcast_in_dim3A_537 = vector.broadcast %broadcast_in_dim3A_536 : i32 to vector<16xi32>
      %gather3A_538 = tpu.vector_load_idx %arg5[%broadcast_in_dim3A_537] : memref<64xf32, #tpu.memory_space<vmem>>[vector<16xi32>], vector<16xf32>,
      %broadcast_in_dim3A_539 = arith.constant 17 : i32
      %broadcast_in_dim3A_540 = vector.broadcast %broadcast_in_dim3A_539 : i32 to vector<16xi32>
      %gather3A_541 = tpu.vector_load_idx %arg5[%broadcast_in_dim3A_540] : memref<64xf32, #tpu.memory_space<vmem>>[vector<16xi32>], vector<16xf32>,
      %broadcast_in_dim3A_542 = arith.constant 18 : i32
      %broadcast_in_dim3A_543 = vector.broadcast %broadcast_in_dim3A_542 : i32 to vector<16xi32>
      %gather3A_544 = tpu.vector_load_idx %arg5[%broadcast_in_dim3A_543] : memref<64xf32, #tpu.memory_space<vmem>>[vector<16xi32>], vector<16xf32>,
      %broadcast_in_dim3A_545 = arith.constant 19 : i32
      %broadcast_in_dim3A_546 = vector.broadcast %broadcast_in_dim3A_545 : i32 to vector<16xi32>
      %gather3A_547 = tpu.vector_load_idx %arg5[%broadcast_in_dim3A_546] : memref<64xf32, #tpu.memory_space<vmem>>[vector<16xi32>], vector<16xf32>,
      %broadcast_in_dim3A_548 = arith.constant 20 : i32
      %broadcast_in_dim3A_549 = vector.broadcast %broadcast_in_dim3A_548 : i32 to vector<16xi32>
      %gather3A_550 = tpu.vector_load_idx %arg5[%broadcast_in_dim3A_549] : memref<64xf32, #tpu.memory_space<vmem>>[vector<16xi32>], vector<16xf32>,
      %broadcast_in_dim3A_551 = arith.constant 21 : i32
      %broadcast_in_dim3A_552 = vector.broadcast %broadcast_in_dim3A_551 : i32 to vector<16xi32>
      %gather3A_553 = tpu.vector_load_idx %arg5[%broadcast_in_dim3A_552] : memref<64xf32, #tpu.memory_space<vmem>>[vector<16xi32>], vector<16xf32>,
      %broadcast_in_dim3A_554 = arith.constant 22 : i32
      %broadcast_in_dim3A_555 = vector.broadcast %broadcast_in_dim3A_554 : i32 to vector<16xi32>
      %gather3A_556 = tpu.vector_load_idx %arg5[%broadcast_in_dim3A_555] : memref<64xf32, #tpu.memory_space<vmem>>[vector<16xi32>], vector<16xf32>,
      %broadcast_in_dim3A_557 = arith.constant 23 : i32
      %broadcast_in_dim3A_558 = vector.broadcast %broadcast_in_dim3A_557 : i32 to vector<16xi32>
      %gather3A_559 = tpu.vector_load_idx %arg5[%broadcast_in_dim3A_558] : memref<64xf32, #tpu.memory_space<vmem>>[vector<16xi32>], vector<16xf32>,
      %broadcast_in_dim3A_560 = arith.constant 32 : i32
      %broadcast_in_dim3A_561 = vector.broadcast %broadcast_in_dim3A_560 : i32 to vector<16xi32>
      %gather3A_562 = tpu.vector_load_idx %arg5[%broadcast_in_dim3A_561] : memref<64xf32, #tpu.memory_space<vmem>>[vector<16xi32>], vector<16xf32>,
      %broadcast_in_dim3A_563 = arith.constant 33 : i32
      %broadcast_in_dim3A_564 = vector.broadcast %broadcast_in_dim3A_563 : i32 to vector<16xi32>
      %gather3A_565 = tpu.vector_load_idx %arg5[%broadcast_in_dim3A_564] : memref<64xf32, #tpu.memory_space<vmem>>[vector<16xi32>], vector<16xf32>,
      %broadcast_in_dim3A_566 = arith.constant 34 : i32
      %broadcast_in_dim3A_567 = vector.broadcast %broadcast_in_dim3A_566 : i32 to vector<16xi32>
      %gather3A_568 = tpu.vector_load_idx %arg5[%broadcast_in_dim3A_567] : memref<64xf32, #tpu.memory_space<vmem>>[vector<16xi32>], vector<16xf32>,
      %broadcast_in_dim3A_569 = arith.constant 35 : i32
      %broadcast_in_dim3A_570 = vector.broadcast %broadcast_in_dim3A_569 : i32 to vector<16xi32>
      %gather3A_571 = tpu.vector_load_idx %arg5[%broadcast_in_dim3A_570] : memref<64xf32, #tpu.memory_space<vmem>>[vector<16xi32>], vector<16xf32>,
      %broadcast_in_dim3A_572 = arith.constant 36 : i32
      %broadcast_in_dim3A_573 = vector.broadcast %broadcast_in_dim3A_572 : i32 to vector<16xi32>
      %gather3A_574 = tpu.vector_load_idx %arg5[%broadcast_in_dim3A_573] : memref<64xf32, #tpu.memory_space<vmem>>[vector<16xi32>], vector<16xf32>,
      %broadcast_in_dim3A_575 = arith.constant 37 : i32
      %broadcast_in_dim3A_576 = vector.broadcast %broadcast_in_dim3A_575 : i32 to vector<16xi32>
      %gather3A_577 = tpu.vector_load_idx %arg5[%broadcast_in_dim3A_576] : memref<64xf32, #tpu.memory_space<vmem>>[vector<16xi32>], vector<16xf32>,
      %broadcast_in_dim3A_578 = arith.constant 38 : i32
      %broadcast_in_dim3A_579 = vector.broadcast %broadcast_in_dim3A_578 : i32 to vector<16xi32>
      %gather3A_580 = tpu.vector_load_idx %arg5[%broadcast_in_dim3A_579] : memref<64xf32, #tpu.memory_space<vmem>>[vector<16xi32>], vector<16xf32>,
      %broadcast_in_dim3A_581 = arith.constant 39 : i32
      %broadcast_in_dim3A_582 = vector.broadcast %broadcast_in_dim3A_581 : i32 to vector<16xi32>
      %gather3A_583 = tpu.vector_load_idx %arg5[%broadcast_in_dim3A_582] : memref<64xf32, #tpu.memory_space<vmem>>[vector<16xi32>], vector<16xf32>,
      %broadcast_in_dim3A_584 = arith.constant 48 : i32
      %broadcast_in_dim3A_585 = vector.broadcast %broadcast_in_dim3A_584 : i32 to vector<16xi32>
      %gather3A_586 = tpu.vector_load_idx %arg5[%broadcast_in_dim3A_585] : memref<64xf32, #tpu.memory_space<vmem>>[vector<16xi32>], vector<16xf32>,
      %broadcast_in_dim3A_587 = arith.constant 49 : i32
      %broadcast_in_dim3A_588 = vector.broadcast %broadcast_in_dim3A_587 : i32 to vector<16xi32>
      %gather3A_589 = tpu.vector_load_idx %arg5[%broadcast_in_dim3A_588] : memref<64xf32, #tpu.memory_space<vmem>>[vector<16xi32>], vector<16xf32>,
      %broadcast_in_dim3A_590 = arith.constant 50 : i32
      %broadcast_in_dim3A_591 = vector.broadcast %broadcast_in_dim3A_590 : i32 to vector<16xi32>
      %gather3A_592 = tpu.vector_load_idx %arg5[%broadcast_in_dim3A_591] : memref<64xf32, #tpu.memory_space<vmem>>[vector<16xi32>], vector<16xf32>,
      %broadcast_in_dim3A_593 = arith.constant 51 : i32
      %broadcast_in_dim3A_594 = vector.broadcast %broadcast_in_dim3A_593 : i32 to vector<16xi32>
      %gather3A_595 = tpu.vector_load_idx %arg5[%broadcast_in_dim3A_594] : memref<64xf32, #tpu.memory_space<vmem>>[vector<16xi32>], vector<16xf32>,
      %broadcast_in_dim3A_596 = arith.constant 52 : i32
      %broadcast_in_dim3A_597 = vector.broadcast %broadcast_in_dim3A_596 : i32 to vector<16xi32>
      %gather3A_598 = tpu.vector_load_idx %arg5[%broadcast_in_dim3A_597] : memref<64xf32, #tpu.memory_space<vmem>>[vector<16xi32>], vector<16xf32>,
      %broadcast_in_dim3A_599 = arith.constant 53 : i32
      %broadcast_in_dim3A_600 = vector.broadcast %broadcast_in_dim3A_599 : i32 to vector<16xi32>
      %gather3A_601 = tpu.vector_load_idx %arg5[%broadcast_in_dim3A_600] : memref<64xf32, #tpu.memory_space<vmem>>[vector<16xi32>], vector<16xf32>,
      %broadcast_in_dim3A_602 = arith.constant 54 : i32
      %broadcast_in_dim3A_603 = vector.broadcast %broadcast_in_dim3A_602 : i32 to vector<16xi32>
      %gather3A_604 = tpu.vector_load_idx %arg5[%broadcast_in_dim3A_603] : memref<64xf32, #tpu.memory_space<vmem>>[vector<16xi32>], vector<16xf32>,
      %broadcast_in_dim3A_605 = arith.constant 55 : i32
      %broadcast_in_dim3A_606 = vector.broadcast %broadcast_in_dim3A_605 : i32 to vector<16xi32>
      %gather3A_607 = tpu.vector_load_idx %arg5[%broadcast_in_dim3A_606] : memref<64xf32, #tpu.memory_space<vmem>>[vector<16xi32>], vector<16xf32>,
      %parallel_loop3A_608 = arith.constant 0 : i32
      %parallel_loop3A_609 = arith.constant 128 : i32
      %parallel_loop3A_610 = arith.constant 1 : i32
      scf.for %parallel_loop3A_961 = %parallel_loop3A_608 to %parallel_loop3A_609 step %parallel_loop3A_610  : i32 {
        %parallel_loop3A_962 = arith.constant 16 : i32
        %parallel_loop3A_963 = arith.muli %parallel_loop3A_961, %parallel_loop3A_962 : i32
        %parallel_loop3A_964 = arith.index_cast %parallel_loop3A_963 : i32 to index
        %parallel_loop3A_965 = tpu.vector_load %arg6[%parallel_loop3A_964] {strides = array<i32>} : memref<2048xi32, #tpu.memory_space<vmem>>, vector<16xi32>,
        %parallel_loop3A_966 = arith.constant 1 : i32
        %parallel_loop3A_967 = vector.broadcast %parallel_loop3A_966 : i32 to vector<16xi32>
        %parallel_loop3A_968 = arith.andi %parallel_loop3A_965, %parallel_loop3A_967 : vector<16xi32>
        %parallel_loop3A_969 = arith.constant 0 : i32
        %parallel_loop3A_970 = vector.broadcast %parallel_loop3A_969 : i32 to vector<16xi32>
        %parallel_loop3A_971 = arith.cmpi ne, %parallel_loop3A_968, %parallel_loop3A_970 : vector<16xi32>
        %parallel_loop3A_972 = arith.constant 2 : i32
        %parallel_loop3A_973 = vector.broadcast %parallel_loop3A_972 : i32 to vector<16xi32>
        %parallel_loop3A_974 = arith.andi %parallel_loop3A_965, %parallel_loop3A_973 : vector<16xi32>
        %parallel_loop3A_975 = arith.constant 0 : i32
        %parallel_loop3A_976 = vector.broadcast %parallel_loop3A_975 : i32 to vector<16xi32>
        %parallel_loop3A_977 = arith.cmpi ne, %parallel_loop3A_974, %parallel_loop3A_976 : vector<16xi32>
        %parallel_loop3A_978 = arith.select %parallel_loop3A_971, %gather3A_538, %gather3A_514 : vector<16xi1>, vector<16xf32>
        %parallel_loop3A_979 = arith.select %parallel_loop3A_971, %gather3A_586, %gather3A_562 : vector<16xi1>, vector<16xf32>
        %parallel_loop3A_980 = arith.select %parallel_loop3A_977, %parallel_loop3A_979, %parallel_loop3A_978 : vector<16xi1>, vector<16xf32>
        %parallel_loop3A_981 = arith.constant 16 : i32
        %parallel_loop3A_982 = arith.muli %parallel_loop3A_961, %parallel_loop3A_981 : i32
        %parallel_loop3A_983 = arith.constant 0 : i32
        %parallel_loop3A_984 = arith.index_cast %parallel_loop3A_983 : i32 to index
        %parallel_loop3A_985 = arith.index_cast %parallel_loop3A_982 : i32 to index
        %parallel_loop3A_986 = tpu.vector_load %arg8[%parallel_loop3A_984, %parallel_loop3A_985] {strides = array<i32>} : memref<16x2048xf32, #tpu.memory_space<vmem>>, vector<16xf32>,
        tpu.vector_store %arg8[%parallel_loop3A_984, %parallel_loop3A_985], %parallel_loop3A_980 {strides = array<i32>} : memref<16x2048xf32, #tpu.memory_space<vmem>>, vector<16xf32>,
        %parallel_loop3A_987 = arith.select %parallel_loop3A_971, %gather3A_541, %gather3A_517 : vector<16xi1>, vector<16xf32>
        %parallel_loop3A_988 = arith.select %parallel_loop3A_971, %gather3A_589, %gather3A_565 : vector<16xi1>, vector<16xf32>
        %parallel_loop3A_989 = arith.select %parallel_loop3A_977, %parallel_loop3A_988, %parallel_loop3A_987 : vector<16xi1>, vector<16xf32>
        %parallel_loop3A_990 = arith.constant 16 : i32
        %parallel_loop3A_991 = arith.muli %parallel_loop3A_961, %parallel_loop3A_990 : i32
        %parallel_loop3A_992 = arith.constant 1 : i32
        %parallel_loop3A_993 = arith.index_cast %parallel_loop3A_992 : i32 to index
        %parallel_loop3A_994 = arith.index_cast %parallel_loop3A_991 : i32 to index
        %parallel_loop3A_995 = tpu.vector_load %arg8[%parallel_loop3A_993, %parallel_loop3A_994] {strides = array<i32>} : memref<16x2048xf32, #tpu.memory_space<vmem>>, vector<16xf32>,
        tpu.vector_store %arg8[%parallel_loop3A_993, %parallel_loop3A_994], %parallel_loop3A_989 {strides = array<i32>} : memref<16x2048xf32, #tpu.memory_space<vmem>>, vector<16xf32>,
        %parallel_loop3A_996 = arith.select %parallel_loop3A_971, %gather3A_544, %gather3A_520 : vector<16xi1>, vector<16xf32>
        %parallel_loop3A_997 = arith.select %parallel_loop3A_971, %gather3A_592, %gather3A_568 : vector<16xi1>, vector<16xf32>
        %parallel_loop3A_998 = arith.select %parallel_loop3A_977, %parallel_loop3A_997, %parallel_loop3A_996 : vector<16xi1>, vector<16xf32>
        %parallel_loop3A_999 = arith.constant 16 : i32
        %parallel_loop3A_1000 = arith.muli %parallel_loop3A_961, %parallel_loop3A_999 : i32
        %parallel_loop3A_1001 = arith.constant 2 : i32
        %parallel_loop3A_1002 = arith.index_cast %parallel_loop3A_1001 : i32 to index
        %parallel_loop3A_1003 = arith.index_cast %parallel_loop3A_1000 : i32 to index
        %parallel_loop3A_1004 = tpu.vector_load %arg8[%parallel_loop3A_1002, %parallel_loop3A_1003] {strides = array<i32>} : memref<16x2048xf32, #tpu.memory_space<vmem>>, vector<16xf32>,
        tpu.vector_store %arg8[%parallel_loop3A_1002, %parallel_loop3A_1003], %parallel_loop3A_998 {strides = array<i32>} : memref<16x2048xf32, #tpu.memory_space<vmem>>, vector<16xf32>,
        %parallel_loop3A_1005 = arith.select %parallel_loop3A_971, %gather3A_547, %gather3A_523 : vector<16xi1>, vector<16xf32>
        %parallel_loop3A_1006 = arith.select %parallel_loop3A_971, %gather3A_595, %gather3A_571 : vector<16xi1>, vector<16xf32>
        %parallel_loop3A_1007 = arith.select %parallel_loop3A_977, %parallel_loop3A_1006, %parallel_loop3A_1005 : vector<16xi1>, vector<16xf32>
        %parallel_loop3A_1008 = arith.constant 16 : i32
        %parallel_loop3A_1009 = arith.muli %parallel_loop3A_961, %parallel_loop3A_1008 : i32
        %parallel_loop3A_1010 = arith.constant 3 : i32
        %parallel_loop3A_1011 = arith.index_cast %parallel_loop3A_1010 : i32 to index
        %parallel_loop3A_1012 = arith.index_cast %parallel_loop3A_1009 : i32 to index
        %parallel_loop3A_1013 = tpu.vector_load %arg8[%parallel_loop3A_1011, %parallel_loop3A_1012] {strides = array<i32>} : memref<16x2048xf32, #tpu.memory_space<vmem>>, vector<16xf32>,
        tpu.vector_store %arg8[%parallel_loop3A_1011, %parallel_loop3A_1012], %parallel_loop3A_1007 {strides = array<i32>} : memref<16x2048xf32, #tpu.memory_space<vmem>>, vector<16xf32>,
        %parallel_loop3A_1014 = arith.select %parallel_loop3A_971, %gather3A_550, %gather3A_526 : vector<16xi1>, vector<16xf32>
        %parallel_loop3A_1015 = arith.select %parallel_loop3A_971, %gather3A_598, %gather3A_574 : vector<16xi1>, vector<16xf32>
        %parallel_loop3A_1016 = arith.select %parallel_loop3A_977, %parallel_loop3A_1015, %parallel_loop3A_1014 : vector<16xi1>, vector<16xf32>
        %parallel_loop3A_1017 = arith.constant 16 : i32
        %parallel_loop3A_1018 = arith.muli %parallel_loop3A_961, %parallel_loop3A_1017 : i32
        %parallel_loop3A_1019 = arith.constant 4 : i32
        %parallel_loop3A_1020 = arith.index_cast %parallel_loop3A_1019 : i32 to index
        %parallel_loop3A_1021 = arith.index_cast %parallel_loop3A_1018 : i32 to index
        %parallel_loop3A_1022 = tpu.vector_load %arg8[%parallel_loop3A_1020, %parallel_loop3A_1021] {strides = array<i32>} : memref<16x2048xf32, #tpu.memory_space<vmem>>, vector<16xf32>,
        tpu.vector_store %arg8[%parallel_loop3A_1020, %parallel_loop3A_1021], %parallel_loop3A_1016 {strides = array<i32>} : memref<16x2048xf32, #tpu.memory_space<vmem>>, vector<16xf32>,
        %parallel_loop3A_1023 = arith.select %parallel_loop3A_971, %gather3A_553, %gather3A_529 : vector<16xi1>, vector<16xf32>
        %parallel_loop3A_1024 = arith.select %parallel_loop3A_971, %gather3A_601, %gather3A_577 : vector<16xi1>, vector<16xf32>
        %parallel_loop3A_1025 = arith.select %parallel_loop3A_977, %parallel_loop3A_1024, %parallel_loop3A_1023 : vector<16xi1>, vector<16xf32>
        %parallel_loop3A_1026 = arith.constant 16 : i32
        %parallel_loop3A_1027 = arith.muli %parallel_loop3A_961, %parallel_loop3A_1026 : i32
        %parallel_loop3A_1028 = arith.constant 5 : i32
        %parallel_loop3A_1029 = arith.index_cast %parallel_loop3A_1028 : i32 to index
        %parallel_loop3A_1030 = arith.index_cast %parallel_loop3A_1027 : i32 to index
        %parallel_loop3A_1031 = tpu.vector_load %arg8[%parallel_loop3A_1029, %parallel_loop3A_1030] {strides = array<i32>} : memref<16x2048xf32, #tpu.memory_space<vmem>>, vector<16xf32>,
        tpu.vector_store %arg8[%parallel_loop3A_1029, %parallel_loop3A_1030], %parallel_loop3A_1025 {strides = array<i32>} : memref<16x2048xf32, #tpu.memory_space<vmem>>, vector<16xf32>,
        %parallel_loop3A_1032 = arith.select %parallel_loop3A_971, %gather3A_556, %gather3A_532 : vector<16xi1>, vector<16xf32>
        %parallel_loop3A_1033 = arith.select %parallel_loop3A_971, %gather3A_604, %gather3A_580 : vector<16xi1>, vector<16xf32>
        %parallel_loop3A_1034 = arith.select %parallel_loop3A_977, %parallel_loop3A_1033, %parallel_loop3A_1032 : vector<16xi1>, vector<16xf32>
        %parallel_loop3A_1035 = arith.constant 16 : i32
        %parallel_loop3A_1036 = arith.muli %parallel_loop3A_961, %parallel_loop3A_1035 : i32
        %parallel_loop3A_1037 = arith.constant 6 : i32
        %parallel_loop3A_1038 = arith.index_cast %parallel_loop3A_1037 : i32 to index
        %parallel_loop3A_1039 = arith.index_cast %parallel_loop3A_1036 : i32 to index
        %parallel_loop3A_1040 = tpu.vector_load %arg8[%parallel_loop3A_1038, %parallel_loop3A_1039] {strides = array<i32>} : memref<16x2048xf32, #tpu.memory_space<vmem>>, vector<16xf32>,
        tpu.vector_store %arg8[%parallel_loop3A_1038, %parallel_loop3A_1039], %parallel_loop3A_1034 {strides = array<i32>} : memref<16x2048xf32, #tpu.memory_space<vmem>>, vector<16xf32>,
        %parallel_loop3A_1041 = arith.select %parallel_loop3A_971, %gather3A_559, %gather3A_535 : vector<16xi1>, vector<16xf32>
        %parallel_loop3A_1042 = arith.select %parallel_loop3A_971, %gather3A_607, %gather3A_583 : vector<16xi1>, vector<16xf32>
        %parallel_loop3A_1043 = arith.select %parallel_loop3A_977, %parallel_loop3A_1042, %parallel_loop3A_1041 : vector<16xi1>, vector<16xf32>
        %parallel_loop3A_1044 = arith.constant 16 : i32
        %parallel_loop3A_1045 = arith.muli %parallel_loop3A_961, %parallel_loop3A_1044 : i32
        %parallel_loop3A_1046 = arith.constant 7 : i32
        %parallel_loop3A_1047 = arith.index_cast %parallel_loop3A_1046 : i32 to index
        %parallel_loop3A_1048 = arith.index_cast %parallel_loop3A_1045 : i32 to index
        %parallel_loop3A_1049 = tpu.vector_load %arg8[%parallel_loop3A_1047, %parallel_loop3A_1048] {strides = array<i32>} : memref<16x2048xf32, #tpu.memory_space<vmem>>, vector<16xf32>,
        tpu.vector_store %arg8[%parallel_loop3A_1047, %parallel_loop3A_1048], %parallel_loop3A_1043 {strides = array<i32>} : memref<16x2048xf32, #tpu.memory_space<vmem>>, vector<16xf32>,
      } {sc.loop_unroll_factor = 2 : i64, sc.parallel_access}
      %broadcast_in_dim3A_611 = arith.constant 8 : i32
      %broadcast_in_dim3A_612 = vector.broadcast %broadcast_in_dim3A_611 : i32 to vector<16xi32>
      %gather3A_613 = tpu.vector_load_idx %arg5[%broadcast_in_dim3A_612] : memref<64xf32, #tpu.memory_space<vmem>>[vector<16xi32>], vector<16xf32>,
      %broadcast_in_dim3A_614 = arith.constant 9 : i32
      %broadcast_in_dim3A_615 = vector.broadcast %broadcast_in_dim3A_614 : i32 to vector<16xi32>
      %gather3A_616 = tpu.vector_load_idx %arg5[%broadcast_in_dim3A_615] : memref<64xf32, #tpu.memory_space<vmem>>[vector<16xi32>], vector<16xf32>,
      %broadcast_in_dim3A_617 = arith.constant 10 : i32
      %broadcast_in_dim3A_618 = vector.broadcast %broadcast_in_dim3A_617 : i32 to vector<16xi32>
      %gather3A_619 = tpu.vector_load_idx %arg5[%broadcast_in_dim3A_618] : memref<64xf32, #tpu.memory_space<vmem>>[vector<16xi32>], vector<16xf32>,
      %broadcast_in_dim3A_620 = arith.constant 11 : i32
      %broadcast_in_dim3A_621 = vector.broadcast %broadcast_in_dim3A_620 : i32 to vector<16xi32>
      %gather3A_622 = tpu.vector_load_idx %arg5[%broadcast_in_dim3A_621] : memref<64xf32, #tpu.memory_space<vmem>>[vector<16xi32>], vector<16xf32>,
      %broadcast_in_dim3A_623 = arith.constant 12 : i32
      %broadcast_in_dim3A_624 = vector.broadcast %broadcast_in_dim3A_623 : i32 to vector<16xi32>
      %gather3A_625 = tpu.vector_load_idx %arg5[%broadcast_in_dim3A_624] : memref<64xf32, #tpu.memory_space<vmem>>[vector<16xi32>], vector<16xf32>,
      %broadcast_in_dim3A_626 = arith.constant 13 : i32
      %broadcast_in_dim3A_627 = vector.broadcast %broadcast_in_dim3A_626 : i32 to vector<16xi32>
      %gather3A_628 = tpu.vector_load_idx %arg5[%broadcast_in_dim3A_627] : memref<64xf32, #tpu.memory_space<vmem>>[vector<16xi32>], vector<16xf32>,
      %broadcast_in_dim3A_629 = arith.constant 14 : i32
      %broadcast_in_dim3A_630 = vector.broadcast %broadcast_in_dim3A_629 : i32 to vector<16xi32>
      %gather3A_631 = tpu.vector_load_idx %arg5[%broadcast_in_dim3A_630] : memref<64xf32, #tpu.memory_space<vmem>>[vector<16xi32>], vector<16xf32>,
      %broadcast_in_dim3A_632 = arith.constant 15 : i32
      %broadcast_in_dim3A_633 = vector.broadcast %broadcast_in_dim3A_632 : i32 to vector<16xi32>
      %gather3A_634 = tpu.vector_load_idx %arg5[%broadcast_in_dim3A_633] : memref<64xf32, #tpu.memory_space<vmem>>[vector<16xi32>], vector<16xf32>,
      %broadcast_in_dim3A_635 = arith.constant 24 : i32
      %broadcast_in_dim3A_636 = vector.broadcast %broadcast_in_dim3A_635 : i32 to vector<16xi32>
      %gather3A_637 = tpu.vector_load_idx %arg5[%broadcast_in_dim3A_636] : memref<64xf32, #tpu.memory_space<vmem>>[vector<16xi32>], vector<16xf32>,
      %broadcast_in_dim3A_638 = arith.constant 25 : i32
      %broadcast_in_dim3A_639 = vector.broadcast %broadcast_in_dim3A_638 : i32 to vector<16xi32>
      %gather3A_640 = tpu.vector_load_idx %arg5[%broadcast_in_dim3A_639] : memref<64xf32, #tpu.memory_space<vmem>>[vector<16xi32>], vector<16xf32>,
      %broadcast_in_dim3A_641 = arith.constant 26 : i32
      %broadcast_in_dim3A_642 = vector.broadcast %broadcast_in_dim3A_641 : i32 to vector<16xi32>
      %gather3A_643 = tpu.vector_load_idx %arg5[%broadcast_in_dim3A_642] : memref<64xf32, #tpu.memory_space<vmem>>[vector<16xi32>], vector<16xf32>,
      %broadcast_in_dim3A_644 = arith.constant 27 : i32
      %broadcast_in_dim3A_645 = vector.broadcast %broadcast_in_dim3A_644 : i32 to vector<16xi32>
      %gather3A_646 = tpu.vector_load_idx %arg5[%broadcast_in_dim3A_645] : memref<64xf32, #tpu.memory_space<vmem>>[vector<16xi32>], vector<16xf32>,
      %broadcast_in_dim3A_647 = arith.constant 28 : i32
      %broadcast_in_dim3A_648 = vector.broadcast %broadcast_in_dim3A_647 : i32 to vector<16xi32>
      %gather3A_649 = tpu.vector_load_idx %arg5[%broadcast_in_dim3A_648] : memref<64xf32, #tpu.memory_space<vmem>>[vector<16xi32>], vector<16xf32>,
      %broadcast_in_dim3A_650 = arith.constant 29 : i32
      %broadcast_in_dim3A_651 = vector.broadcast %broadcast_in_dim3A_650 : i32 to vector<16xi32>
      %gather3A_652 = tpu.vector_load_idx %arg5[%broadcast_in_dim3A_651] : memref<64xf32, #tpu.memory_space<vmem>>[vector<16xi32>], vector<16xf32>,
      %broadcast_in_dim3A_653 = arith.constant 30 : i32
      %broadcast_in_dim3A_654 = vector.broadcast %broadcast_in_dim3A_653 : i32 to vector<16xi32>
      %gather3A_655 = tpu.vector_load_idx %arg5[%broadcast_in_dim3A_654] : memref<64xf32, #tpu.memory_space<vmem>>[vector<16xi32>], vector<16xf32>,
      %broadcast_in_dim3A_656 = arith.constant 31 : i32
      %broadcast_in_dim3A_657 = vector.broadcast %broadcast_in_dim3A_656 : i32 to vector<16xi32>
      %gather3A_658 = tpu.vector_load_idx %arg5[%broadcast_in_dim3A_657] : memref<64xf32, #tpu.memory_space<vmem>>[vector<16xi32>], vector<16xf32>,
      %broadcast_in_dim3A_659 = arith.constant 40 : i32
      %broadcast_in_dim3A_660 = vector.broadcast %broadcast_in_dim3A_659 : i32 to vector<16xi32>
      %gather3A_661 = tpu.vector_load_idx %arg5[%broadcast_in_dim3A_660] : memref<64xf32, #tpu.memory_space<vmem>>[vector<16xi32>], vector<16xf32>,
      %broadcast_in_dim3A_662 = arith.constant 41 : i32
      %broadcast_in_dim3A_663 = vector.broadcast %broadcast_in_dim3A_662 : i32 to vector<16xi32>
      %gather3A_664 = tpu.vector_load_idx %arg5[%broadcast_in_dim3A_663] : memref<64xf32, #tpu.memory_space<vmem>>[vector<16xi32>], vector<16xf32>,
      %broadcast_in_dim3A_665 = arith.constant 42 : i32
      %broadcast_in_dim3A_666 = vector.broadcast %broadcast_in_dim3A_665 : i32 to vector<16xi32>
      %gather3A_667 = tpu.vector_load_idx %arg5[%broadcast_in_dim3A_666] : memref<64xf32, #tpu.memory_space<vmem>>[vector<16xi32>], vector<16xf32>,
      %broadcast_in_dim3A_668 = arith.constant 43 : i32
      %broadcast_in_dim3A_669 = vector.broadcast %broadcast_in_dim3A_668 : i32 to vector<16xi32>
      %gather3A_670 = tpu.vector_load_idx %arg5[%broadcast_in_dim3A_669] : memref<64xf32, #tpu.memory_space<vmem>>[vector<16xi32>], vector<16xf32>,
      %broadcast_in_dim3A_671 = arith.constant 44 : i32
      %broadcast_in_dim3A_672 = vector.broadcast %broadcast_in_dim3A_671 : i32 to vector<16xi32>
      %gather3A_673 = tpu.vector_load_idx %arg5[%broadcast_in_dim3A_672] : memref<64xf32, #tpu.memory_space<vmem>>[vector<16xi32>], vector<16xf32>,
      %broadcast_in_dim3A_674 = arith.constant 45 : i32
      %broadcast_in_dim3A_675 = vector.broadcast %broadcast_in_dim3A_674 : i32 to vector<16xi32>
      %gather3A_676 = tpu.vector_load_idx %arg5[%broadcast_in_dim3A_675] : memref<64xf32, #tpu.memory_space<vmem>>[vector<16xi32>], vector<16xf32>,
      %broadcast_in_dim3A_677 = arith.constant 46 : i32
      %broadcast_in_dim3A_678 = vector.broadcast %broadcast_in_dim3A_677 : i32 to vector<16xi32>
      %gather3A_679 = tpu.vector_load_idx %arg5[%broadcast_in_dim3A_678] : memref<64xf32, #tpu.memory_space<vmem>>[vector<16xi32>], vector<16xf32>,
      %broadcast_in_dim3A_680 = arith.constant 47 : i32
      %broadcast_in_dim3A_681 = vector.broadcast %broadcast_in_dim3A_680 : i32 to vector<16xi32>
      %gather3A_682 = tpu.vector_load_idx %arg5[%broadcast_in_dim3A_681] : memref<64xf32, #tpu.memory_space<vmem>>[vector<16xi32>], vector<16xf32>,
      %broadcast_in_dim3A_683 = arith.constant 56 : i32
      %broadcast_in_dim3A_684 = vector.broadcast %broadcast_in_dim3A_683 : i32 to vector<16xi32>
      %gather3A_685 = tpu.vector_load_idx %arg5[%broadcast_in_dim3A_684] : memref<64xf32, #tpu.memory_space<vmem>>[vector<16xi32>], vector<16xf32>,
      %broadcast_in_dim3A_686 = arith.constant 57 : i32
      %broadcast_in_dim3A_687 = vector.broadcast %broadcast_in_dim3A_686 : i32 to vector<16xi32>
      %gather3A_688 = tpu.vector_load_idx %arg5[%broadcast_in_dim3A_687] : memref<64xf32, #tpu.memory_space<vmem>>[vector<16xi32>], vector<16xf32>,
      %broadcast_in_dim3A_689 = arith.constant 58 : i32
      %broadcast_in_dim3A_690 = vector.broadcast %broadcast_in_dim3A_689 : i32 to vector<16xi32>
      %gather3A_691 = tpu.vector_load_idx %arg5[%broadcast_in_dim3A_690] : memref<64xf32, #tpu.memory_space<vmem>>[vector<16xi32>], vector<16xf32>,
      %broadcast_in_dim3A_692 = arith.constant 59 : i32
      %broadcast_in_dim3A_693 = vector.broadcast %broadcast_in_dim3A_692 : i32 to vector<16xi32>
      %gather3A_694 = tpu.vector_load_idx %arg5[%broadcast_in_dim3A_693] : memref<64xf32, #tpu.memory_space<vmem>>[vector<16xi32>], vector<16xf32>,
      %broadcast_in_dim3A_695 = arith.constant 60 : i32
      %broadcast_in_dim3A_696 = vector.broadcast %broadcast_in_dim3A_695 : i32 to vector<16xi32>
      %gather3A_697 = tpu.vector_load_idx %arg5[%broadcast_in_dim3A_696] : memref<64xf32, #tpu.memory_space<vmem>>[vector<16xi32>], vector<16xf32>,
      %broadcast_in_dim3A_698 = arith.constant 61 : i32
      %broadcast_in_dim3A_699 = vector.broadcast %broadcast_in_dim3A_698 : i32 to vector<16xi32>
      %gather3A_700 = tpu.vector_load_idx %arg5[%broadcast_in_dim3A_699] : memref<64xf32, #tpu.memory_space<vmem>>[vector<16xi32>], vector<16xf32>,
      %broadcast_in_dim3A_701 = arith.constant 62 : i32
      %broadcast_in_dim3A_702 = vector.broadcast %broadcast_in_dim3A_701 : i32 to vector<16xi32>
      %gather3A_703 = tpu.vector_load_idx %arg5[%broadcast_in_dim3A_702] : memref<64xf32, #tpu.memory_space<vmem>>[vector<16xi32>], vector<16xf32>,
      %broadcast_in_dim3A_704 = arith.constant 63 : i32
      %broadcast_in_dim3A_705 = vector.broadcast %broadcast_in_dim3A_704 : i32 to vector<16xi32>
      %gather3A_706 = tpu.vector_load_idx %arg5[%broadcast_in_dim3A_705] : memref<64xf32, #tpu.memory_space<vmem>>[vector<16xi32>], vector<16xf32>,
      %parallel_loop3A_707 = arith.constant 0 : i32
      %parallel_loop3A_708 = arith.constant 128 : i32
      %parallel_loop3A_709 = arith.constant 1 : i32
      scf.for %parallel_loop3A_961 = %parallel_loop3A_707 to %parallel_loop3A_708 step %parallel_loop3A_709  : i32 {
        %parallel_loop3A_962 = arith.constant 16 : i32
        %parallel_loop3A_963 = arith.muli %parallel_loop3A_961, %parallel_loop3A_962 : i32
        %parallel_loop3A_964 = arith.index_cast %parallel_loop3A_963 : i32 to index
        %parallel_loop3A_965 = tpu.vector_load %arg6[%parallel_loop3A_964] {strides = array<i32>} : memref<2048xi32, #tpu.memory_space<vmem>>, vector<16xi32>,
        %parallel_loop3A_966 = arith.constant 1 : i32
        %parallel_loop3A_967 = vector.broadcast %parallel_loop3A_966 : i32 to vector<16xi32>
        %parallel_loop3A_968 = arith.andi %parallel_loop3A_965, %parallel_loop3A_967 : vector<16xi32>
        %parallel_loop3A_969 = arith.constant 0 : i32
        %parallel_loop3A_970 = vector.broadcast %parallel_loop3A_969 : i32 to vector<16xi32>
        %parallel_loop3A_971 = arith.cmpi ne, %parallel_loop3A_968, %parallel_loop3A_970 : vector<16xi32>
        %parallel_loop3A_972 = arith.constant 2 : i32
        %parallel_loop3A_973 = vector.broadcast %parallel_loop3A_972 : i32 to vector<16xi32>
        %parallel_loop3A_974 = arith.andi %parallel_loop3A_965, %parallel_loop3A_973 : vector<16xi32>
        %parallel_loop3A_975 = arith.constant 0 : i32
        %parallel_loop3A_976 = vector.broadcast %parallel_loop3A_975 : i32 to vector<16xi32>
        %parallel_loop3A_977 = arith.cmpi ne, %parallel_loop3A_974, %parallel_loop3A_976 : vector<16xi32>
        %parallel_loop3A_978 = arith.select %parallel_loop3A_971, %gather3A_637, %gather3A_613 : vector<16xi1>, vector<16xf32>
        %parallel_loop3A_979 = arith.select %parallel_loop3A_971, %gather3A_685, %gather3A_661 : vector<16xi1>, vector<16xf32>
        %parallel_loop3A_980 = arith.select %parallel_loop3A_977, %parallel_loop3A_979, %parallel_loop3A_978 : vector<16xi1>, vector<16xf32>
        %parallel_loop3A_981 = arith.constant 16 : i32
        %parallel_loop3A_982 = arith.muli %parallel_loop3A_961, %parallel_loop3A_981 : i32
        %parallel_loop3A_983 = arith.constant 8 : i32
        %parallel_loop3A_984 = arith.index_cast %parallel_loop3A_983 : i32 to index
        %parallel_loop3A_985 = arith.index_cast %parallel_loop3A_982 : i32 to index
        %parallel_loop3A_986 = tpu.vector_load %arg8[%parallel_loop3A_984, %parallel_loop3A_985] {strides = array<i32>} : memref<16x2048xf32, #tpu.memory_space<vmem>>, vector<16xf32>,
        tpu.vector_store %arg8[%parallel_loop3A_984, %parallel_loop3A_985], %parallel_loop3A_980 {strides = array<i32>} : memref<16x2048xf32, #tpu.memory_space<vmem>>, vector<16xf32>,
        %parallel_loop3A_987 = arith.select %parallel_loop3A_971, %gather3A_640, %gather3A_616 : vector<16xi1>, vector<16xf32>
        %parallel_loop3A_988 = arith.select %parallel_loop3A_971, %gather3A_688, %gather3A_664 : vector<16xi1>, vector<16xf32>
        %parallel_loop3A_989 = arith.select %parallel_loop3A_977, %parallel_loop3A_988, %parallel_loop3A_987 : vector<16xi1>, vector<16xf32>
        %parallel_loop3A_990 = arith.constant 16 : i32
        %parallel_loop3A_991 = arith.muli %parallel_loop3A_961, %parallel_loop3A_990 : i32
        %parallel_loop3A_992 = arith.constant 9 : i32
        %parallel_loop3A_993 = arith.index_cast %parallel_loop3A_992 : i32 to index
        %parallel_loop3A_994 = arith.index_cast %parallel_loop3A_991 : i32 to index
        %parallel_loop3A_995 = tpu.vector_load %arg8[%parallel_loop3A_993, %parallel_loop3A_994] {strides = array<i32>} : memref<16x2048xf32, #tpu.memory_space<vmem>>, vector<16xf32>,
        tpu.vector_store %arg8[%parallel_loop3A_993, %parallel_loop3A_994], %parallel_loop3A_989 {strides = array<i32>} : memref<16x2048xf32, #tpu.memory_space<vmem>>, vector<16xf32>,
        %parallel_loop3A_996 = arith.select %parallel_loop3A_971, %gather3A_643, %gather3A_619 : vector<16xi1>, vector<16xf32>
        %parallel_loop3A_997 = arith.select %parallel_loop3A_971, %gather3A_691, %gather3A_667 : vector<16xi1>, vector<16xf32>
        %parallel_loop3A_998 = arith.select %parallel_loop3A_977, %parallel_loop3A_997, %parallel_loop3A_996 : vector<16xi1>, vector<16xf32>
        %parallel_loop3A_999 = arith.constant 16 : i32
        %parallel_loop3A_1000 = arith.muli %parallel_loop3A_961, %parallel_loop3A_999 : i32
        %parallel_loop3A_1001 = arith.constant 10 : i32
        %parallel_loop3A_1002 = arith.index_cast %parallel_loop3A_1001 : i32 to index
        %parallel_loop3A_1003 = arith.index_cast %parallel_loop3A_1000 : i32 to index
        %parallel_loop3A_1004 = tpu.vector_load %arg8[%parallel_loop3A_1002, %parallel_loop3A_1003] {strides = array<i32>} : memref<16x2048xf32, #tpu.memory_space<vmem>>, vector<16xf32>,
        tpu.vector_store %arg8[%parallel_loop3A_1002, %parallel_loop3A_1003], %parallel_loop3A_998 {strides = array<i32>} : memref<16x2048xf32, #tpu.memory_space<vmem>>, vector<16xf32>,
        %parallel_loop3A_1005 = arith.select %parallel_loop3A_971, %gather3A_646, %gather3A_622 : vector<16xi1>, vector<16xf32>
        %parallel_loop3A_1006 = arith.select %parallel_loop3A_971, %gather3A_694, %gather3A_670 : vector<16xi1>, vector<16xf32>
        %parallel_loop3A_1007 = arith.select %parallel_loop3A_977, %parallel_loop3A_1006, %parallel_loop3A_1005 : vector<16xi1>, vector<16xf32>
        %parallel_loop3A_1008 = arith.constant 16 : i32
        %parallel_loop3A_1009 = arith.muli %parallel_loop3A_961, %parallel_loop3A_1008 : i32
        %parallel_loop3A_1010 = arith.constant 11 : i32
        %parallel_loop3A_1011 = arith.index_cast %parallel_loop3A_1010 : i32 to index
        %parallel_loop3A_1012 = arith.index_cast %parallel_loop3A_1009 : i32 to index
        %parallel_loop3A_1013 = tpu.vector_load %arg8[%parallel_loop3A_1011, %parallel_loop3A_1012] {strides = array<i32>} : memref<16x2048xf32, #tpu.memory_space<vmem>>, vector<16xf32>,
        tpu.vector_store %arg8[%parallel_loop3A_1011, %parallel_loop3A_1012], %parallel_loop3A_1007 {strides = array<i32>} : memref<16x2048xf32, #tpu.memory_space<vmem>>, vector<16xf32>,
        %parallel_loop3A_1014 = arith.select %parallel_loop3A_971, %gather3A_649, %gather3A_625 : vector<16xi1>, vector<16xf32>
        %parallel_loop3A_1015 = arith.select %parallel_loop3A_971, %gather3A_697, %gather3A_673 : vector<16xi1>, vector<16xf32>
        %parallel_loop3A_1016 = arith.select %parallel_loop3A_977, %parallel_loop3A_1015, %parallel_loop3A_1014 : vector<16xi1>, vector<16xf32>
        %parallel_loop3A_1017 = arith.constant 16 : i32
        %parallel_loop3A_1018 = arith.muli %parallel_loop3A_961, %parallel_loop3A_1017 : i32
        %parallel_loop3A_1019 = arith.constant 12 : i32
        %parallel_loop3A_1020 = arith.index_cast %parallel_loop3A_1019 : i32 to index
        %parallel_loop3A_1021 = arith.index_cast %parallel_loop3A_1018 : i32 to index
        %parallel_loop3A_1022 = tpu.vector_load %arg8[%parallel_loop3A_1020, %parallel_loop3A_1021] {strides = array<i32>} : memref<16x2048xf32, #tpu.memory_space<vmem>>, vector<16xf32>,
        tpu.vector_store %arg8[%parallel_loop3A_1020, %parallel_loop3A_1021], %parallel_loop3A_1016 {strides = array<i32>} : memref<16x2048xf32, #tpu.memory_space<vmem>>, vector<16xf32>,
        %parallel_loop3A_1023 = arith.select %parallel_loop3A_971, %gather3A_652, %gather3A_628 : vector<16xi1>, vector<16xf32>
        %parallel_loop3A_1024 = arith.select %parallel_loop3A_971, %gather3A_700, %gather3A_676 : vector<16xi1>, vector<16xf32>
        %parallel_loop3A_1025 = arith.select %parallel_loop3A_977, %parallel_loop3A_1024, %parallel_loop3A_1023 : vector<16xi1>, vector<16xf32>
        %parallel_loop3A_1026 = arith.constant 16 : i32
        %parallel_loop3A_1027 = arith.muli %parallel_loop3A_961, %parallel_loop3A_1026 : i32
        %parallel_loop3A_1028 = arith.constant 13 : i32
        %parallel_loop3A_1029 = arith.index_cast %parallel_loop3A_1028 : i32 to index
        %parallel_loop3A_1030 = arith.index_cast %parallel_loop3A_1027 : i32 to index
        %parallel_loop3A_1031 = tpu.vector_load %arg8[%parallel_loop3A_1029, %parallel_loop3A_1030] {strides = array<i32>} : memref<16x2048xf32, #tpu.memory_space<vmem>>, vector<16xf32>,
        tpu.vector_store %arg8[%parallel_loop3A_1029, %parallel_loop3A_1030], %parallel_loop3A_1025 {strides = array<i32>} : memref<16x2048xf32, #tpu.memory_space<vmem>>, vector<16xf32>,
        %parallel_loop3A_1032 = arith.select %parallel_loop3A_971, %gather3A_655, %gather3A_631 : vector<16xi1>, vector<16xf32>
        %parallel_loop3A_1033 = arith.select %parallel_loop3A_971, %gather3A_703, %gather3A_679 : vector<16xi1>, vector<16xf32>
        %parallel_loop3A_1034 = arith.select %parallel_loop3A_977, %parallel_loop3A_1033, %parallel_loop3A_1032 : vector<16xi1>, vector<16xf32>
        %parallel_loop3A_1035 = arith.constant 16 : i32
        %parallel_loop3A_1036 = arith.muli %parallel_loop3A_961, %parallel_loop3A_1035 : i32
        %parallel_loop3A_1037 = arith.constant 14 : i32
        %parallel_loop3A_1038 = arith.index_cast %parallel_loop3A_1037 : i32 to index
        %parallel_loop3A_1039 = arith.index_cast %parallel_loop3A_1036 : i32 to index
        %parallel_loop3A_1040 = tpu.vector_load %arg8[%parallel_loop3A_1038, %parallel_loop3A_1039] {strides = array<i32>} : memref<16x2048xf32, #tpu.memory_space<vmem>>, vector<16xf32>,
        tpu.vector_store %arg8[%parallel_loop3A_1038, %parallel_loop3A_1039], %parallel_loop3A_1034 {strides = array<i32>} : memref<16x2048xf32, #tpu.memory_space<vmem>>, vector<16xf32>,
        %parallel_loop3A_1041 = arith.select %parallel_loop3A_971, %gather3A_658, %gather3A_634 : vector<16xi1>, vector<16xf32>
        %parallel_loop3A_1042 = arith.select %parallel_loop3A_971, %gather3A_706, %gather3A_682 : vector<16xi1>, vector<16xf32>
        %parallel_loop3A_1043 = arith.select %parallel_loop3A_977, %parallel_loop3A_1042, %parallel_loop3A_1041 : vector<16xi1>, vector<16xf32>
        %parallel_loop3A_1044 = arith.constant 16 : i32
        %parallel_loop3A_1045 = arith.muli %parallel_loop3A_961, %parallel_loop3A_1044 : i32
        %parallel_loop3A_1046 = arith.constant 15 : i32
        %parallel_loop3A_1047 = arith.index_cast %parallel_loop3A_1046 : i32 to index
        %parallel_loop3A_1048 = arith.index_cast %parallel_loop3A_1045 : i32 to index
        %parallel_loop3A_1049 = tpu.vector_load %arg8[%parallel_loop3A_1047, %parallel_loop3A_1048] {strides = array<i32>} : memref<16x2048xf32, #tpu.memory_space<vmem>>, vector<16xf32>,
        tpu.vector_store %arg8[%parallel_loop3A_1047, %parallel_loop3A_1048], %parallel_loop3A_1043 {strides = array<i32>} : memref<16x2048xf32, #tpu.memory_space<vmem>>, vector<16xf32>,
      } {sc.loop_unroll_factor = 2 : i64, sc.parallel_access}
      %add3A_710 = arith.addi %mul3A_2, %add3A_488 : i32
      %shift_right_logical3A_711 = arith.constant 3 : i32
      %shift_right_logical3A_712 = arith.shrui %add3A_710, %shift_right_logical3A_711 : i32
      %and3A_713 = arith.constant 7 : i32
      %and3A_714 = arith.andi %add3A_710, %and3A_713 : i32
      %mul3A_715 = arith.constant 2048 : i32
      %mul3A_716 = arith.muli %and3A_714, %mul3A_715 : i32
      %dma_start3A_717 = arith.constant 0 : i32
      %dma_start3A_718 = tpu.memref_slice %arg4[%shift_right_logical3A_712, %dma_start3A_717, %mul3A_716] : memref<200x16x16384xf32, #tpu.memory_space<hbm>> -> memref<1x16x2048xf32, #tpu.memory_space<hbm>>
      %dma_start3A_719 = tpu.memref_squeeze %dma_start3A_718 : memref<1x16x2048xf32, #tpu.memory_space<hbm>> -> memref<16x2048xf32, #tpu.memory_space<hbm>>
      %dma_start3A_720 = arith.constant 0 : i32
      %dma_start3A_721 = tpu.memref_slice %arg4[%shift_right_logical3A_712, %dma_start3A_720, %mul3A_716] : memref<200x16x16384xf32, #tpu.memory_space<hbm>> -> memref<1x16x2048xf32, #tpu.memory_space<hbm>>
      %dma_start3A_722 = tpu.memref_squeeze %dma_start3A_721 : memref<1x16x2048xf32, #tpu.memory_space<hbm>> -> memref<16x2048xf32, #tpu.memory_space<hbm>>
      tpu.enqueue_dma source(%arg8 : memref<16x2048xf32, #tpu.memory_space<vmem>>) target(%dma_start3A_722 : memref<16x2048xf32, #tpu.memory_space<hbm>>) target_semaphore(%arg12 : memref<!tpu.dma_semaphore, #tpu.memory_space<semaphore_mem>>)
      %mul3A_723 = arith.constant 2 : i32
      %mul3A_724 = arith.muli %scan3A_484, %mul3A_723 : i32
      %add3A_725 = arith.constant 1 : i32
      %add3A_726 = arith.addi %mul3A_724, %add3A_725 : i32
      %dma_wait3A_727 = arith.constant 0 : i32
      %dma_wait3A_728 = arith.constant 0 : i32
      %dma_wait3A_729 = tpu.memref_slice %arg2[%dma_wait3A_727, %dma_wait3A_728] : memref<200x16384xi32, #tpu.memory_space<hbm>> -> memref<1x2048xi32, #tpu.memory_space<hbm>>
      %dma_wait3A_730 = tpu.memref_squeeze %dma_wait3A_729 : memref<1x2048xi32, #tpu.memory_space<hbm>> -> memref<2048xi32, #tpu.memory_space<hbm>>
      %dma_wait3A_731 = arith.constant 0 : i32
      %dma_wait3A_732 = tpu.memref_slice %arg2[%dma_wait3A_727, %dma_wait3A_731] : memref<200x16384xi32, #tpu.memory_space<hbm>> -> memref<1x2048xi32, #tpu.memory_space<hbm>>
      %dma_wait3A_733 = tpu.memref_squeeze %dma_wait3A_732 : memref<1x2048xi32, #tpu.memory_space<hbm>> -> memref<2048xi32, #tpu.memory_space<hbm>>
      tpu.wait_dma2 semaphore(%arg11 : memref<!tpu.dma_semaphore, #tpu.memory_space<semaphore_mem>>) src(%dma_wait3A_733 : memref<2048xi32, #tpu.memory_space<hbm>>) dst(%arg7 : memref<2048xi32, #tpu.memory_space<vmem>>)
      %add3A_734 = arith.constant 1 : i32
      %add3A_735 = arith.addi %add3A_726, %add3A_734 : i32
      %lt3A_736 = arith.constant 50 : i32
      %lt3A_737 = arith.cmpi slt, %add3A_735, %lt3A_736 : i32
      %convert_element_type3A_738 = arith.extui %lt3A_737 : i1 to i32
      %cond3A_739 = arith.constant 0 : i32
      %cond3A_740 = arith.cmpi ne, %convert_element_type3A_738, %cond3A_739 : i32
      scf.if %cond3A_740 {
        %add3A_961 = arith.constant 1 : i32
        %add3A_962 = arith.addi %add3A_726, %add3A_961 : i32
        %add3A_963 = arith.addi %mul3A_2, %add3A_962 : i32
        %shift_right_logical3A_964 = arith.constant 3 : i32
        %shift_right_logical3A_965 = arith.shrui %add3A_963, %shift_right_logical3A_964 : i32
        %and3A_966 = arith.constant 7 : i32
        %and3A_967 = arith.andi %add3A_963, %and3A_966 : i32
        %mul3A_968 = arith.constant 2048 : i32
        %mul3A_969 = arith.muli %and3A_967, %mul3A_968 : i32
        %dma_start3A_970 = tpu.memref_slice %arg2[%shift_right_logical3A_965, %mul3A_969] : memref<200x16384xi32, #tpu.memory_space<hbm>> -> memref<1x2048xi32, #tpu.memory_space<hbm>>
        %dma_start3A_971 = tpu.memref_squeeze %dma_start3A_970 : memref<1x2048xi32, #tpu.memory_space<hbm>> -> memref<2048xi32, #tpu.memory_space<hbm>>
        %dma_start3A_972 = tpu.memref_slice %arg2[%shift_right_logical3A_965, %mul3A_969] : memref<200x16384xi32, #tpu.memory_space<hbm>> -> memref<1x2048xi32, #tpu.memory_space<hbm>>
        %dma_start3A_973 = tpu.memref_squeeze %dma_start3A_972 : memref<1x2048xi32, #tpu.memory_space<hbm>> -> memref<2048xi32, #tpu.memory_space<hbm>>
        tpu.enqueue_dma source(%dma_start3A_973 : memref<2048xi32, #tpu.memory_space<hbm>>) target(%arg6 : memref<2048xi32, #tpu.memory_space<vmem>>) target_semaphore(%arg10 : memref<!tpu.dma_semaphore, #tpu.memory_space<semaphore_mem>>)
      } else {
      }
      %dma_wait3A_741 = arith.constant 0 : i32
      %dma_wait3A_742 = arith.constant 0 : i32
      %dma_wait3A_743 = arith.constant 0 : i32
      %dma_wait3A_744 = tpu.memref_slice %arg4[%dma_wait3A_741, %dma_wait3A_742, %dma_wait3A_743] : memref<200x16x16384xf32, #tpu.memory_space<hbm>> -> memref<1x16x2048xf32, #tpu.memory_space<hbm>>
      %dma_wait3A_745 = tpu.memref_squeeze %dma_wait3A_744 : memref<1x16x2048xf32, #tpu.memory_space<hbm>> -> memref<16x2048xf32, #tpu.memory_space<hbm>>
      %dma_wait3A_746 = arith.constant 0 : i32
      %dma_wait3A_747 = arith.constant 0 : i32
      %dma_wait3A_748 = tpu.memref_slice %arg4[%dma_wait3A_741, %dma_wait3A_746, %dma_wait3A_747] : memref<200x16x16384xf32, #tpu.memory_space<hbm>> -> memref<1x16x2048xf32, #tpu.memory_space<hbm>>
      %dma_wait3A_749 = tpu.memref_squeeze %dma_wait3A_748 : memref<1x16x2048xf32, #tpu.memory_space<hbm>> -> memref<16x2048xf32, #tpu.memory_space<hbm>>
      tpu.wait_dma2 semaphore(%arg13 : memref<!tpu.dma_semaphore, #tpu.memory_space<semaphore_mem>>) src(%arg9 : memref<16x2048xf32, #tpu.memory_space<vmem>>) dst(%dma_wait3A_749 : memref<16x2048xf32, #tpu.memory_space<hbm>>)
      %broadcast_in_dim3A_750 = arith.constant 0 : i32
      %broadcast_in_dim3A_751 = vector.broadcast %broadcast_in_dim3A_750 : i32 to vector<16xi32>
      %gather3A_752 = tpu.vector_load_idx %arg5[%broadcast_in_dim3A_751] : memref<64xf32, #tpu.memory_space<vmem>>[vector<16xi32>], vector<16xf32>,
      %broadcast_in_dim3A_753 = arith.constant 1 : i32
      %broadcast_in_dim3A_754 = vector.broadcast %broadcast_in_dim3A_753 : i32 to vector<16xi32>
      %gather3A_755 = tpu.vector_load_idx %arg5[%broadcast_in_dim3A_754] : memref<64xf32, #tpu.memory_space<vmem>>[vector<16xi32>], vector<16xf32>,
      %broadcast_in_dim3A_756 = arith.constant 2 : i32
      %broadcast_in_dim3A_757 = vector.broadcast %broadcast_in_dim3A_756 : i32 to vector<16xi32>
      %gather3A_758 = tpu.vector_load_idx %arg5[%broadcast_in_dim3A_757] : memref<64xf32, #tpu.memory_space<vmem>>[vector<16xi32>], vector<16xf32>,
      %broadcast_in_dim3A_759 = arith.constant 3 : i32
      %broadcast_in_dim3A_760 = vector.broadcast %broadcast_in_dim3A_759 : i32 to vector<16xi32>
      %gather3A_761 = tpu.vector_load_idx %arg5[%broadcast_in_dim3A_760] : memref<64xf32, #tpu.memory_space<vmem>>[vector<16xi32>], vector<16xf32>,
      %broadcast_in_dim3A_762 = arith.constant 4 : i32
      %broadcast_in_dim3A_763 = vector.broadcast %broadcast_in_dim3A_762 : i32 to vector<16xi32>
      %gather3A_764 = tpu.vector_load_idx %arg5[%broadcast_in_dim3A_763] : memref<64xf32, #tpu.memory_space<vmem>>[vector<16xi32>], vector<16xf32>,
      %broadcast_in_dim3A_765 = arith.constant 5 : i32
      %broadcast_in_dim3A_766 = vector.broadcast %broadcast_in_dim3A_765 : i32 to vector<16xi32>
      %gather3A_767 = tpu.vector_load_idx %arg5[%broadcast_in_dim3A_766] : memref<64xf32, #tpu.memory_space<vmem>>[vector<16xi32>], vector<16xf32>,
      %broadcast_in_dim3A_768 = arith.constant 6 : i32
      %broadcast_in_dim3A_769 = vector.broadcast %broadcast_in_dim3A_768 : i32 to vector<16xi32>
      %gather3A_770 = tpu.vector_load_idx %arg5[%broadcast_in_dim3A_769] : memref<64xf32, #tpu.memory_space<vmem>>[vector<16xi32>], vector<16xf32>,
      %broadcast_in_dim3A_771 = arith.constant 7 : i32
      %broadcast_in_dim3A_772 = vector.broadcast %broadcast_in_dim3A_771 : i32 to vector<16xi32>
      %gather3A_773 = tpu.vector_load_idx %arg5[%broadcast_in_dim3A_772] : memref<64xf32, #tpu.memory_space<vmem>>[vector<16xi32>], vector<16xf32>,
      %broadcast_in_dim3A_774 = arith.constant 16 : i32
      %broadcast_in_dim3A_775 = vector.broadcast %broadcast_in_dim3A_774 : i32 to vector<16xi32>
      %gather3A_776 = tpu.vector_load_idx %arg5[%broadcast_in_dim3A_775] : memref<64xf32, #tpu.memory_space<vmem>>[vector<16xi32>], vector<16xf32>,
      %broadcast_in_dim3A_777 = arith.constant 17 : i32
      %broadcast_in_dim3A_778 = vector.broadcast %broadcast_in_dim3A_777 : i32 to vector<16xi32>
      %gather3A_779 = tpu.vector_load_idx %arg5[%broadcast_in_dim3A_778] : memref<64xf32, #tpu.memory_space<vmem>>[vector<16xi32>], vector<16xf32>,
      %broadcast_in_dim3A_780 = arith.constant 18 : i32
      %broadcast_in_dim3A_781 = vector.broadcast %broadcast_in_dim3A_780 : i32 to vector<16xi32>
      %gather3A_782 = tpu.vector_load_idx %arg5[%broadcast_in_dim3A_781] : memref<64xf32, #tpu.memory_space<vmem>>[vector<16xi32>], vector<16xf32>,
      %broadcast_in_dim3A_783 = arith.constant 19 : i32
      %broadcast_in_dim3A_784 = vector.broadcast %broadcast_in_dim3A_783 : i32 to vector<16xi32>
      %gather3A_785 = tpu.vector_load_idx %arg5[%broadcast_in_dim3A_784] : memref<64xf32, #tpu.memory_space<vmem>>[vector<16xi32>], vector<16xf32>,
      %broadcast_in_dim3A_786 = arith.constant 20 : i32
      %broadcast_in_dim3A_787 = vector.broadcast %broadcast_in_dim3A_786 : i32 to vector<16xi32>
      %gather3A_788 = tpu.vector_load_idx %arg5[%broadcast_in_dim3A_787] : memref<64xf32, #tpu.memory_space<vmem>>[vector<16xi32>], vector<16xf32>,
      %broadcast_in_dim3A_789 = arith.constant 21 : i32
      %broadcast_in_dim3A_790 = vector.broadcast %broadcast_in_dim3A_789 : i32 to vector<16xi32>
      %gather3A_791 = tpu.vector_load_idx %arg5[%broadcast_in_dim3A_790] : memref<64xf32, #tpu.memory_space<vmem>>[vector<16xi32>], vector<16xf32>,
      %broadcast_in_dim3A_792 = arith.constant 22 : i32
      %broadcast_in_dim3A_793 = vector.broadcast %broadcast_in_dim3A_792 : i32 to vector<16xi32>
      %gather3A_794 = tpu.vector_load_idx %arg5[%broadcast_in_dim3A_793] : memref<64xf32, #tpu.memory_space<vmem>>[vector<16xi32>], vector<16xf32>,
      %broadcast_in_dim3A_795 = arith.constant 23 : i32
      %broadcast_in_dim3A_796 = vector.broadcast %broadcast_in_dim3A_795 : i32 to vector<16xi32>
      %gather3A_797 = tpu.vector_load_idx %arg5[%broadcast_in_dim3A_796] : memref<64xf32, #tpu.memory_space<vmem>>[vector<16xi32>], vector<16xf32>,
      %broadcast_in_dim3A_798 = arith.constant 32 : i32
      %broadcast_in_dim3A_799 = vector.broadcast %broadcast_in_dim3A_798 : i32 to vector<16xi32>
      %gather3A_800 = tpu.vector_load_idx %arg5[%broadcast_in_dim3A_799] : memref<64xf32, #tpu.memory_space<vmem>>[vector<16xi32>], vector<16xf32>,
      %broadcast_in_dim3A_801 = arith.constant 33 : i32
      %broadcast_in_dim3A_802 = vector.broadcast %broadcast_in_dim3A_801 : i32 to vector<16xi32>
      %gather3A_803 = tpu.vector_load_idx %arg5[%broadcast_in_dim3A_802] : memref<64xf32, #tpu.memory_space<vmem>>[vector<16xi32>], vector<16xf32>,
      %broadcast_in_dim3A_804 = arith.constant 34 : i32
      %broadcast_in_dim3A_805 = vector.broadcast %broadcast_in_dim3A_804 : i32 to vector<16xi32>
      %gather3A_806 = tpu.vector_load_idx %arg5[%broadcast_in_dim3A_805] : memref<64xf32, #tpu.memory_space<vmem>>[vector<16xi32>], vector<16xf32>,
      %broadcast_in_dim3A_807 = arith.constant 35 : i32
      %broadcast_in_dim3A_808 = vector.broadcast %broadcast_in_dim3A_807 : i32 to vector<16xi32>
      %gather3A_809 = tpu.vector_load_idx %arg5[%broadcast_in_dim3A_808] : memref<64xf32, #tpu.memory_space<vmem>>[vector<16xi32>], vector<16xf32>,
      %broadcast_in_dim3A_810 = arith.constant 36 : i32
      %broadcast_in_dim3A_811 = vector.broadcast %broadcast_in_dim3A_810 : i32 to vector<16xi32>
      %gather3A_812 = tpu.vector_load_idx %arg5[%broadcast_in_dim3A_811] : memref<64xf32, #tpu.memory_space<vmem>>[vector<16xi32>], vector<16xf32>,
      %broadcast_in_dim3A_813 = arith.constant 37 : i32
      %broadcast_in_dim3A_814 = vector.broadcast %broadcast_in_dim3A_813 : i32 to vector<16xi32>
      %gather3A_815 = tpu.vector_load_idx %arg5[%broadcast_in_dim3A_814] : memref<64xf32, #tpu.memory_space<vmem>>[vector<16xi32>], vector<16xf32>,
      %broadcast_in_dim3A_816 = arith.constant 38 : i32
      %broadcast_in_dim3A_817 = vector.broadcast %broadcast_in_dim3A_816 : i32 to vector<16xi32>
      %gather3A_818 = tpu.vector_load_idx %arg5[%broadcast_in_dim3A_817] : memref<64xf32, #tpu.memory_space<vmem>>[vector<16xi32>], vector<16xf32>,
      %broadcast_in_dim3A_819 = arith.constant 39 : i32
      %broadcast_in_dim3A_820 = vector.broadcast %broadcast_in_dim3A_819 : i32 to vector<16xi32>
      %gather3A_821 = tpu.vector_load_idx %arg5[%broadcast_in_dim3A_820] : memref<64xf32, #tpu.memory_space<vmem>>[vector<16xi32>], vector<16xf32>,
      %broadcast_in_dim3A_822 = arith.constant 48 : i32
      %broadcast_in_dim3A_823 = vector.broadcast %broadcast_in_dim3A_822 : i32 to vector<16xi32>
      %gather3A_824 = tpu.vector_load_idx %arg5[%broadcast_in_dim3A_823] : memref<64xf32, #tpu.memory_space<vmem>>[vector<16xi32>], vector<16xf32>,
      %broadcast_in_dim3A_825 = arith.constant 49 : i32
      %broadcast_in_dim3A_826 = vector.broadcast %broadcast_in_dim3A_825 : i32 to vector<16xi32>
      %gather3A_827 = tpu.vector_load_idx %arg5[%broadcast_in_dim3A_826] : memref<64xf32, #tpu.memory_space<vmem>>[vector<16xi32>], vector<16xf32>,
      %broadcast_in_dim3A_828 = arith.constant 50 : i32
      %broadcast_in_dim3A_829 = vector.broadcast %broadcast_in_dim3A_828 : i32 to vector<16xi32>
      %gather3A_830 = tpu.vector_load_idx %arg5[%broadcast_in_dim3A_829] : memref<64xf32, #tpu.memory_space<vmem>>[vector<16xi32>], vector<16xf32>,
      %broadcast_in_dim3A_831 = arith.constant 51 : i32
      %broadcast_in_dim3A_832 = vector.broadcast %broadcast_in_dim3A_831 : i32 to vector<16xi32>
      %gather3A_833 = tpu.vector_load_idx %arg5[%broadcast_in_dim3A_832] : memref<64xf32, #tpu.memory_space<vmem>>[vector<16xi32>], vector<16xf32>,
      %broadcast_in_dim3A_834 = arith.constant 52 : i32
      %broadcast_in_dim3A_835 = vector.broadcast %broadcast_in_dim3A_834 : i32 to vector<16xi32>
      %gather3A_836 = tpu.vector_load_idx %arg5[%broadcast_in_dim3A_835] : memref<64xf32, #tpu.memory_space<vmem>>[vector<16xi32>], vector<16xf32>,
      %broadcast_in_dim3A_837 = arith.constant 53 : i32
      %broadcast_in_dim3A_838 = vector.broadcast %broadcast_in_dim3A_837 : i32 to vector<16xi32>
      %gather3A_839 = tpu.vector_load_idx %arg5[%broadcast_in_dim3A_838] : memref<64xf32, #tpu.memory_space<vmem>>[vector<16xi32>], vector<16xf32>,
      %broadcast_in_dim3A_840 = arith.constant 54 : i32
      %broadcast_in_dim3A_841 = vector.broadcast %broadcast_in_dim3A_840 : i32 to vector<16xi32>
      %gather3A_842 = tpu.vector_load_idx %arg5[%broadcast_in_dim3A_841] : memref<64xf32, #tpu.memory_space<vmem>>[vector<16xi32>], vector<16xf32>,
      %broadcast_in_dim3A_843 = arith.constant 55 : i32
      %broadcast_in_dim3A_844 = vector.broadcast %broadcast_in_dim3A_843 : i32 to vector<16xi32>
      %gather3A_845 = tpu.vector_load_idx %arg5[%broadcast_in_dim3A_844] : memref<64xf32, #tpu.memory_space<vmem>>[vector<16xi32>], vector<16xf32>,
      %parallel_loop3A_846 = arith.constant 0 : i32
      %parallel_loop3A_847 = arith.constant 128 : i32
      %parallel_loop3A_848 = arith.constant 1 : i32
      scf.for %parallel_loop3A_961 = %parallel_loop3A_846 to %parallel_loop3A_847 step %parallel_loop3A_848  : i32 {
        %parallel_loop3A_962 = arith.constant 16 : i32
        %parallel_loop3A_963 = arith.muli %parallel_loop3A_961, %parallel_loop3A_962 : i32
        %parallel_loop3A_964 = arith.index_cast %parallel_loop3A_963 : i32 to index
        %parallel_loop3A_965 = tpu.vector_load %arg7[%parallel_loop3A_964] {strides = array<i32>} : memref<2048xi32, #tpu.memory_space<vmem>>, vector<16xi32>,
        %parallel_loop3A_966 = arith.constant 1 : i32
        %parallel_loop3A_967 = vector.broadcast %parallel_loop3A_966 : i32 to vector<16xi32>
        %parallel_loop3A_968 = arith.andi %parallel_loop3A_965, %parallel_loop3A_967 : vector<16xi32>
        %parallel_loop3A_969 = arith.constant 0 : i32
        %parallel_loop3A_970 = vector.broadcast %parallel_loop3A_969 : i32 to vector<16xi32>
        %parallel_loop3A_971 = arith.cmpi ne, %parallel_loop3A_968, %parallel_loop3A_970 : vector<16xi32>
        %parallel_loop3A_972 = arith.constant 2 : i32
        %parallel_loop3A_973 = vector.broadcast %parallel_loop3A_972 : i32 to vector<16xi32>
        %parallel_loop3A_974 = arith.andi %parallel_loop3A_965, %parallel_loop3A_973 : vector<16xi32>
        %parallel_loop3A_975 = arith.constant 0 : i32
        %parallel_loop3A_976 = vector.broadcast %parallel_loop3A_975 : i32 to vector<16xi32>
        %parallel_loop3A_977 = arith.cmpi ne, %parallel_loop3A_974, %parallel_loop3A_976 : vector<16xi32>
        %parallel_loop3A_978 = arith.select %parallel_loop3A_971, %gather3A_776, %gather3A_752 : vector<16xi1>, vector<16xf32>
        %parallel_loop3A_979 = arith.select %parallel_loop3A_971, %gather3A_824, %gather3A_800 : vector<16xi1>, vector<16xf32>
        %parallel_loop3A_980 = arith.select %parallel_loop3A_977, %parallel_loop3A_979, %parallel_loop3A_978 : vector<16xi1>, vector<16xf32>
        %parallel_loop3A_981 = arith.constant 16 : i32
        %parallel_loop3A_982 = arith.muli %parallel_loop3A_961, %parallel_loop3A_981 : i32
        %parallel_loop3A_983 = arith.constant 0 : i32
        %parallel_loop3A_984 = arith.index_cast %parallel_loop3A_983 : i32 to index
        %parallel_loop3A_985 = arith.index_cast %parallel_loop3A_982 : i32 to index
        %parallel_loop3A_986 = tpu.vector_load %arg9[%parallel_loop3A_984, %parallel_loop3A_985] {strides = array<i32>} : memref<16x2048xf32, #tpu.memory_space<vmem>>, vector<16xf32>,
        tpu.vector_store %arg9[%parallel_loop3A_984, %parallel_loop3A_985], %parallel_loop3A_980 {strides = array<i32>} : memref<16x2048xf32, #tpu.memory_space<vmem>>, vector<16xf32>,
        %parallel_loop3A_987 = arith.select %parallel_loop3A_971, %gather3A_779, %gather3A_755 : vector<16xi1>, vector<16xf32>
        %parallel_loop3A_988 = arith.select %parallel_loop3A_971, %gather3A_827, %gather3A_803 : vector<16xi1>, vector<16xf32>
        %parallel_loop3A_989 = arith.select %parallel_loop3A_977, %parallel_loop3A_988, %parallel_loop3A_987 : vector<16xi1>, vector<16xf32>
        %parallel_loop3A_990 = arith.constant 16 : i32
        %parallel_loop3A_991 = arith.muli %parallel_loop3A_961, %parallel_loop3A_990 : i32
        %parallel_loop3A_992 = arith.constant 1 : i32
        %parallel_loop3A_993 = arith.index_cast %parallel_loop3A_992 : i32 to index
        %parallel_loop3A_994 = arith.index_cast %parallel_loop3A_991 : i32 to index
        %parallel_loop3A_995 = tpu.vector_load %arg9[%parallel_loop3A_993, %parallel_loop3A_994] {strides = array<i32>} : memref<16x2048xf32, #tpu.memory_space<vmem>>, vector<16xf32>,
        tpu.vector_store %arg9[%parallel_loop3A_993, %parallel_loop3A_994], %parallel_loop3A_989 {strides = array<i32>} : memref<16x2048xf32, #tpu.memory_space<vmem>>, vector<16xf32>,
        %parallel_loop3A_996 = arith.select %parallel_loop3A_971, %gather3A_782, %gather3A_758 : vector<16xi1>, vector<16xf32>
        %parallel_loop3A_997 = arith.select %parallel_loop3A_971, %gather3A_830, %gather3A_806 : vector<16xi1>, vector<16xf32>
        %parallel_loop3A_998 = arith.select %parallel_loop3A_977, %parallel_loop3A_997, %parallel_loop3A_996 : vector<16xi1>, vector<16xf32>
        %parallel_loop3A_999 = arith.constant 16 : i32
        %parallel_loop3A_1000 = arith.muli %parallel_loop3A_961, %parallel_loop3A_999 : i32
        %parallel_loop3A_1001 = arith.constant 2 : i32
        %parallel_loop3A_1002 = arith.index_cast %parallel_loop3A_1001 : i32 to index
        %parallel_loop3A_1003 = arith.index_cast %parallel_loop3A_1000 : i32 to index
        %parallel_loop3A_1004 = tpu.vector_load %arg9[%parallel_loop3A_1002, %parallel_loop3A_1003] {strides = array<i32>} : memref<16x2048xf32, #tpu.memory_space<vmem>>, vector<16xf32>,
        tpu.vector_store %arg9[%parallel_loop3A_1002, %parallel_loop3A_1003], %parallel_loop3A_998 {strides = array<i32>} : memref<16x2048xf32, #tpu.memory_space<vmem>>, vector<16xf32>,
        %parallel_loop3A_1005 = arith.select %parallel_loop3A_971, %gather3A_785, %gather3A_761 : vector<16xi1>, vector<16xf32>
        %parallel_loop3A_1006 = arith.select %parallel_loop3A_971, %gather3A_833, %gather3A_809 : vector<16xi1>, vector<16xf32>
        %parallel_loop3A_1007 = arith.select %parallel_loop3A_977, %parallel_loop3A_1006, %parallel_loop3A_1005 : vector<16xi1>, vector<16xf32>
        %parallel_loop3A_1008 = arith.constant 16 : i32
        %parallel_loop3A_1009 = arith.muli %parallel_loop3A_961, %parallel_loop3A_1008 : i32
        %parallel_loop3A_1010 = arith.constant 3 : i32
        %parallel_loop3A_1011 = arith.index_cast %parallel_loop3A_1010 : i32 to index
        %parallel_loop3A_1012 = arith.index_cast %parallel_loop3A_1009 : i32 to index
        %parallel_loop3A_1013 = tpu.vector_load %arg9[%parallel_loop3A_1011, %parallel_loop3A_1012] {strides = array<i32>} : memref<16x2048xf32, #tpu.memory_space<vmem>>, vector<16xf32>,
        tpu.vector_store %arg9[%parallel_loop3A_1011, %parallel_loop3A_1012], %parallel_loop3A_1007 {strides = array<i32>} : memref<16x2048xf32, #tpu.memory_space<vmem>>, vector<16xf32>,
        %parallel_loop3A_1014 = arith.select %parallel_loop3A_971, %gather3A_788, %gather3A_764 : vector<16xi1>, vector<16xf32>
        %parallel_loop3A_1015 = arith.select %parallel_loop3A_971, %gather3A_836, %gather3A_812 : vector<16xi1>, vector<16xf32>
        %parallel_loop3A_1016 = arith.select %parallel_loop3A_977, %parallel_loop3A_1015, %parallel_loop3A_1014 : vector<16xi1>, vector<16xf32>
        %parallel_loop3A_1017 = arith.constant 16 : i32
        %parallel_loop3A_1018 = arith.muli %parallel_loop3A_961, %parallel_loop3A_1017 : i32
        %parallel_loop3A_1019 = arith.constant 4 : i32
        %parallel_loop3A_1020 = arith.index_cast %parallel_loop3A_1019 : i32 to index
        %parallel_loop3A_1021 = arith.index_cast %parallel_loop3A_1018 : i32 to index
        %parallel_loop3A_1022 = tpu.vector_load %arg9[%parallel_loop3A_1020, %parallel_loop3A_1021] {strides = array<i32>} : memref<16x2048xf32, #tpu.memory_space<vmem>>, vector<16xf32>,
        tpu.vector_store %arg9[%parallel_loop3A_1020, %parallel_loop3A_1021], %parallel_loop3A_1016 {strides = array<i32>} : memref<16x2048xf32, #tpu.memory_space<vmem>>, vector<16xf32>,
        %parallel_loop3A_1023 = arith.select %parallel_loop3A_971, %gather3A_791, %gather3A_767 : vector<16xi1>, vector<16xf32>
        %parallel_loop3A_1024 = arith.select %parallel_loop3A_971, %gather3A_839, %gather3A_815 : vector<16xi1>, vector<16xf32>
        %parallel_loop3A_1025 = arith.select %parallel_loop3A_977, %parallel_loop3A_1024, %parallel_loop3A_1023 : vector<16xi1>, vector<16xf32>
        %parallel_loop3A_1026 = arith.constant 16 : i32
        %parallel_loop3A_1027 = arith.muli %parallel_loop3A_961, %parallel_loop3A_1026 : i32
        %parallel_loop3A_1028 = arith.constant 5 : i32
        %parallel_loop3A_1029 = arith.index_cast %parallel_loop3A_1028 : i32 to index
        %parallel_loop3A_1030 = arith.index_cast %parallel_loop3A_1027 : i32 to index
        %parallel_loop3A_1031 = tpu.vector_load %arg9[%parallel_loop3A_1029, %parallel_loop3A_1030] {strides = array<i32>} : memref<16x2048xf32, #tpu.memory_space<vmem>>, vector<16xf32>,
        tpu.vector_store %arg9[%parallel_loop3A_1029, %parallel_loop3A_1030], %parallel_loop3A_1025 {strides = array<i32>} : memref<16x2048xf32, #tpu.memory_space<vmem>>, vector<16xf32>,
        %parallel_loop3A_1032 = arith.select %parallel_loop3A_971, %gather3A_794, %gather3A_770 : vector<16xi1>, vector<16xf32>
        %parallel_loop3A_1033 = arith.select %parallel_loop3A_971, %gather3A_842, %gather3A_818 : vector<16xi1>, vector<16xf32>
        %parallel_loop3A_1034 = arith.select %parallel_loop3A_977, %parallel_loop3A_1033, %parallel_loop3A_1032 : vector<16xi1>, vector<16xf32>
        %parallel_loop3A_1035 = arith.constant 16 : i32
        %parallel_loop3A_1036 = arith.muli %parallel_loop3A_961, %parallel_loop3A_1035 : i32
        %parallel_loop3A_1037 = arith.constant 6 : i32
        %parallel_loop3A_1038 = arith.index_cast %parallel_loop3A_1037 : i32 to index
        %parallel_loop3A_1039 = arith.index_cast %parallel_loop3A_1036 : i32 to index
        %parallel_loop3A_1040 = tpu.vector_load %arg9[%parallel_loop3A_1038, %parallel_loop3A_1039] {strides = array<i32>} : memref<16x2048xf32, #tpu.memory_space<vmem>>, vector<16xf32>,
        tpu.vector_store %arg9[%parallel_loop3A_1038, %parallel_loop3A_1039], %parallel_loop3A_1034 {strides = array<i32>} : memref<16x2048xf32, #tpu.memory_space<vmem>>, vector<16xf32>,
        %parallel_loop3A_1041 = arith.select %parallel_loop3A_971, %gather3A_797, %gather3A_773 : vector<16xi1>, vector<16xf32>
        %parallel_loop3A_1042 = arith.select %parallel_loop3A_971, %gather3A_845, %gather3A_821 : vector<16xi1>, vector<16xf32>
        %parallel_loop3A_1043 = arith.select %parallel_loop3A_977, %parallel_loop3A_1042, %parallel_loop3A_1041 : vector<16xi1>, vector<16xf32>
        %parallel_loop3A_1044 = arith.constant 16 : i32
        %parallel_loop3A_1045 = arith.muli %parallel_loop3A_961, %parallel_loop3A_1044 : i32
        %parallel_loop3A_1046 = arith.constant 7 : i32
        %parallel_loop3A_1047 = arith.index_cast %parallel_loop3A_1046 : i32 to index
        %parallel_loop3A_1048 = arith.index_cast %parallel_loop3A_1045 : i32 to index
        %parallel_loop3A_1049 = tpu.vector_load %arg9[%parallel_loop3A_1047, %parallel_loop3A_1048] {strides = array<i32>} : memref<16x2048xf32, #tpu.memory_space<vmem>>, vector<16xf32>,
        tpu.vector_store %arg9[%parallel_loop3A_1047, %parallel_loop3A_1048], %parallel_loop3A_1043 {strides = array<i32>} : memref<16x2048xf32, #tpu.memory_space<vmem>>, vector<16xf32>,
      } {sc.loop_unroll_factor = 2 : i64, sc.parallel_access}
      %broadcast_in_dim3A_849 = arith.constant 8 : i32
      %broadcast_in_dim3A_850 = vector.broadcast %broadcast_in_dim3A_849 : i32 to vector<16xi32>
      %gather3A_851 = tpu.vector_load_idx %arg5[%broadcast_in_dim3A_850] : memref<64xf32, #tpu.memory_space<vmem>>[vector<16xi32>], vector<16xf32>,
      %broadcast_in_dim3A_852 = arith.constant 9 : i32
      %broadcast_in_dim3A_853 = vector.broadcast %broadcast_in_dim3A_852 : i32 to vector<16xi32>
      %gather3A_854 = tpu.vector_load_idx %arg5[%broadcast_in_dim3A_853] : memref<64xf32, #tpu.memory_space<vmem>>[vector<16xi32>], vector<16xf32>,
      %broadcast_in_dim3A_855 = arith.constant 10 : i32
      %broadcast_in_dim3A_856 = vector.broadcast %broadcast_in_dim3A_855 : i32 to vector<16xi32>
      %gather3A_857 = tpu.vector_load_idx %arg5[%broadcast_in_dim3A_856] : memref<64xf32, #tpu.memory_space<vmem>>[vector<16xi32>], vector<16xf32>,
      %broadcast_in_dim3A_858 = arith.constant 11 : i32
      %broadcast_in_dim3A_859 = vector.broadcast %broadcast_in_dim3A_858 : i32 to vector<16xi32>
      %gather3A_860 = tpu.vector_load_idx %arg5[%broadcast_in_dim3A_859] : memref<64xf32, #tpu.memory_space<vmem>>[vector<16xi32>], vector<16xf32>,
      %broadcast_in_dim3A_861 = arith.constant 12 : i32
      %broadcast_in_dim3A_862 = vector.broadcast %broadcast_in_dim3A_861 : i32 to vector<16xi32>
      %gather3A_863 = tpu.vector_load_idx %arg5[%broadcast_in_dim3A_862] : memref<64xf32, #tpu.memory_space<vmem>>[vector<16xi32>], vector<16xf32>,
      %broadcast_in_dim3A_864 = arith.constant 13 : i32
      %broadcast_in_dim3A_865 = vector.broadcast %broadcast_in_dim3A_864 : i32 to vector<16xi32>
      %gather3A_866 = tpu.vector_load_idx %arg5[%broadcast_in_dim3A_865] : memref<64xf32, #tpu.memory_space<vmem>>[vector<16xi32>], vector<16xf32>,
      %broadcast_in_dim3A_867 = arith.constant 14 : i32
      %broadcast_in_dim3A_868 = vector.broadcast %broadcast_in_dim3A_867 : i32 to vector<16xi32>
      %gather3A_869 = tpu.vector_load_idx %arg5[%broadcast_in_dim3A_868] : memref<64xf32, #tpu.memory_space<vmem>>[vector<16xi32>], vector<16xf32>,
      %broadcast_in_dim3A_870 = arith.constant 15 : i32
      %broadcast_in_dim3A_871 = vector.broadcast %broadcast_in_dim3A_870 : i32 to vector<16xi32>
      %gather3A_872 = tpu.vector_load_idx %arg5[%broadcast_in_dim3A_871] : memref<64xf32, #tpu.memory_space<vmem>>[vector<16xi32>], vector<16xf32>,
      %broadcast_in_dim3A_873 = arith.constant 24 : i32
      %broadcast_in_dim3A_874 = vector.broadcast %broadcast_in_dim3A_873 : i32 to vector<16xi32>
      %gather3A_875 = tpu.vector_load_idx %arg5[%broadcast_in_dim3A_874] : memref<64xf32, #tpu.memory_space<vmem>>[vector<16xi32>], vector<16xf32>,
      %broadcast_in_dim3A_876 = arith.constant 25 : i32
      %broadcast_in_dim3A_877 = vector.broadcast %broadcast_in_dim3A_876 : i32 to vector<16xi32>
      %gather3A_878 = tpu.vector_load_idx %arg5[%broadcast_in_dim3A_877] : memref<64xf32, #tpu.memory_space<vmem>>[vector<16xi32>], vector<16xf32>,
      %broadcast_in_dim3A_879 = arith.constant 26 : i32
      %broadcast_in_dim3A_880 = vector.broadcast %broadcast_in_dim3A_879 : i32 to vector<16xi32>
      %gather3A_881 = tpu.vector_load_idx %arg5[%broadcast_in_dim3A_880] : memref<64xf32, #tpu.memory_space<vmem>>[vector<16xi32>], vector<16xf32>,
      %broadcast_in_dim3A_882 = arith.constant 27 : i32
      %broadcast_in_dim3A_883 = vector.broadcast %broadcast_in_dim3A_882 : i32 to vector<16xi32>
      %gather3A_884 = tpu.vector_load_idx %arg5[%broadcast_in_dim3A_883] : memref<64xf32, #tpu.memory_space<vmem>>[vector<16xi32>], vector<16xf32>,
      %broadcast_in_dim3A_885 = arith.constant 28 : i32
      %broadcast_in_dim3A_886 = vector.broadcast %broadcast_in_dim3A_885 : i32 to vector<16xi32>
      %gather3A_887 = tpu.vector_load_idx %arg5[%broadcast_in_dim3A_886] : memref<64xf32, #tpu.memory_space<vmem>>[vector<16xi32>], vector<16xf32>,
      %broadcast_in_dim3A_888 = arith.constant 29 : i32
      %broadcast_in_dim3A_889 = vector.broadcast %broadcast_in_dim3A_888 : i32 to vector<16xi32>
      %gather3A_890 = tpu.vector_load_idx %arg5[%broadcast_in_dim3A_889] : memref<64xf32, #tpu.memory_space<vmem>>[vector<16xi32>], vector<16xf32>,
      %broadcast_in_dim3A_891 = arith.constant 30 : i32
      %broadcast_in_dim3A_892 = vector.broadcast %broadcast_in_dim3A_891 : i32 to vector<16xi32>
      %gather3A_893 = tpu.vector_load_idx %arg5[%broadcast_in_dim3A_892] : memref<64xf32, #tpu.memory_space<vmem>>[vector<16xi32>], vector<16xf32>,
      %broadcast_in_dim3A_894 = arith.constant 31 : i32
      %broadcast_in_dim3A_895 = vector.broadcast %broadcast_in_dim3A_894 : i32 to vector<16xi32>
      %gather3A_896 = tpu.vector_load_idx %arg5[%broadcast_in_dim3A_895] : memref<64xf32, #tpu.memory_space<vmem>>[vector<16xi32>], vector<16xf32>,
      %broadcast_in_dim3A_897 = arith.constant 40 : i32
      %broadcast_in_dim3A_898 = vector.broadcast %broadcast_in_dim3A_897 : i32 to vector<16xi32>
      %gather3A_899 = tpu.vector_load_idx %arg5[%broadcast_in_dim3A_898] : memref<64xf32, #tpu.memory_space<vmem>>[vector<16xi32>], vector<16xf32>,
      %broadcast_in_dim3A_900 = arith.constant 41 : i32
      %broadcast_in_dim3A_901 = vector.broadcast %broadcast_in_dim3A_900 : i32 to vector<16xi32>
      %gather3A_902 = tpu.vector_load_idx %arg5[%broadcast_in_dim3A_901] : memref<64xf32, #tpu.memory_space<vmem>>[vector<16xi32>], vector<16xf32>,
      %broadcast_in_dim3A_903 = arith.constant 42 : i32
      %broadcast_in_dim3A_904 = vector.broadcast %broadcast_in_dim3A_903 : i32 to vector<16xi32>
      %gather3A_905 = tpu.vector_load_idx %arg5[%broadcast_in_dim3A_904] : memref<64xf32, #tpu.memory_space<vmem>>[vector<16xi32>], vector<16xf32>,
      %broadcast_in_dim3A_906 = arith.constant 43 : i32
      %broadcast_in_dim3A_907 = vector.broadcast %broadcast_in_dim3A_906 : i32 to vector<16xi32>
      %gather3A_908 = tpu.vector_load_idx %arg5[%broadcast_in_dim3A_907] : memref<64xf32, #tpu.memory_space<vmem>>[vector<16xi32>], vector<16xf32>,
      %broadcast_in_dim3A_909 = arith.constant 44 : i32
      %broadcast_in_dim3A_910 = vector.broadcast %broadcast_in_dim3A_909 : i32 to vector<16xi32>
      %gather3A_911 = tpu.vector_load_idx %arg5[%broadcast_in_dim3A_910] : memref<64xf32, #tpu.memory_space<vmem>>[vector<16xi32>], vector<16xf32>,
      %broadcast_in_dim3A_912 = arith.constant 45 : i32
      %broadcast_in_dim3A_913 = vector.broadcast %broadcast_in_dim3A_912 : i32 to vector<16xi32>
      %gather3A_914 = tpu.vector_load_idx %arg5[%broadcast_in_dim3A_913] : memref<64xf32, #tpu.memory_space<vmem>>[vector<16xi32>], vector<16xf32>,
      %broadcast_in_dim3A_915 = arith.constant 46 : i32
      %broadcast_in_dim3A_916 = vector.broadcast %broadcast_in_dim3A_915 : i32 to vector<16xi32>
      %gather3A_917 = tpu.vector_load_idx %arg5[%broadcast_in_dim3A_916] : memref<64xf32, #tpu.memory_space<vmem>>[vector<16xi32>], vector<16xf32>,
      %broadcast_in_dim3A_918 = arith.constant 47 : i32
      %broadcast_in_dim3A_919 = vector.broadcast %broadcast_in_dim3A_918 : i32 to vector<16xi32>
      %gather3A_920 = tpu.vector_load_idx %arg5[%broadcast_in_dim3A_919] : memref<64xf32, #tpu.memory_space<vmem>>[vector<16xi32>], vector<16xf32>,
      %broadcast_in_dim3A_921 = arith.constant 56 : i32
      %broadcast_in_dim3A_922 = vector.broadcast %broadcast_in_dim3A_921 : i32 to vector<16xi32>
      %gather3A_923 = tpu.vector_load_idx %arg5[%broadcast_in_dim3A_922] : memref<64xf32, #tpu.memory_space<vmem>>[vector<16xi32>], vector<16xf32>,
      %broadcast_in_dim3A_924 = arith.constant 57 : i32
      %broadcast_in_dim3A_925 = vector.broadcast %broadcast_in_dim3A_924 : i32 to vector<16xi32>
      %gather3A_926 = tpu.vector_load_idx %arg5[%broadcast_in_dim3A_925] : memref<64xf32, #tpu.memory_space<vmem>>[vector<16xi32>], vector<16xf32>,
      %broadcast_in_dim3A_927 = arith.constant 58 : i32
      %broadcast_in_dim3A_928 = vector.broadcast %broadcast_in_dim3A_927 : i32 to vector<16xi32>
      %gather3A_929 = tpu.vector_load_idx %arg5[%broadcast_in_dim3A_928] : memref<64xf32, #tpu.memory_space<vmem>>[vector<16xi32>], vector<16xf32>,
      %broadcast_in_dim3A_930 = arith.constant 59 : i32
      %broadcast_in_dim3A_931 = vector.broadcast %broadcast_in_dim3A_930 : i32 to vector<16xi32>
      %gather3A_932 = tpu.vector_load_idx %arg5[%broadcast_in_dim3A_931] : memref<64xf32, #tpu.memory_space<vmem>>[vector<16xi32>], vector<16xf32>,
      %broadcast_in_dim3A_933 = arith.constant 60 : i32
      %broadcast_in_dim3A_934 = vector.broadcast %broadcast_in_dim3A_933 : i32 to vector<16xi32>
      %gather3A_935 = tpu.vector_load_idx %arg5[%broadcast_in_dim3A_934] : memref<64xf32, #tpu.memory_space<vmem>>[vector<16xi32>], vector<16xf32>,
      %broadcast_in_dim3A_936 = arith.constant 61 : i32
      %broadcast_in_dim3A_937 = vector.broadcast %broadcast_in_dim3A_936 : i32 to vector<16xi32>
      %gather3A_938 = tpu.vector_load_idx %arg5[%broadcast_in_dim3A_937] : memref<64xf32, #tpu.memory_space<vmem>>[vector<16xi32>], vector<16xf32>,
      %broadcast_in_dim3A_939 = arith.constant 62 : i32
      %broadcast_in_dim3A_940 = vector.broadcast %broadcast_in_dim3A_939 : i32 to vector<16xi32>
      %gather3A_941 = tpu.vector_load_idx %arg5[%broadcast_in_dim3A_940] : memref<64xf32, #tpu.memory_space<vmem>>[vector<16xi32>], vector<16xf32>,
      %broadcast_in_dim3A_942 = arith.constant 63 : i32
      %broadcast_in_dim3A_943 = vector.broadcast %broadcast_in_dim3A_942 : i32 to vector<16xi32>
      %gather3A_944 = tpu.vector_load_idx %arg5[%broadcast_in_dim3A_943] : memref<64xf32, #tpu.memory_space<vmem>>[vector<16xi32>], vector<16xf32>,
      %parallel_loop3A_945 = arith.constant 0 : i32
      %parallel_loop3A_946 = arith.constant 128 : i32
      %parallel_loop3A_947 = arith.constant 1 : i32
      scf.for %parallel_loop3A_961 = %parallel_loop3A_945 to %parallel_loop3A_946 step %parallel_loop3A_947  : i32 {
        %parallel_loop3A_962 = arith.constant 16 : i32
        %parallel_loop3A_963 = arith.muli %parallel_loop3A_961, %parallel_loop3A_962 : i32
        %parallel_loop3A_964 = arith.index_cast %parallel_loop3A_963 : i32 to index
        %parallel_loop3A_965 = tpu.vector_load %arg7[%parallel_loop3A_964] {strides = array<i32>} : memref<2048xi32, #tpu.memory_space<vmem>>, vector<16xi32>,
        %parallel_loop3A_966 = arith.constant 1 : i32
        %parallel_loop3A_967 = vector.broadcast %parallel_loop3A_966 : i32 to vector<16xi32>
        %parallel_loop3A_968 = arith.andi %parallel_loop3A_965, %parallel_loop3A_967 : vector<16xi32>
        %parallel_loop3A_969 = arith.constant 0 : i32
        %parallel_loop3A_970 = vector.broadcast %parallel_loop3A_969 : i32 to vector<16xi32>
        %parallel_loop3A_971 = arith.cmpi ne, %parallel_loop3A_968, %parallel_loop3A_970 : vector<16xi32>
        %parallel_loop3A_972 = arith.constant 2 : i32
        %parallel_loop3A_973 = vector.broadcast %parallel_loop3A_972 : i32 to vector<16xi32>
        %parallel_loop3A_974 = arith.andi %parallel_loop3A_965, %parallel_loop3A_973 : vector<16xi32>
        %parallel_loop3A_975 = arith.constant 0 : i32
        %parallel_loop3A_976 = vector.broadcast %parallel_loop3A_975 : i32 to vector<16xi32>
        %parallel_loop3A_977 = arith.cmpi ne, %parallel_loop3A_974, %parallel_loop3A_976 : vector<16xi32>
        %parallel_loop3A_978 = arith.select %parallel_loop3A_971, %gather3A_875, %gather3A_851 : vector<16xi1>, vector<16xf32>
        %parallel_loop3A_979 = arith.select %parallel_loop3A_971, %gather3A_923, %gather3A_899 : vector<16xi1>, vector<16xf32>
        %parallel_loop3A_980 = arith.select %parallel_loop3A_977, %parallel_loop3A_979, %parallel_loop3A_978 : vector<16xi1>, vector<16xf32>
        %parallel_loop3A_981 = arith.constant 16 : i32
        %parallel_loop3A_982 = arith.muli %parallel_loop3A_961, %parallel_loop3A_981 : i32
        %parallel_loop3A_983 = arith.constant 8 : i32
        %parallel_loop3A_984 = arith.index_cast %parallel_loop3A_983 : i32 to index
        %parallel_loop3A_985 = arith.index_cast %parallel_loop3A_982 : i32 to index
        %parallel_loop3A_986 = tpu.vector_load %arg9[%parallel_loop3A_984, %parallel_loop3A_985] {strides = array<i32>} : memref<16x2048xf32, #tpu.memory_space<vmem>>, vector<16xf32>,
        tpu.vector_store %arg9[%parallel_loop3A_984, %parallel_loop3A_985], %parallel_loop3A_980 {strides = array<i32>} : memref<16x2048xf32, #tpu.memory_space<vmem>>, vector<16xf32>,
        %parallel_loop3A_987 = arith.select %parallel_loop3A_971, %gather3A_878, %gather3A_854 : vector<16xi1>, vector<16xf32>
        %parallel_loop3A_988 = arith.select %parallel_loop3A_971, %gather3A_926, %gather3A_902 : vector<16xi1>, vector<16xf32>
        %parallel_loop3A_989 = arith.select %parallel_loop3A_977, %parallel_loop3A_988, %parallel_loop3A_987 : vector<16xi1>, vector<16xf32>
        %parallel_loop3A_990 = arith.constant 16 : i32
        %parallel_loop3A_991 = arith.muli %parallel_loop3A_961, %parallel_loop3A_990 : i32
        %parallel_loop3A_992 = arith.constant 9 : i32
        %parallel_loop3A_993 = arith.index_cast %parallel_loop3A_992 : i32 to index
        %parallel_loop3A_994 = arith.index_cast %parallel_loop3A_991 : i32 to index
        %parallel_loop3A_995 = tpu.vector_load %arg9[%parallel_loop3A_993, %parallel_loop3A_994] {strides = array<i32>} : memref<16x2048xf32, #tpu.memory_space<vmem>>, vector<16xf32>,
        tpu.vector_store %arg9[%parallel_loop3A_993, %parallel_loop3A_994], %parallel_loop3A_989 {strides = array<i32>} : memref<16x2048xf32, #tpu.memory_space<vmem>>, vector<16xf32>,
        %parallel_loop3A_996 = arith.select %parallel_loop3A_971, %gather3A_881, %gather3A_857 : vector<16xi1>, vector<16xf32>
        %parallel_loop3A_997 = arith.select %parallel_loop3A_971, %gather3A_929, %gather3A_905 : vector<16xi1>, vector<16xf32>
        %parallel_loop3A_998 = arith.select %parallel_loop3A_977, %parallel_loop3A_997, %parallel_loop3A_996 : vector<16xi1>, vector<16xf32>
        %parallel_loop3A_999 = arith.constant 16 : i32
        %parallel_loop3A_1000 = arith.muli %parallel_loop3A_961, %parallel_loop3A_999 : i32
        %parallel_loop3A_1001 = arith.constant 10 : i32
        %parallel_loop3A_1002 = arith.index_cast %parallel_loop3A_1001 : i32 to index
        %parallel_loop3A_1003 = arith.index_cast %parallel_loop3A_1000 : i32 to index
        %parallel_loop3A_1004 = tpu.vector_load %arg9[%parallel_loop3A_1002, %parallel_loop3A_1003] {strides = array<i32>} : memref<16x2048xf32, #tpu.memory_space<vmem>>, vector<16xf32>,
        tpu.vector_store %arg9[%parallel_loop3A_1002, %parallel_loop3A_1003], %parallel_loop3A_998 {strides = array<i32>} : memref<16x2048xf32, #tpu.memory_space<vmem>>, vector<16xf32>,
        %parallel_loop3A_1005 = arith.select %parallel_loop3A_971, %gather3A_884, %gather3A_860 : vector<16xi1>, vector<16xf32>
        %parallel_loop3A_1006 = arith.select %parallel_loop3A_971, %gather3A_932, %gather3A_908 : vector<16xi1>, vector<16xf32>
        %parallel_loop3A_1007 = arith.select %parallel_loop3A_977, %parallel_loop3A_1006, %parallel_loop3A_1005 : vector<16xi1>, vector<16xf32>
        %parallel_loop3A_1008 = arith.constant 16 : i32
        %parallel_loop3A_1009 = arith.muli %parallel_loop3A_961, %parallel_loop3A_1008 : i32
        %parallel_loop3A_1010 = arith.constant 11 : i32
        %parallel_loop3A_1011 = arith.index_cast %parallel_loop3A_1010 : i32 to index
        %parallel_loop3A_1012 = arith.index_cast %parallel_loop3A_1009 : i32 to index
        %parallel_loop3A_1013 = tpu.vector_load %arg9[%parallel_loop3A_1011, %parallel_loop3A_1012] {strides = array<i32>} : memref<16x2048xf32, #tpu.memory_space<vmem>>, vector<16xf32>,
        tpu.vector_store %arg9[%parallel_loop3A_1011, %parallel_loop3A_1012], %parallel_loop3A_1007 {strides = array<i32>} : memref<16x2048xf32, #tpu.memory_space<vmem>>, vector<16xf32>,
        %parallel_loop3A_1014 = arith.select %parallel_loop3A_971, %gather3A_887, %gather3A_863 : vector<16xi1>, vector<16xf32>
        %parallel_loop3A_1015 = arith.select %parallel_loop3A_971, %gather3A_935, %gather3A_911 : vector<16xi1>, vector<16xf32>
        %parallel_loop3A_1016 = arith.select %parallel_loop3A_977, %parallel_loop3A_1015, %parallel_loop3A_1014 : vector<16xi1>, vector<16xf32>
        %parallel_loop3A_1017 = arith.constant 16 : i32
        %parallel_loop3A_1018 = arith.muli %parallel_loop3A_961, %parallel_loop3A_1017 : i32
        %parallel_loop3A_1019 = arith.constant 12 : i32
        %parallel_loop3A_1020 = arith.index_cast %parallel_loop3A_1019 : i32 to index
        %parallel_loop3A_1021 = arith.index_cast %parallel_loop3A_1018 : i32 to index
        %parallel_loop3A_1022 = tpu.vector_load %arg9[%parallel_loop3A_1020, %parallel_loop3A_1021] {strides = array<i32>} : memref<16x2048xf32, #tpu.memory_space<vmem>>, vector<16xf32>,
        tpu.vector_store %arg9[%parallel_loop3A_1020, %parallel_loop3A_1021], %parallel_loop3A_1016 {strides = array<i32>} : memref<16x2048xf32, #tpu.memory_space<vmem>>, vector<16xf32>,
        %parallel_loop3A_1023 = arith.select %parallel_loop3A_971, %gather3A_890, %gather3A_866 : vector<16xi1>, vector<16xf32>
        %parallel_loop3A_1024 = arith.select %parallel_loop3A_971, %gather3A_938, %gather3A_914 : vector<16xi1>, vector<16xf32>
        %parallel_loop3A_1025 = arith.select %parallel_loop3A_977, %parallel_loop3A_1024, %parallel_loop3A_1023 : vector<16xi1>, vector<16xf32>
        %parallel_loop3A_1026 = arith.constant 16 : i32
        %parallel_loop3A_1027 = arith.muli %parallel_loop3A_961, %parallel_loop3A_1026 : i32
        %parallel_loop3A_1028 = arith.constant 13 : i32
        %parallel_loop3A_1029 = arith.index_cast %parallel_loop3A_1028 : i32 to index
        %parallel_loop3A_1030 = arith.index_cast %parallel_loop3A_1027 : i32 to index
        %parallel_loop3A_1031 = tpu.vector_load %arg9[%parallel_loop3A_1029, %parallel_loop3A_1030] {strides = array<i32>} : memref<16x2048xf32, #tpu.memory_space<vmem>>, vector<16xf32>,
        tpu.vector_store %arg9[%parallel_loop3A_1029, %parallel_loop3A_1030], %parallel_loop3A_1025 {strides = array<i32>} : memref<16x2048xf32, #tpu.memory_space<vmem>>, vector<16xf32>,
        %parallel_loop3A_1032 = arith.select %parallel_loop3A_971, %gather3A_893, %gather3A_869 : vector<16xi1>, vector<16xf32>
        %parallel_loop3A_1033 = arith.select %parallel_loop3A_971, %gather3A_941, %gather3A_917 : vector<16xi1>, vector<16xf32>
        %parallel_loop3A_1034 = arith.select %parallel_loop3A_977, %parallel_loop3A_1033, %parallel_loop3A_1032 : vector<16xi1>, vector<16xf32>
        %parallel_loop3A_1035 = arith.constant 16 : i32
        %parallel_loop3A_1036 = arith.muli %parallel_loop3A_961, %parallel_loop3A_1035 : i32
        %parallel_loop3A_1037 = arith.constant 14 : i32
        %parallel_loop3A_1038 = arith.index_cast %parallel_loop3A_1037 : i32 to index
        %parallel_loop3A_1039 = arith.index_cast %parallel_loop3A_1036 : i32 to index
        %parallel_loop3A_1040 = tpu.vector_load %arg9[%parallel_loop3A_1038, %parallel_loop3A_1039] {strides = array<i32>} : memref<16x2048xf32, #tpu.memory_space<vmem>>, vector<16xf32>,
        tpu.vector_store %arg9[%parallel_loop3A_1038, %parallel_loop3A_1039], %parallel_loop3A_1034 {strides = array<i32>} : memref<16x2048xf32, #tpu.memory_space<vmem>>, vector<16xf32>,
        %parallel_loop3A_1041 = arith.select %parallel_loop3A_971, %gather3A_896, %gather3A_872 : vector<16xi1>, vector<16xf32>
        %parallel_loop3A_1042 = arith.select %parallel_loop3A_971, %gather3A_944, %gather3A_920 : vector<16xi1>, vector<16xf32>
        %parallel_loop3A_1043 = arith.select %parallel_loop3A_977, %parallel_loop3A_1042, %parallel_loop3A_1041 : vector<16xi1>, vector<16xf32>
        %parallel_loop3A_1044 = arith.constant 16 : i32
        %parallel_loop3A_1045 = arith.muli %parallel_loop3A_961, %parallel_loop3A_1044 : i32
        %parallel_loop3A_1046 = arith.constant 15 : i32
        %parallel_loop3A_1047 = arith.index_cast %parallel_loop3A_1046 : i32 to index
        %parallel_loop3A_1048 = arith.index_cast %parallel_loop3A_1045 : i32 to index
        %parallel_loop3A_1049 = tpu.vector_load %arg9[%parallel_loop3A_1047, %parallel_loop3A_1048] {strides = array<i32>} : memref<16x2048xf32, #tpu.memory_space<vmem>>, vector<16xf32>,
        tpu.vector_store %arg9[%parallel_loop3A_1047, %parallel_loop3A_1048], %parallel_loop3A_1043 {strides = array<i32>} : memref<16x2048xf32, #tpu.memory_space<vmem>>, vector<16xf32>,
      } {sc.loop_unroll_factor = 2 : i64, sc.parallel_access}
      %add3A_948 = arith.addi %mul3A_2, %add3A_726 : i32
      %shift_right_logical3A_949 = arith.constant 3 : i32
      %shift_right_logical3A_950 = arith.shrui %add3A_948, %shift_right_logical3A_949 : i32
      %and3A_951 = arith.constant 7 : i32
      %and3A_952 = arith.andi %add3A_948, %and3A_951 : i32
      %mul3A_953 = arith.constant 2048 : i32
      %mul3A_954 = arith.muli %and3A_952, %mul3A_953 : i32
      %dma_start3A_955 = arith.constant 0 : i32
      %dma_start3A_956 = tpu.memref_slice %arg4[%shift_right_logical3A_950, %dma_start3A_955, %mul3A_954] : memref<200x16x16384xf32, #tpu.memory_space<hbm>> -> memref<1x16x2048xf32, #tpu.memory_space<hbm>>
      %dma_start3A_957 = tpu.memref_squeeze %dma_start3A_956 : memref<1x16x2048xf32, #tpu.memory_space<hbm>> -> memref<16x2048xf32, #tpu.memory_space<hbm>>
      %dma_start3A_958 = arith.constant 0 : i32
      %dma_start3A_959 = tpu.memref_slice %arg4[%shift_right_logical3A_950, %dma_start3A_958, %mul3A_954] : memref<200x16x16384xf32, #tpu.memory_space<hbm>> -> memref<1x16x2048xf32, #tpu.memory_space<hbm>>
      %dma_start3A_960 = tpu.memref_squeeze %dma_start3A_959 : memref<1x16x2048xf32, #tpu.memory_space<hbm>> -> memref<16x2048xf32, #tpu.memory_space<hbm>>
      tpu.enqueue_dma source(%arg9 : memref<16x2048xf32, #tpu.memory_space<vmem>>) target(%dma_start3A_960 : memref<16x2048xf32, #tpu.memory_space<hbm>>) target_semaphore(%arg13 : memref<!tpu.dma_semaphore, #tpu.memory_space<semaphore_mem>>)
    }
    %scan3A_465 = arith.constant 24 : i32
    %dma_wait3A_466 = arith.constant 0 : i32
    %dma_wait3A_467 = arith.constant 0 : i32
    %dma_wait3A_468 = arith.constant 0 : i32
    %dma_wait3A_469 = tpu.memref_slice %arg4[%dma_wait3A_466, %dma_wait3A_467, %dma_wait3A_468] : memref<200x16x16384xf32, #tpu.memory_space<hbm>> -> memref<1x16x2048xf32, #tpu.memory_space<hbm>>
    %dma_wait3A_470 = tpu.memref_squeeze %dma_wait3A_469 : memref<1x16x2048xf32, #tpu.memory_space<hbm>> -> memref<16x2048xf32, #tpu.memory_space<hbm>>
    %dma_wait3A_471 = arith.constant 0 : i32
    %dma_wait3A_472 = arith.constant 0 : i32
    %dma_wait3A_473 = tpu.memref_slice %arg4[%dma_wait3A_466, %dma_wait3A_471, %dma_wait3A_472] : memref<200x16x16384xf32, #tpu.memory_space<hbm>> -> memref<1x16x2048xf32, #tpu.memory_space<hbm>>
    %dma_wait3A_474 = tpu.memref_squeeze %dma_wait3A_473 : memref<1x16x2048xf32, #tpu.memory_space<hbm>> -> memref<16x2048xf32, #tpu.memory_space<hbm>>
    tpu.wait_dma2 semaphore(%arg12 : memref<!tpu.dma_semaphore, #tpu.memory_space<semaphore_mem>>) src(%arg8 : memref<16x2048xf32, #tpu.memory_space<vmem>>) dst(%dma_wait3A_474 : memref<16x2048xf32, #tpu.memory_space<hbm>>)
    %dma_wait3A_475 = arith.constant 0 : i32
    %dma_wait3A_476 = arith.constant 0 : i32
    %dma_wait3A_477 = arith.constant 0 : i32
    %dma_wait3A_478 = tpu.memref_slice %arg4[%dma_wait3A_475, %dma_wait3A_476, %dma_wait3A_477] : memref<200x16x16384xf32, #tpu.memory_space<hbm>> -> memref<1x16x2048xf32, #tpu.memory_space<hbm>>
    %dma_wait3A_479 = tpu.memref_squeeze %dma_wait3A_478 : memref<1x16x2048xf32, #tpu.memory_space<hbm>> -> memref<16x2048xf32, #tpu.memory_space<hbm>>
    %dma_wait3A_480 = arith.constant 0 : i32
    %dma_wait3A_481 = arith.constant 0 : i32
    %dma_wait3A_482 = tpu.memref_slice %arg4[%dma_wait3A_475, %dma_wait3A_480, %dma_wait3A_481] : memref<200x16x16384xf32, #tpu.memory_space<hbm>> -> memref<1x16x2048xf32, #tpu.memory_space<hbm>>
    %dma_wait3A_483 = tpu.memref_squeeze %dma_wait3A_482 : memref<1x16x2048xf32, #tpu.memory_space<hbm>> -> memref<16x2048xf32, #tpu.memory_space<hbm>>
    tpu.wait_dma2 semaphore(%arg13 : memref<!tpu.dma_semaphore, #tpu.memory_space<semaphore_mem>>) src(%arg9 : memref<16x2048xf32, #tpu.memory_space<vmem>>) dst(%dma_wait3A_483 : memref<16x2048xf32, #tpu.memory_space<hbm>>)
    return
  }
}

</mosaic_0001>

<sc_bundles>
// kernel: kernel.3.cloned.1.call-start
scs
__scs_entry_jumppad:
0x0: {  	(pc) =	sbr.rel $0x88, $3  }
0x1: {  	(tag) =	ssettag $0x0;
	lr =	simm.s32 $0x1  }
0x2: {  	[smem:$0x3F9F] =	sst lr;
	_ =	strace $0xD0000000  }
0x3: {  	_ = 	snop  }
0x4: {  	_ = 	snop  }
0x5: {  	_ = 	snop  }
0x6: {  	_ = 	snop  }
0x7: {  	_ = 	snop  }
__scs_overlays_trampoline_lowered:
0x8: {  	[smem:$0x3FAE] =	sst s0  }
0x9: {  	[smem:$0x3FAF] =	sst s1  }
0xa: {  	[smem:$0x3FB0] =	sst s2  }
0xb: {  	[smem:$0x3FB1] =	sst s3  }
0xc: {  	[smem:$0x3FB2] =	sst s4  }
0xd: {  	[smem:$0x3FB3] =	sst s5  }
0xe: {  	[smem:$0x3FB4] =	sst s6  }
0xf: {  	[smem:$0x3FB5] =	sst s7  }
0x10: {  	[smem:$0x3FB6] =	sst s8  }
0x11: {  	[smem:$0x3FB7] =	sst s9;
	s0 =	simm.s32 @!p0 $0x0  }
0x12: {  	s1 =	sld [smem:$0x3F9D];
	s0 =	simm.s32 @p0 $0x1  }
0x13: {  	[smem:$0x3FB8] =	sst s0;
	s0 =	simm.s32 @!p1 $0x0  }
0x14: {  	s2 =	sld [smem:$0x3F9C];
	s0 =	simm.s32 @p1 $0x1  }
0x15: {  	[smem:$0x3FB9] =	sst s0;
	s0 =	simm.s32 @!p2 $0x0  }
0x16: {  	s3 =	sld [smem:$0x3FDB];
	s0 =	simm.s32 @p2 $0x1  }
0x17: {  	s4 =	simm.s32 $0x1BF5;
	[smem:$0x3FBB] =	sst s0  }
0x18: {  	s0 =	sld [smem:$0x3F9E];
	_ =	swait.ge [sflag:s4], $0x0  }
0x19: {  	s7 =	sld [smem:$0x3F9F]  }
0x1a: {  	s8 =	sadd.s32 $0xFFFFE003, lr  }
0x1b: {  	s9 =	sadd.s32 $0xFFFFFEF7, lr;
	s5 =	simm.s32 $0xFFFFFFFF;
	p2 =	slt.u32 s8, $0xFFFFF086  }
0x1c: {  	p1 =	slt.u32 s9, $0xF7A;
	s5 =	simm.s32 @!p2 $0x0  }
0x1d: {  	s5 =	simm.s32 @p1 $0x1;
	p0 =	seq.s32 s7, s2  }
0x1e: {  	s7 =	smul.u32 @!p0 $0xF7A, s2;
	p2 =	seq.s32 @!p0 s5, $0x0  }
0x1f: {  	s9 =	smul.u32 $0xF7A, s1;
	s8 =	simm.s32 @!p0 $0x1BF5;
	p2 =	por !p2, p0  }
0x20: {  	[sflag:s8] =	ssyncset.s32 @!p0 $0xFFFFF086;
	s6 =	sadd.s32 @!p0 s3, s7;
	s7 =	simm.s32 @!p0 $0x108  }
0x21: {  	s3 =	sadd.s32 s3, s9;
	s6 =	sadd.s32 @!p0 $0x88, s6;
	s7 =	simm.s32 @p2 $0x1082  }
0x22: {  	[simem:s7], [sflag:s8] =	dma.local @!p0 [hbm:s6], $0xF7A  }
0x23: {  	s9 =	sor.u32 $0xD0000000, s2;
	s6 =	simm.s32 $0x108;
	_ =	swait.ge @!p0 [sflag:s8], $0x0  }
0x24: {  	s3 =	sadd.s32 $0x88, s3;
	s6 =	simm.s32 @!p1 $0x1082;
	[sflag:s4] =	ssyncset.s32 $0xFFFFF086  }
0x25: {  	[simem:s6], [sflag:s4] =	dma.local [hbm:s3], $0xF7A  }
0x26: {  	[smem:$0x3F9F] =	sst s1;
	(tag) =	ssettag s2;
	_ =	strace s9  }
0x27: {  	s1 =	sld [smem:$0x3FAF]  }
0x28: {  	s2 =	sld [smem:$0x3FB0]  }
0x29: {  	s4 =	sld [smem:$0x3FB2]  }
0x2a: {  	p0 =	seq.s32 s5, $0x0;
	s5 =	sld [smem:$0x3FB3]  }
0x2b: {  	s6 =	sld [smem:$0x3FB4]  }
0x2c: {  	s7 =	sld [smem:$0x3FB5]  }
0x2d: {  	s3 =	simm.s32 $0x108;
	s8 =	sld [smem:$0x3FB6]  }
0x2e: {  	s3 =	simm.s32 @!p0 $0x1082;
	s9 =	sld [smem:$0x3FB7]  }
0x2f: {  	lr =	sadd.s32 s0, s3;
	s0 =	sld [smem:$0x3FAE]  }
0x30: {  	s3 =	sld [smem:$0x3FB1]  }
0x31: {  	[smem:$0x3FBA] =	sst s10  }
0x32: {  	s10 =	sld [smem:$0x3FB8];
	_ =	sdelay $0x3  }
0x33: {  	p0 =	seq.s32 s10, $0x1;
	s10 =	sld [smem:$0x3FBA];
	_ =	sdelay $0x3  }
0x34: {  	[smem:$0x3FBA] =	sst s10  }
0x35: {  	s10 =	sld [smem:$0x3FB9];
	_ =	sdelay $0x3  }
0x36: {  	p1 =	seq.s32 s10, $0x1;
	s10 =	sld [smem:$0x3FBA];
	_ =	sdelay $0x3  }
0x37: {  	[smem:$0x3FBA] =	sst s10  }
0x38: {  	s10 =	sld [smem:$0x3FBB]  }
0x39: {  	_ = 	snop;
	(pc) =	sbr.ind lr, $3  }
0x3a: {  	_ = 	snop  }
0x3b: {  	_ = 	snop  }
0x3c: {  	p2 =	seq.s32 s10, $0x1;
	s10 =	sld [smem:$0x3FBA]  }
0x3d: {  	_ =	shalt  }
0x3e: {  	_ =	shalt  }
0x3f: {  	_ =	shalt  }
0x40: {  	_ =	shalt  }
0x41: {  	_ =	shalt  }
0x42: {  	_ =	shalt  }
0x43: {  	_ =	shalt  }
0x44: {  	_ =	shalt  }
0x45: {  	_ =	shalt  }
0x46: {  	_ =	shalt  }
0x47: {  	_ =	shalt  }
0x48: {  	_ =	shalt  }
0x49: {  	_ =	shalt  }
0x4a: {  	_ =	shalt  }
0x4b: {  	_ =	shalt  }
0x4c: {  	_ =	shalt  }
0x4d: {  	_ =	shalt  }
0x4e: {  	_ =	shalt  }
0x4f: {  	_ =	shalt  }
0x50: {  	_ =	shalt  }
0x51: {  	_ =	shalt  }
0x52: {  	_ =	shalt  }
0x53: {  	_ =	shalt  }
0x54: {  	_ =	shalt  }
0x55: {  	_ =	shalt  }
0x56: {  	_ =	shalt  }
0x57: {  	_ =	shalt  }
0x58: {  	_ =	shalt  }
0x59: {  	_ =	shalt  }
0x5a: {  	_ =	shalt  }
0x5b: {  	_ =	shalt  }
0x5c: {  	_ =	shalt  }
0x5d: {  	_ =	shalt  }
0x5e: {  	_ =	shalt  }
0x5f: {  	_ =	shalt  }
0x60: {  	_ =	shalt  }
0x61: {  	_ =	shalt  }
0x62: {  	_ =	shalt  }
0x63: {  	_ =	shalt  }
0x64: {  	_ =	shalt  }
0x65: {  	_ =	shalt  }
0x66: {  	_ =	shalt  }
0x67: {  	_ =	shalt  }
0x68: {  	_ =	shalt  }
0x69: {  	_ =	shalt  }
0x6a: {  	_ =	shalt  }
0x6b: {  	_ =	shalt  }
0x6c: {  	_ =	shalt  }
0x6d: {  	_ =	shalt  }
0x6e: {  	_ =	shalt  }
0x6f: {  	_ =	shalt  }
0x70: {  	_ =	shalt  }
0x71: {  	_ =	shalt  }
0x72: {  	_ =	shalt  }
0x73: {  	_ =	shalt  }
0x74: {  	_ =	shalt  }
0x75: {  	_ =	shalt  }
0x76: {  	_ =	shalt  }
0x77: {  	_ =	shalt  }
0x78: {  	_ =	shalt  }
0x79: {  	_ =	shalt  }
0x7a: {  	_ =	shalt  }
0x7b: {  	_ =	shalt  }
0x7c: {  	_ =	shalt  }
0x7d: {  	_ =	shalt  }
0x7e: {  	_ =	shalt  }
0x7f: {  	_ =	shalt  }
0x80: {  	_ =	shalt  }
0x81: {  	_ =	shalt  }
0x82: {  	_ =	shalt  }
0x83: {  	_ =	shalt  }
0x84: {  	_ =	shalt  }
0x85: {  	_ =	shalt  }
0x86: {  	_ =	shalt  }
0x87: {  	_ =	shalt  }
.Lfunc_end0:
.L_simem_size_0:
called_computation_lowered:
.L_overlay_start_0:
0x88: {  	s2 =	sld [smem:$0x3FD9]  }
0x89: {  	s3 =	sld [smem:$0x3FFE];
	_ =	sdelay $0x1  }
0x8a: {  	s1 =	srdreg.scid  }
0x8b: {  	s0 =	sand.u32 $0x1, s1  }
0x8c: {  	s17 =	sshll.u32 s0, $0xA;
	s2 =	sadd.s32 s3, s2  }
0x8d: {  	s2 =	sadd.s32 s2, s17  }
0x8e: {  	[smem:$0x3FC6] =	sst s2  }
0x8f: {  	_ = 	snop  }
0x90: {  	s2 =	sld [smem:$0x3FC9]  }
0x91: {  	s18 =	sld [smem:$0x3FD0];
	(tm) =	ssettm $0x1  }
0x92: {  	s4 =	sld [smem:$0x3FFB];
	_ =	sdelay $0x3  }
0x93: {  	_ =	strace s4  }
0x94: {  	s4 =	sld [smem:$0x3FFC];
	_ =	sdelay $0x3  }
0x95: {  	_ =	strace s4  }
0x96: {  	s4 =	sld [smem:$0x3FFD];
	_ =	sdelay $0x3  }
0x97: {  	_ =	strace s4  }
0x98: {  	_ =	strace $0x8FFFFFFF  }
0x99: {  	s19 =	sld [smem:$0x3FDB];
	_ =	sdelay $0x1  }
0x9a: {  	s5 =	simm.s32 $_scs_section_size  }
0x9b: {  	s6 =	simm.s32 $_size__tile_overlayer_lowered;
	s7 =	simm.s32 $_tile_overlayer_lowered  }
0x9c: {  	s22 =	simm.s32 $0x1BFF;
	s21 =	sshll.u32 s7, $0x1;
	s4 =	sadd.s32 s5, s19  }
0x9d: {  	s8 =	simm.s32 $0x0;
	s20 =	sshll.u32 s6, $0x1;
	s6 =	sadd.s32 s21, s4  }
0x9e: {  	[timem:s8], [sflag:s22] =	dma.local [hbm:s6], s20  }
0x9f: {  	_ =	swait.ge [sflag:s22], s20  }
0xa0: {  	s5 =	ssub.s32 $0x0, s20;
	[sflag:s22] =	ssyncset.done $0x0  }
0xa1: {  	[sflag:s22] =	ssyncadd.s32 s5;
	_ =	sdelay $0x1  }
0xa2: {  	s23 =	simm.s32 $0x1B8B  }
0xa3: {  	_ =	swait.ge [sflag:s23], $0x1  }
0xa4: {  	[sflag:s23] =	ssyncset.done $0x0  }
0xa5: {  	s25 =	simm.s32 $0x1B8E;
	s24 =	sld [smem:$0x3FFE];
	[sflag:s23] =	ssyncadd.s32 $0xFFFFFFFF  }
0xa6: {  	s26 =	simm.s32 $execute0_lowered;
	[smem:$0x3FD2] =	sst s25  }
0xa7: {  	s6 =	sshll.u32 s26, $0x1;
	_ =	strace $0x80000046;
	[dreg:$0x1] =	wrdreg $0xFFFFFFFF  }
0xa8: {  	s28 =	simm.s32 $_size_execute0_lowered;
	s4 =	sadd.s32 s4, s6;
	[dreg:$0x0] =	wrdreg $0x0  }
0xa9: {  	s6 =	sshll.u32 s28, $0x1;
	[dreg:$0x2] =	wrdreg s4  }
0xaa: {  	[dreg:$0x3] =	wrdreg s6  }
0xab: {  	[dreg:$0x4] =	wrdreg $0xC0  }
0xac: {  	_ =	task [dreg:s8], $0x5FFFF  }
0xad: {  	[dreg:$0x1] =	wrdreg $0xFFFFFFFF  }
0xae: {  	[dreg:$0x0] =	wrdreg $0x60  }
0xaf: {  	[dreg:$0x2] =	wrdreg s2  }
0xb0: {  	[dreg:$0x3] =	wrdreg s24  }
0xb1: {  	[dreg:$0x4] =	wrdreg s18  }
0xb2: {  	[dreg:$0x5] =	wrdreg $0x9  }
0xb3: {  	_ =	task.clear_ibuf [dreg:s8], $0x6FFFF;
	_ =	strace $0x90000046  }
0xb4: {  	s29 =	simm.s32 $0x9;
	_ =	strace $0x80000048  }
0xb5: {  	_ =	swait.ge [sflag:s29], $0x1  }
0xb6: {  	[sflag:s29] =	ssyncadd.s32 $0xFFFFFFFF  }
0xb7: {  	_ =	strace $0x90000048  }
0xb8: {  	_ =	sfence  }
0xb9: {  	s30 =	sld [smem:$0x0];
	_ =	sdelay $0x2  }
0xba: {  	s31 =	sshll.u32 s1, $0xD;
	s1 =	sshrl.u32 s1, $0x2  }
0xbb: {  	s3 =	sand.u32 $0x4000, s31;
	s1 =	sadd.s32 s1, s30  }
0xbc: {  	s0 =	sor.u32 s3, s0;
	s1 =	sshll.u32 s1, $0x11  }
0xbd: {  	s0 =	sor.u32 s1, s0  }
0xbe: {  	s0 =	sadd.s32 $0x8F2B, s0  }
0xbf: {  	[sflag:s0] =	ssyncadd.remote.s32 $0x1  }
0xc0: {  	_ =	sfence.sel $0xFFFF  }
0xc1: {  	[dreg:$0x0] =	wrdreg $0xFFFFFFFF;
	(pc) =	sbr.abs _section_cstart, $3  }
0xc2: {  	[dreg:$0x1] =	wrdreg $0xFFFFFFFF  }
0xc3: {  	_ =	task.clear_ibuf [dreg:s8], $0x2FFFF;
	_ =	strace $0x9FFFFFFF  }
0xc4: {  	(tm) =	ssettm $0x7FFFFFFF  }
0xc5: {  	_ =	shalt  }
tec
execute0_lowered:
.L_overlay_start_1:
0x0: {  	(tag) =	ssettag $0x1  }
0x1: {  	s1 =	rddreg [dreg:$0x0]  }
0x2: {  	s0 =	rddreg [dreg:$0x1];
	s2 =	srdreg.scid  }
0x3: {  	s4 =	stileid.u32;
	s3 =	rddreg [dreg:$0x2];
	s19 =	simm.s32 $0x0  }
0x4: {  	s16 =	simm.s32 $0x1;
	s18 =	simm.s32 $0x4000;
	s15 =	simm.s32 $0x80  }
0x5: {  	s2 =	sand.u32 $0x1, s2;
	s5 =	sshll.u32 s4, $0x1;
	[smem:$0x7FF] =	sst s19  }
0x6: {  	s0 =	sadd.s32 $0x400, s0;
	s19 =	simm.s32 $0x20000;
	s6 =	sor.u32 s2, s5  }
0x7: {  	_ =	strace $0x80000047;
	s20 =	ssub.s32 $0x2, s2;
	s5 =	smul.u32 $0x32, s6  }
0x8: {  	s7 =	smul.u32 $0x19000, s6;
	s8 =	sshrl.u32 s20, $0x1;
	s6 =	sshll.u32 s6, $0xF  }
0x9: {  	[dreg:$0x4] =	wrdreg s0;
	s0 =	ssub.s32 s20, s8;
	s6 =	sand.u32 $0x18000, s6  }
0xa: {  	s21 =	sshll.u32 s5, $0x4;
	s23 =	sor.u32 $0x4000, s6;
	s9 =	sshll.u32 s5, $0xF  }
0xb: {  	s0 =	smax.u32 s0, $0x1;
	s2 =	sor.u32 s7, s21;
	s10 =	sand.u32 $0x3FC0000, s9  }
0xc: {  	s9 =	sadd.s32 $0x2, s5;
	[dreg:$0xa] =	wrdreg s0;
	s21 =	simm.s32 $0x2  }
0xd: {  	s2 =	sand.u32 $0x3E0380, s2;
	s26 =	sshll.u32 s9, $0x8;
	s28 =	sshll.u32 s9, $0xB  }
0xe: {  	v37 =	vimm.s32 $0xE;
	v38 =	vimm.s32 $0xF;
	s11 =	sshll.u32 s9, $0x1;
	s8 =	sor.u32 s23, s10;
	s22 =	sor.u32 s6, s2  }
0xf: {  	v39 =	vimm.s32 $0x18;
	v40 =	vimm.s32 $0x19;
	v41 =	vimm.s32 $0x1A;
	s2 =	sor.u32 s23, s2;
	s6 =	sor.u32 s6, s10;
	s11 =	sand.u32 $0x70, s11  }
0x10: {  	v42 =	vimm.s32 $0x1B;
	v43 =	vimm.s32 $0x1C;
	v44 =	vimm.s32 $0x1D;
	s7 =	sshrl.u32 s22, $0x3;
	s2 =	sshrl.u32 s2, $0x3;
	s25 =	sshrl.u32 s6, $0x3  }
0x11: {  	v45 =	vimm.s32 $0x1E;
	v46 =	vimm.s32 $0x1F;
	v47 =	vimm.s32 $0x28;
	s6 =	sand.u32 $0xFC000, s26;
	s29 =	sadd.s32 s1, s11;
	s24 =	sadd.s32 s1, s7  }
0x12: {  	v48 =	vimm.s32 $0x29;
	v49 =	vimm.s32 $0x2A;
	v50 =	vimm.s32 $0x2B;
	s2 =	sadd.s32 s1, s2;
	s7 =	sand.u32 $0x3000, s28;
	[dreg:$0x5] =	wrdreg s24  }
0x13: {  	v51 =	vimm.s32 $0x2C;
	v52 =	vimm.s32 $0x2D;
	v53 =	vimm.s32 $0x2E;
	[dreg:$0x6] =	wrdreg s2;
	s6 =	sor.u32 s7, s6;
	s2 =	sadd.s32 s3, s25  }
0x14: {  	v54 =	vimm.s32 $0x2F;
	v55 =	vimm.s32 $0x38;
	v56 =	vimm.s32 $0x39;
	s31 =	sshrl.u32 s8, $0x3;
	[dreg:$0x7] =	wrdreg s2;
	s30 =	sadd.s32 s6, s29  }
0x15: {  	v57 =	vimm.s32 $0x3A;
	v58 =	vimm.s32 $0x3B;
	v59 =	vimm.s32 $0x3C;
	s24 =	simm.s32 $0x3;
	s2 =	sadd.s32 s3, s31;
	[dreg:$0x8] =	wrdreg s30  }
0x16: {  	v60 =	vimm.s32 $0x3D;
	v61 =	vimm.s32 $0x3E;
	v62 =	vimm.s32 $0x3F;
	s25 =	simm.s32 $0x4;
	[dreg:$0x9] =	wrdreg s2;
	s2 =	simm.s32 $0x0  }
.LBB2_1:
0x17: {  	[dreg:$0xb] =	wrdreg s2  }
0x18: {  	s4 =	simm.s32 $0x0;
	s0 =	rddreg [dreg:$0x4];
	s13 =	simm.s32 $0x5  }
0x19: {  	[tilespmem:s4], [sflag:$0x5] =	stream.linear.gather [hbm4b:s0+s4], $0x80, $0x38;
	[tilespmem:$0x11080] =	vst v63  }
0x1a: {  	_ =	swait.ge [sflag:s13], $0x80  }
0x1b: {  	[sflag:s13] =	ssyncset.done $0x0  }
0x1c: {  	s17 =	simm.s32 $0x400;
	s14 =	rddreg [dreg:$0x5];
	[sflag:s13] =	ssyncadd.s32 $0xFFFFFF80  }
0x1d: {  	v3 =	vimm.s32 $0x10;
	[tilespmem:s15], [sflag:$0x1] =	stream.strided.gather [hbm4b:s14+s15], $0x800, s17, s15, $0x38;
	[tilespmem:$0x11080] =	vst v63  }
0x1e: {  	v9 =	vimm.s32 $0x20;
	_ =	swait.ge [sflag:s16], $0x800  }
0x1f: {  	[sflag:s16] =	ssyncset.done $0x0  }
0x20: {  	s6 =	simm.s32 $0x880;
	s20 =	rddreg [dreg:$0x6];
	[sflag:s16] =	ssyncadd.s32 $0xFFFFF800  }
0x21: {  	v0 =	vimm.s32 $0x1;
	[tilespmem:s6], [sflag:$0x2] =	stream.strided.gather [hbm4b:s20+s15], $0x800, s17, s15, $0x38;
	[tilespmem:$0x11080] =	vst v63  }
0x22: {  	v20 =	vld.idx.msk [tilespmem:v3+s4+$0x0], $0xffff;
	v3 =	vimm.s32 $0x11  }
0x23: {  	v23 =	vld.idx.msk [tilespmem:v9+s4+$0x0], $0xffff;
	v9 =	vimm.s32 $0x21;
	_ =	sdelay $0x2  }
0x24: {  	v12 =	vld.idx.msk [tilespmem:v0+s4+$0x0], $0xffff;
	v0 =	vimm.s32 $0x2  }
0x25: {  	v18 =	vld.idx.msk [tilespmem:v3+s4+$0x0], $0xffff;
	v3 =	vimm.s32 $0x12  }
0x26: {  	v22 =	vld.idx.msk [tilespmem:v9+s4+$0x0], $0xffff;
	v9 =	vimm.s32 $0x22  }
0x27: {  	v24 =	vimm.s32 $0x30  }
0x28: {  	v25 =	vld [tilespmem:s15+$0x0]  }
0x29: {  	v8 =	vld.idx.msk [tilespmem:v0+s4+$0x0], $0xffff;
	v0 =	vimm.s32 $0x3  }
0x2a: {  	s22 =	sand.u32 $0x60, s4;
	v16 =	vld.idx.msk [tilespmem:v3+s4+$0x0], $0xffff;
	v3 =	vimm.s32 $0x13  }
0x2b: {  	s26 =	sand.u32 $0x780, s4;
	s23 =	sor.u32 $0x10, s22;
	v21 =	vld.idx.msk [tilespmem:v9+s4+$0x0], $0xffff;
	v9 =	vimm.s32 $0x23  }
0x2c: {  	s6 =	sor.u32 s23, s26;
	v63 =	vld.idx.msk [tilespmem:v24+s4+$0x0], $0xffff;
	v24 =	vimm.s32 $0x31  }
0x2d: {  	v26 =	vld [tilespmem:s6+$0x80]  }
0x2e: {  	v6 =	vld.idx.msk [tilespmem:v0+s4+$0x0], $0xffff;
	v0 =	vimm.s32 $0x4  }
0x2f: {  	v13 =	vld.idx.msk [tilespmem:v3+s4+$0x0], $0xffff;
	v3 =	vimm.s32 $0x14  }
0x30: {  	v19 =	vld.idx.msk [tilespmem:v9+s4+$0x0], $0xffff;
	v9 =	vimm.s32 $0x24  }
0x31: {  	v30 =	vld.idx.msk [tilespmem:v24+s4+$0x0], $0xffff;
	v24 =	vimm.s32 $0x32  }
0x32: {  	v14 =	vld.msk [tilespmem:s4+$0x0], $0xffff;
	v28 =	vand.u32 $0x2, v25;
	v31 =	vand.u32 $0x1, v25;
	v25 =	vimm.s32 $0x35  }
0x33: {  	v4 =	vld.idx.msk [tilespmem:v0+s4+$0x0], $0xffff;
	v0 =	vimm.s32 $0x5  }
0x34: {  	v10 =	vld.idx.msk [tilespmem:v3+s4+$0x0], $0xffff;
	v3 =	vimm.s32 $0x15  }
0x35: {  	vm0 =	veq.s32 v28, $0x0;
	v28 =	vand.u32 $0x1, v26;
	v17 =	vld.idx.msk [tilespmem:v9+s4+$0x0], $0xffff;
	v9 =	vimm.s32 $0x25  }
0x36: {  	vm3 =	veq.s32 v28, $0x0;
	v28 =	vand.u32 $0x2, v26;
	v26 =	vimm.s32 $0x36;
	v29 =	vld.idx.msk [tilespmem:v24+s4+$0x0], $0xffff  }
0x37: {  	v24 =	vimm.s32 $0x33;
	v25 =	vld.idx.msk [tilespmem:v25+s4+$0x0], $0xffff  }
0x38: {  	v2 =	vld.idx.msk [tilespmem:v0+s4+$0x0], $0xffff;
	v0 =	vimm.s32 $0x6  }
0x39: {  	v7 =	vld.idx.msk [tilespmem:v3+s4+$0x0], $0xffff;
	v3 =	vimm.s32 $0x16  }
0x3a: {  	v15 =	vld.idx.msk [tilespmem:v9+s4+$0x0], $0xffff;
	v9 =	vimm.s32 $0x26  }
0x3b: {  	vm2 =	veq.s32 v28, $0x0;
	v28 =	vimm.s32 $0x37;
	v26 =	vld.idx.msk [tilespmem:v26+s4+$0x0], $0xffff  }
0x3c: {  	v27 =	vld.idx.msk [tilespmem:v24+s4+$0x0], $0xffff;
	v24 =	vimm.s32 $0x34  }
0x3d: {  	v1 =	vld.idx.msk [tilespmem:v0+s4+$0x0], $0xffff;
	v0 =	vimm.s32 $0x7  }
0x3e: {  	v5 =	vld.idx.msk [tilespmem:v3+s4+$0x0], $0xffff;
	v3 =	vimm.s32 $0x17  }
0x3f: {  	v11 =	vld.idx.msk [tilespmem:v9+s4+$0x0], $0xffff;
	v9 =	vimm.s32 $0x27  }
0x40: {  	v28 =	vld.idx.msk [tilespmem:v28+s4+$0x0], $0xffff  }
0x41: {  	s28 =	sand.u32 $0x3C00, s4;
	vm1 =	veq.s32 v31, $0x0;
	v31 =	vsel vm3, v14, v20;
	v32 =	vsel vm3, v23, v63;
	v24 =	vld.idx.msk [tilespmem:v24+s4+$0x0], $0xffff  }
0x42: {  	s6 =	sadd.s32 $0x1080, s28;
	v31 =	vsel vm2, v31, v32;
	v0 =	vld.idx.msk [tilespmem:v0+s4+$0x0], $0xffff  }
0x43: {  	s8 =	sor.u32 s23, s6;
	v36 =	vsel vm3, v12, v18;
	v33 =	vsel vm3, v22, v30;
	v32 =	vsel vm3, v8, v16;
	v3 =	vld.idx.msk [tilespmem:v3+s4+$0x0], $0xffff  }
0x44: {  	v9 =	vld.idx.msk [tilespmem:v9+s4+$0x0], $0xffff;
	[tilespmem:s8+$0x0] =	vst v31;
	v31 =	vsel vm2, v36, v33;
	v36 =	vsel vm3, v21, v29  }
0x45: {  	s29 =	sand.u32 $0x3, s4;
	[tilespmem:s8+$0x80] =	vst v31;
	v31 =	vsel vm2, v32, v36;
	v32 =	vsel vm3, v6, v13;
	v36 =	vsel vm3, v19, v27  }
0x46: {  	s7 =	sshll.u32 s29, $0x5;
	[tilespmem:s8+$0x100] =	vst v31;
	v31 =	vsel vm2, v32, v36;
	v32 =	vsel vm3, v4, v10;
	v36 =	vsel vm3, v17, v24  }
0x47: {  	s10 =	simm.s32 $0x0;
	s11 =	simm.s32 $0x0;
	s30 =	sadd.s32 $0x0, s7;
	[tilespmem:s8+$0x180] =	vst v31;
	v31 =	vsel vm2, v32, v36;
	v32 =	vsel vm3, v2, v7;
	v36 =	vsel vm3, v15, v25  }
0x48: {  	s0 =	simm.s32 $0x0;
	s2 =	sor.u32 s22, s6;
	s6 =	sadd.s32 $0x10, s30;
	[tilespmem:s8+$0x200] =	vst v31;
	v31 =	vsel vm2, v32, v36;
	v32 =	vsel vm3, v1, v5;
	v36 =	vsel vm3, v11, v26  }
0x49: {  	s12 =	sor.u32 $0x300, s30;
	s7 =	sor.u32 $0x380, s30;
	s31 =	sor.u32 $0x300, s6;
	[tilespmem:s8+$0x280] =	vst v31;
	v31 =	vsel vm2, v32, v36;
	v36 =	vsel vm3, v0, v3;
	v34 =	vsel vm3, v9, v28  }
0x4a: {  	s14 =	sor.u32 $0x380, s6;
	s6 =	simm.s32 $0x20;
	v33 =	vsel vm1, v23, v63;
	v32 =	vsel vm1, v14, v20;
	s8 =	simm.s32 $0x80;
	[tilespmem:s31+$0x1080] =	vst v31;
	v31 =	vsel vm2, v36, v34  }
.LBB2_2:
0x4b: {  	s13 =	sand.u32 $0x60, s6;
	v32 =	vsel vm0, v32, v33;
	v33 =	vsel vm1, v12, v18;
	v34 =	vsel vm1, v22, v30;
	[tilespmem:s14+$0x1080] =	vst v31  }
0x4c: {  	s17 =	sand.u32 $0x780, s6;
	s8 =	sadd.s32 $0x20, s8;
	s14 =	sor.u32 $0x10, s13;
	[tilespmem:s2+$0x0] =	vst v32;
	v31 =	vsel vm0, v33, v34;
	v32 =	vsel vm1, v8, v16;
	v33 =	vsel vm1, v21, v29  }
0x4d: {  	v34 =	vld [tilespmem:s8+$0x0];
	s17 =	sor.u32 s14, s17;
	[tilespmem:s2+$0x80] =	vst v31;
	v31 =	vsel vm0, v32, v33;
	v32 =	vsel vm1, v6, v13;
	v33 =	vsel vm1, v19, v27  }
0x4e: {  	v35 =	vld [tilespmem:s17+$0x80];
	[tilespmem:s2+$0x100] =	vst v31;
	v31 =	vsel vm0, v32, v33;
	v32 =	vsel vm1, v4, v10;
	v33 =	vsel vm1, v17, v24  }
0x4f: {  	[tilespmem:s2+$0x180] =	vst v31;
	v31 =	vsel vm0, v32, v33;
	v32 =	vsel vm1, v2, v7;
	v33 =	vsel vm1, v15, v25  }
0x50: {  	[tilespmem:s2+$0x200] =	vst v31;
	v31 =	vsel vm0, v32, v33;
	v32 =	vsel vm1, v1, v5;
	v33 =	vsel vm1, v11, v26  }
0x51: {  	[tilespmem:s2+$0x280] =	vst v31;
	v31 =	vsel vm0, v32, v33;
	v32 =	vsel vm1, v0, v3;
	v33 =	vsel vm1, v9, v28  }
0x52: {  	s0 =	sadd.s32 $0x2, s0;
	v36 =	vand.u32 $0x2, v34;
	[tilespmem:s12+$0x1080] =	vst v31;
	v31 =	vsel vm0, v32, v33  }
0x53: {  	s10 =	sadd.s32 $0x100, s10;
	p0 =	slt.u32 s0, $0x7E;
	v32 =	vand.u32 $0x1, v34;
	vm0 =	veq.s32 v36, $0x0;
	v33 =	vand.u32 $0x1, v35;
	[tilespmem:s7+$0x1080] =	vst v31  }
0x54: {  	s2 =	sand.u32 $0x3C00, s10;
	vm1 =	veq.s32 v32, $0x0;
	v31 =	vand.u32 $0x2, v35;
	vm3 =	veq.s32 v33, $0x0  }
0x55: {  	s7 =	sadd.s32 $0x1080, s2;
	vm2 =	veq.s32 v31, $0x0;
	v31 =	vsel vm3, v14, v20;
	v32 =	vsel vm3, v23, v63  }
0x56: {  	s2 =	sor.u32 s13, s7;
	s13 =	sor.u32 s14, s7;
	v33 =	vsel vm3, v22, v30;
	v31 =	vsel vm2, v31, v32;
	v32 =	vsel vm3, v12, v18  }
0x57: {  	s11 =	sadd.s32 $0x1, s11;
	[tilespmem:s13+$0x0] =	vst v31;
	v31 =	vsel vm2, v32, v33;
	v32 =	vsel vm3, v8, v16;
	v33 =	vsel vm3, v21, v29  }
0x58: {  	s7 =	sand.u32 $0x3, s11;
	[tilespmem:s13+$0x80] =	vst v31;
	v31 =	vsel vm2, v32, v33;
	v32 =	vsel vm3, v6, v13;
	v33 =	vsel vm3, v19, v27  }
.Ltmp0:
0x59: {  	s7 =	sshll.u32 s7, $0x5;
	[tilespmem:s13+$0x100] =	vst v31;
	v31 =	vsel vm2, v32, v33;
	v32 =	vsel vm3, v4, v10;
	v33 =	vsel vm3, v17, v24;
	(pc) =	sbr.rel @p0 .LBB2_2-.Ltmp0, $4  }
0x5a: {  	s14 =	sadd.s32 s7, s10;
	[tilespmem:s13+$0x180] =	vst v31;
	v31 =	vsel vm2, v32, v33;
	v32 =	vsel vm3, v2, v7;
	v33 =	vsel vm3, v15, v25  }
0x5b: {  	s12 =	sor.u32 $0x300, s14;
	s7 =	sor.u32 $0x380, s14;
	s14 =	sadd.s32 $0x10, s14;
	[tilespmem:s13+$0x200] =	vst v31;
	v31 =	vsel vm2, v32, v33;
	v32 =	vsel vm3, v1, v5;
	v33 =	vsel vm3, v11, v26  }
0x5c: {  	v34 =	vsel vm3, v0, v3;
	v35 =	vsel vm3, v9, v28;
	[tilespmem:s13+$0x280] =	vst v31;
	v31 =	vsel vm2, v32, v33;
	s13 =	sor.u32 $0x300, s14  }
0x5d: {  	s6 =	sadd.s32 $0x20, s6;
	v32 =	vsel vm1, v14, v20;
	v33 =	vsel vm1, v23, v63;
	s14 =	sor.u32 $0x380, s14;
	[tilespmem:s13+$0x1080] =	vst v31;
	v31 =	vsel vm2, v34, v35  }
0x5e: {  	v14 =	vsel vm0, v32, v33;
	v12 =	vsel vm1, v12, v18;
	v18 =	vsel vm1, v22, v30;
	[tilespmem:s14+$0x1080] =	vst v31  }
0x5f: {  	v8 =	vsel vm1, v8, v16;
	[tilespmem:s2+$0x0] =	vst v14;
	v12 =	vsel vm0, v12, v18;
	v14 =	vsel vm1, v21, v29  }
0x60: {  	v6 =	vsel vm1, v6, v13;
	[tilespmem:s2+$0x80] =	vst v12;
	v8 =	vsel vm0, v8, v14;
	v12 =	vsel vm1, v19, v27  }
0x61: {  	v4 =	vsel vm1, v4, v10;
	[tilespmem:s2+$0x100] =	vst v8;
	v6 =	vsel vm0, v6, v12;
	v8 =	vsel vm1, v17, v24  }
0x62: {  	v2 =	vsel vm1, v2, v7;
	[tilespmem:s2+$0x180] =	vst v6;
	v4 =	vsel vm0, v4, v8;
	v6 =	vsel vm1, v15, v25  }
0x63: {  	v1 =	vsel vm1, v1, v5;
	[tilespmem:s2+$0x200] =	vst v4;
	v2 =	vsel vm0, v2, v6;
	v4 =	vsel vm1, v11, v26  }
0x64: {  	v0 =	vsel vm1, v0, v3;
	[tilespmem:s2+$0x280] =	vst v2;
	v1 =	vsel vm0, v1, v4;
	v2 =	vsel vm1, v9, v28  }
0x65: {  	[tilespmem:s12+$0x1080] =	vst v1;
	v0 =	vsel vm0, v0, v2  }
0x66: {  	s28 =	simm.s32 $0x0;
	[tilespmem:s7+$0x1080] =	vst v0  }
0x67: {  	v63 =	vld.idx.msk [tilespmem:v38+s28+$0x0], $0xffff  }
0x68: {  	v19 =	vld.idx.msk [tilespmem:v39+s28+$0x0], $0xffff  }
0x69: {  	v0 =	vimm.s32 $0x8;
	v17 =	vld.idx.msk [tilespmem:v40+s28+$0x0], $0xffff  }
0x6a: {  	v15 =	vld.idx.msk [tilespmem:v41+s28+$0x0], $0xffff  }
0x6b: {  	v12 =	vld.idx.msk [tilespmem:v42+s28+$0x0], $0xffff  }
0x6c: {  	v9 =	vld.idx.msk [tilespmem:v43+s28+$0x0], $0xffff  }
0x6d: {  	v6 =	vld.idx.msk [tilespmem:v44+s28+$0x0], $0xffff  }
0x6e: {  	v13 =	vld.idx.msk [tilespmem:v0+s28+$0x0], $0xffff;
	v0 =	vimm.s32 $0x9  }
0x6f: {  	v4 =	vld.idx.msk [tilespmem:v45+s28+$0x0], $0xffff  }
0x70: {  	v2 =	vld.idx.msk [tilespmem:v46+s28+$0x0], $0xffff  }
0x71: {  	v22 =	vld.idx.msk [tilespmem:v47+s28+$0x0], $0xffff  }
0x72: {  	v21 =	vld.idx.msk [tilespmem:v48+s28+$0x0], $0xffff  }
0x73: {  	v11 =	vld.idx.msk [tilespmem:v0+s28+$0x0], $0xffff;
	v0 =	vimm.s32 $0xA  }
0x74: {  	v20 =	vld.idx.msk [tilespmem:v49+s28+$0x0], $0xffff  }
0x75: {  	v18 =	vld.idx.msk [tilespmem:v50+s28+$0x0], $0xffff  }
0x76: {  	v16 =	vld.idx.msk [tilespmem:v51+s28+$0x0], $0xffff  }
0x77: {  	v14 =	vld.idx.msk [tilespmem:v52+s28+$0x0], $0xffff  }
0x78: {  	v7 =	vld.idx.msk [tilespmem:v0+s28+$0x0], $0xffff;
	v0 =	vimm.s32 $0xB  }
0x79: {  	s8 =	sand.u32 $0x60, s28;
	v10 =	vld.idx.msk [tilespmem:v53+s28+$0x0], $0xffff  }
0x7a: {  	s0 =	simm.s32 $0x80;
	s22 =	sand.u32 $0x780, s28;
	s4 =	sor.u32 $0x10, s8;
	v8 =	vld.idx.msk [tilespmem:v54+s28+$0x0], $0xffff  }
0x7b: {  	s2 =	sor.u32 s4, s22;
	v24 =	vld [tilespmem:s0+$0x0]  }
0x7c: {  	v25 =	vld [tilespmem:s2+$0x80]  }
0x7d: {  	v5 =	vld.idx.msk [tilespmem:v0+s28+$0x0], $0xffff;
	v0 =	vimm.s32 $0xC  }
0x7e: {  	v30 =	vld.idx.msk [tilespmem:v55+s28+$0x0], $0xffff  }
0x7f: {  	v29 =	vld.idx.msk [tilespmem:v56+s28+$0x0], $0xffff  }
0x80: {  	v28 =	vld.idx.msk [tilespmem:v57+s28+$0x0], $0xffff  }
0x81: {  	v26 =	vld.idx.msk [tilespmem:v58+s28+$0x0], $0xffff  }
0x82: {  	v3 =	vld.idx.msk [tilespmem:v0+s28+$0x0], $0xffff;
	v0 =	vimm.s32 $0xD  }
0x83: {  	v23 =	vld.idx.msk [tilespmem:v59+s28+$0x0], $0xffff;
	v27 =	vand.u32 $0x2, v24  }
0x84: {  	v31 =	vand.u32 $0x1, v24;
	v24 =	vld.idx.msk [tilespmem:v60+s28+$0x0], $0xffff;
	vm0 =	veq.s32 v27, $0x0;
	v27 =	vand.u32 $0x1, v25  }
0x85: {  	vm2 =	veq.s32 v27, $0x0;
	v27 =	vand.u32 $0x2, v25;
	v25 =	vld.idx.msk [tilespmem:v61+s28+$0x0], $0xffff  }
0x86: {  	s13 =	sand.u32 $0x3C00, s28;
	vm3 =	veq.s32 v27, $0x0;
	v27 =	vld.idx.msk [tilespmem:v62+s28+$0x0], $0xffff  }
0x87: {  	s23 =	sadd.s32 $0x5080, s13;
	s10 =	sadd.s32 $0x5100, s13;
	vm1 =	veq.s32 v31, $0x0;
	v36 =	vsel vm2, v22, v30;
	v31 =	vsel vm2, v13, v19;
	v1 =	vld.idx.msk [tilespmem:v0+s28+$0x0], $0xffff  }
0x88: {  	s26 =	sadd.s32 $0x5180, s13;
	s17 =	sadd.s32 $0x5200, s13;
	s11 =	sor.u32 s4, s23;
	v31 =	vsel vm3, v31, v36;
	v36 =	vsel vm2, v21, v29;
	v32 =	vsel vm2, v11, v17;
	v0 =	vld.idx.msk [tilespmem:v37+s28+$0x0], $0xffff  }
0x89: {  	s20 =	sadd.s32 $0x5280, s13;
	s31 =	sadd.s32 $0x5380, s13;
	s29 =	sor.u32 s4, s10;
	[tilespmem:s11+$0x0] =	vst v31;
	v31 =	vsel vm3, v32, v36;
	v32 =	vsel vm2, v7, v15;
	v36 =	vsel vm2, v20, v28  }
0x8a: {  	s6 =	sor.u32 s8, s23;
	s14 =	sor.u32 s4, s26;
	s30 =	sor.u32 s4, s20;
	[tilespmem:s29+$0x0] =	vst v31;
	v31 =	vsel vm3, v32, v36;
	v32 =	vsel vm2, v5, v12;
	v36 =	vsel vm2, v18, v26  }
0x8b: {  	s7 =	sor.u32 s8, s10;
	s11 =	sor.u32 s8, s17;
	s17 =	sor.u32 s4, s17;
	[tilespmem:s14+$0x0] =	vst v31;
	v31 =	vsel vm3, v32, v36;
	v32 =	vsel vm2, v3, v9;
	v36 =	vsel vm2, v16, v23  }
0x8c: {  	s10 =	sor.u32 s8, s26;
	s26 =	sadd.s32 $0x5300, s13;
	s13 =	sadd.s32 $0x5400, s13;
	[tilespmem:s17+$0x0] =	vst v31;
	v31 =	vsel vm3, v32, v36;
	v36 =	vsel vm2, v14, v24;
	v32 =	vsel vm2, v1, v6  }
0x8d: {  	s2 =	simm.s32 $0x0;
	s22 =	sor.u32 s8, s26;
	s26 =	sor.u32 s4, s26;
	[tilespmem:s30+$0x0] =	vst v31;
	v31 =	vsel vm3, v32, v36;
	v32 =	vsel vm2, v0, v4;
	v36 =	vsel vm2, v10, v25  }
0x8e: {  	v34 =	vsel vm2, v8, v27;
	s14 =	sor.u32 s8, s20;
	s20 =	sor.u32 s4, s31;
	s17 =	sor.u32 s8, s31;
	[tilespmem:s26+$0x0] =	vst v31;
	v31 =	vsel vm3, v32, v36;
	v36 =	vsel vm2, v63, v2  }
0x8f: {  	v33 =	vsel vm1, v22, v30;
	v32 =	vsel vm1, v13, v19;
	[tilespmem:s20+$0x0] =	vst v31;
	v31 =	vsel vm3, v36, v34;
	s20 =	sor.u32 s8, s13;
	s13 =	sor.u32 s4, s13;
	s8 =	simm.s32 $0x20  }
.LBB2_4:
0x90: {  	s12 =	sand.u32 $0x60, s8;
	v32 =	vsel vm0, v32, v33;
	v33 =	vsel vm1, v11, v17;
	v34 =	vsel vm1, v21, v29;
	[tilespmem:s13+$0x0] =	vst v31  }
0x91: {  	s26 =	sand.u32 $0x780, s8;
	s0 =	sadd.s32 $0x20, s0;
	s13 =	sor.u32 $0x10, s12;
	[tilespmem:s6+$0x0] =	vst v32;
	v31 =	vsel vm0, v33, v34;
	v32 =	vsel vm1, v7, v15;
	v33 =	vsel vm1, v20, v28  }
0x92: {  	v34 =	vld [tilespmem:s0+$0x0];
	s6 =	sor.u32 s13, s26;
	[tilespmem:s7+$0x0] =	vst v31;
	v31 =	vsel vm0, v32, v33;
	v32 =	vsel vm1, v5, v12;
	v33 =	vsel vm1, v18, v26  }
0x93: {  	v35 =	vld [tilespmem:s6+$0x80];
	[tilespmem:s10+$0x0] =	vst v31;
	v31 =	vsel vm0, v32, v33;
	v32 =	vsel vm1, v3, v9;
	v33 =	vsel vm1, v16, v23  }
0x94: {  	[tilespmem:s11+$0x0] =	vst v31;
	v31 =	vsel vm0, v32, v33;
	v32 =	vsel vm1, v1, v6;
	v33 =	vsel vm1, v14, v24  }
0x95: {  	[tilespmem:s14+$0x0] =	vst v31;
	v31 =	vsel vm0, v32, v33;
	v32 =	vsel vm1, v0, v4;
	v33 =	vsel vm1, v10, v25  }
0x96: {  	[tilespmem:s22+$0x0] =	vst v31;
	v31 =	vsel vm0, v32, v33;
	v32 =	vsel vm1, v63, v2;
	v33 =	vsel vm1, v8, v27  }
0x97: {  	s2 =	sadd.s32 $0x2, s2;
	v36 =	vand.u32 $0x2, v34;
	[tilespmem:s17+$0x0] =	vst v31;
	v31 =	vsel vm0, v32, v33  }
0x98: {  	s28 =	sadd.s32 $0x100, s28;
	p0 =	slt.u32 s2, $0x7E;
	v32 =	vand.u32 $0x1, v34;
	vm0 =	veq.s32 v36, $0x0;
	v33 =	vand.u32 $0x1, v35;
	[tilespmem:s20+$0x0] =	vst v31  }
0x99: {  	vm1 =	veq.s32 v32, $0x0;
	s20 =	sand.u32 $0x3C00, s28;
	v31 =	vand.u32 $0x2, v35;
	vm3 =	veq.s32 v33, $0x0  }
0x9a: {  	s7 =	sadd.s32 $0x5080, s20;
	vm2 =	veq.s32 v31, $0x0;
	s10 =	sadd.s32 $0x5100, s20;
	v31 =	vsel vm3, v13, v19;
	v32 =	vsel vm3, v22, v30  }
0x9b: {  	s14 =	sadd.s32 $0x5180, s20;
	s6 =	sor.u32 s12, s7;
	s11 =	sor.u32 s13, s7;
	v33 =	vsel vm3, v21, v29;
	v31 =	vsel vm2, v31, v32;
	v32 =	vsel vm3, v11, v17  }
0x9c: {  	s17 =	sadd.s32 $0x5200, s20;
	s7 =	sor.u32 s12, s10;
	[tilespmem:s11+$0x0] =	vst v31;
	v31 =	vsel vm2, v32, v33;
	s11 =	sor.u32 s13, s10;
	v32 =	vsel vm3, v7, v15;
	v33 =	vsel vm3, v20, v28  }
0x9d: {  	s22 =	sadd.s32 $0x5280, s20;
	s10 =	sor.u32 s12, s14;
	s14 =	sor.u32 s13, s14;
	[tilespmem:s11+$0x0] =	vst v31;
	v31 =	vsel vm2, v32, v33;
	v32 =	vsel vm3, v5, v12;
	v33 =	vsel vm3, v18, v26  }
.Ltmp1:
0x9e: {  	s11 =	sor.u32 s12, s17;
	s17 =	sor.u32 s13, s17;
	[tilespmem:s14+$0x0] =	vst v31;
	v31 =	vsel vm2, v32, v33;
	v32 =	vsel vm3, v3, v9;
	v33 =	vsel vm3, v16, v23;
	(pc) =	sbr.rel @p0 .LBB2_4-.Ltmp1, $4  }
0x9f: {  	s26 =	sadd.s32 $0x5300, s20;
	s14 =	sor.u32 s12, s22;
	[tilespmem:s17+$0x0] =	vst v31;
	v31 =	vsel vm2, v32, v33;
	s17 =	sor.u32 s13, s22;
	v32 =	vsel vm3, v1, v6;
	v33 =	vsel vm3, v14, v24  }
0xa0: {  	s29 =	sadd.s32 $0x5380, s20;
	s22 =	sor.u32 s12, s26;
	s26 =	sor.u32 s13, s26;
	[tilespmem:s17+$0x0] =	vst v31;
	v31 =	vsel vm2, v32, v33;
	v32 =	vsel vm3, v0, v4;
	v33 =	vsel vm3, v10, v25  }
0xa1: {  	s30 =	sadd.s32 $0x5400, s20;
	v34 =	vsel vm3, v63, v2;
	v35 =	vsel vm3, v8, v27;
	s17 =	sor.u32 s12, s29;
	[tilespmem:s26+$0x0] =	vst v31;
	v31 =	vsel vm2, v32, v33;
	s26 =	sor.u32 s13, s29  }
0xa2: {  	s8 =	sadd.s32 $0x20, s8;
	s20 =	sor.u32 s12, s30;
	v32 =	vsel vm1, v13, v19;
	v33 =	vsel vm1, v22, v30;
	s13 =	sor.u32 s13, s30;
	[tilespmem:s26+$0x0] =	vst v31;
	v31 =	vsel vm2, v34, v35  }
0xa3: {  	v13 =	vsel vm0, v32, v33;
	v11 =	vsel vm1, v11, v17;
	v17 =	vsel vm1, v21, v29;
	[tilespmem:s13+$0x0] =	vst v31  }
0xa4: {  	v7 =	vsel vm1, v7, v15;
	[tilespmem:s6+$0x0] =	vst v13;
	v11 =	vsel vm0, v11, v17;
	v13 =	vsel vm1, v20, v28  }
0xa5: {  	v5 =	vsel vm1, v5, v12;
	[tilespmem:s7+$0x0] =	vst v11;
	v7 =	vsel vm0, v7, v13;
	v11 =	vsel vm1, v18, v26  }
0xa6: {  	v3 =	vsel vm1, v3, v9;
	[tilespmem:s10+$0x0] =	vst v7;
	v5 =	vsel vm0, v5, v11;
	v7 =	vsel vm1, v16, v23  }
0xa7: {  	v1 =	vsel vm1, v1, v6;
	[tilespmem:s11+$0x0] =	vst v5;
	v3 =	vsel vm0, v3, v7;
	v5 =	vsel vm1, v14, v24  }
0xa8: {  	v0 =	vsel vm1, v0, v4;
	[tilespmem:s14+$0x0] =	vst v3;
	v1 =	vsel vm0, v1, v5;
	v3 =	vsel vm1, v10, v25  }
0xa9: {  	[tilespmem:s22+$0x0] =	vst v1;
	v0 =	vsel vm0, v0, v3;
	v1 =	vsel vm1, v63, v2;
	v2 =	vsel vm1, v8, v27  }
0xaa: {  	[tilespmem:s17+$0x0] =	vst v0;
	v0 =	vsel vm0, v1, v2  }
0xab: {  	[tilespmem:s20+$0x0] =	vst v0  }
0xac: {  	s2 =	simm.s32 $0x1080;
	s0 =	rddreg [dreg:$0x7]  }
0xad: {  	v3 =	vimm.s32 $0x10;
	[hbm4b:s0+s18] =	stream.strided.scatter [tilespmem:s2], [sflag:$0x3], $0x8000, s19, s18, $0x38;
	[tilespmem:$0x11080] =	vst v63  }
0xae: {  	v9 =	vimm.s32 $0x20;
	_ =	swait.ge [sflag:s21], $0x800  }
0xaf: {  	s17 =	simm.s32 $0x400;
	[sflag:s21] =	ssyncset.done $0x0  }
0xb0: {  	s2 =	simm.s32 $0x0;
	s14 =	rddreg [dreg:$0x8];
	[sflag:s21] =	ssyncadd.s32 $0xFFFFF800  }
0xb1: {  	v0 =	vimm.s32 $0x1;
	[tilespmem:s15], [sflag:$0x1] =	stream.strided.gather [hbm4b:s14+s15], $0x800, s17, s15, $0x38;
	[tilespmem:$0x11080] =	vst v63  }
0xb2: {  	v20 =	vld.idx.msk [tilespmem:v3+s2+$0x0], $0xffff;
	v3 =	vimm.s32 $0x11  }
0xb3: {  	v23 =	vld.idx.msk [tilespmem:v9+s2+$0x0], $0xffff;
	v9 =	vimm.s32 $0x21;
	_ =	sdelay $0x2  }
0xb4: {  	v12 =	vld.idx.msk [tilespmem:v0+s2+$0x0], $0xffff;
	v0 =	vimm.s32 $0x2  }
0xb5: {  	v18 =	vld.idx.msk [tilespmem:v3+s2+$0x0], $0xffff;
	v3 =	vimm.s32 $0x12  }
0xb6: {  	v22 =	vld.idx.msk [tilespmem:v9+s2+$0x0], $0xffff;
	v9 =	vimm.s32 $0x22  }
0xb7: {  	v24 =	vimm.s32 $0x30;
	s0 =	simm.s32 $0x880  }
0xb8: {  	v25 =	vld [tilespmem:s0+$0x0]  }
0xb9: {  	v8 =	vld.idx.msk [tilespmem:v0+s2+$0x0], $0xffff;
	v0 =	vimm.s32 $0x3  }
0xba: {  	s20 =	sand.u32 $0x60, s2;
	v16 =	vld.idx.msk [tilespmem:v3+s2+$0x0], $0xffff;
	v3 =	vimm.s32 $0x13  }
0xbb: {  	s8 =	sand.u32 $0x780, s2;
	s22 =	sor.u32 $0x10, s20;
	v21 =	vld.idx.msk [tilespmem:v9+s2+$0x0], $0xffff;
	v9 =	vimm.s32 $0x23  }
0xbc: {  	s8 =	sor.u32 s22, s8;
	v63 =	vld.idx.msk [tilespmem:v24+s2+$0x0], $0xffff;
	v24 =	vimm.s32 $0x31  }
0xbd: {  	v26 =	vld [tilespmem:s8+$0x880]  }
0xbe: {  	v6 =	vld.idx.msk [tilespmem:v0+s2+$0x0], $0xffff;
	v0 =	vimm.s32 $0x4  }
0xbf: {  	v13 =	vld.idx.msk [tilespmem:v3+s2+$0x0], $0xffff;
	v3 =	vimm.s32 $0x14  }
0xc0: {  	v19 =	vld.idx.msk [tilespmem:v9+s2+$0x0], $0xffff;
	v9 =	vimm.s32 $0x24  }
0xc1: {  	v30 =	vld.idx.msk [tilespmem:v24+s2+$0x0], $0xffff;
	v24 =	vimm.s32 $0x32  }
0xc2: {  	v14 =	vld.msk [tilespmem:s2+$0x0], $0xffff;
	v28 =	vand.u32 $0x2, v25;
	v31 =	vand.u32 $0x1, v25;
	v25 =	vimm.s32 $0x35  }
0xc3: {  	v4 =	vld.idx.msk [tilespmem:v0+s2+$0x0], $0xffff;
	v0 =	vimm.s32 $0x5  }
0xc4: {  	v10 =	vld.idx.msk [tilespmem:v3+s2+$0x0], $0xffff;
	v3 =	vimm.s32 $0x15  }
0xc5: {  	vm0 =	veq.s32 v28, $0x0;
	v28 =	vand.u32 $0x1, v26;
	v17 =	vld.idx.msk [tilespmem:v9+s2+$0x0], $0xffff;
	v9 =	vimm.s32 $0x25  }
0xc6: {  	vm2 =	veq.s32 v28, $0x0;
	v28 =	vand.u32 $0x2, v26;
	v26 =	vimm.s32 $0x36;
	v29 =	vld.idx.msk [tilespmem:v24+s2+$0x0], $0xffff  }
0xc7: {  	v24 =	vimm.s32 $0x33;
	v25 =	vld.idx.msk [tilespmem:v25+s2+$0x0], $0xffff  }
0xc8: {  	v2 =	vld.idx.msk [tilespmem:v0+s2+$0x0], $0xffff;
	v0 =	vimm.s32 $0x6  }
0xc9: {  	v7 =	vld.idx.msk [tilespmem:v3+s2+$0x0], $0xffff;
	v3 =	vimm.s32 $0x16  }
0xca: {  	v15 =	vld.idx.msk [tilespmem:v9+s2+$0x0], $0xffff;
	v9 =	vimm.s32 $0x26  }
0xcb: {  	vm3 =	veq.s32 v28, $0x0;
	v28 =	vimm.s32 $0x37;
	v26 =	vld.idx.msk [tilespmem:v26+s2+$0x0], $0xffff  }
0xcc: {  	v27 =	vld.idx.msk [tilespmem:v24+s2+$0x0], $0xffff;
	v24 =	vimm.s32 $0x34  }
0xcd: {  	v1 =	vld.idx.msk [tilespmem:v0+s2+$0x0], $0xffff;
	v0 =	vimm.s32 $0x7  }
0xce: {  	v5 =	vld.idx.msk [tilespmem:v3+s2+$0x0], $0xffff;
	v3 =	vimm.s32 $0x17  }
0xcf: {  	v11 =	vld.idx.msk [tilespmem:v9+s2+$0x0], $0xffff;
	v9 =	vimm.s32 $0x27  }
0xd0: {  	v28 =	vld.idx.msk [tilespmem:v28+s2+$0x0], $0xffff  }
0xd1: {  	v24 =	vld.idx.msk [tilespmem:v24+s2+$0x0], $0xffff  }
0xd2: {  	s23 =	sand.u32 $0x3C00, s2;
	v0 =	vld.idx.msk [tilespmem:v0+s2+$0x0], $0xffff  }
0xd3: {  	s8 =	sadd.s32 $0x9080, s23;
	vm1 =	veq.s32 v31, $0x0;
	v31 =	vsel vm2, v14, v20;
	v36 =	vsel vm2, v23, v63;
	v3 =	vld.idx.msk [tilespmem:v3+s2+$0x0], $0xffff  }
0xd4: {  	s12 =	sor.u32 s22, s8;
	v31 =	vsel vm3, v31, v36;
	v32 =	vsel vm2, v12, v18;
	v36 =	vsel vm2, v22, v30;
	v9 =	vld.idx.msk [tilespmem:v9+s2+$0x0], $0xffff  }
0xd5: {  	[tilespmem:s12+$0x0] =	vst v31;
	v31 =	vsel vm3, v32, v36;
	v32 =	vsel vm2, v8, v16;
	v36 =	vsel vm2, v21, v29  }
0xd6: {  	s26 =	sand.u32 $0x3, s2;
	[tilespmem:s12+$0x80] =	vst v31;
	v31 =	vsel vm3, v32, v36;
	v32 =	vsel vm2, v6, v13;
	v36 =	vsel vm2, v19, v27  }
0xd7: {  	s6 =	sshll.u32 s26, $0x5;
	[tilespmem:s12+$0x100] =	vst v31;
	v31 =	vsel vm3, v32, v36;
	v32 =	vsel vm2, v4, v10;
	v36 =	vsel vm2, v17, v24  }
0xd8: {  	s29 =	sadd.s32 $0x0, s6;
	[tilespmem:s12+$0x180] =	vst v31;
	v31 =	vsel vm3, v32, v36;
	v32 =	vsel vm2, v2, v7;
	v36 =	vsel vm2, v15, v25  }
0xd9: {  	s7 =	simm.s32 $0x20;
	s6 =	simm.s32 $0x0;
	s30 =	sadd.s32 $0x10, s29;
	[tilespmem:s12+$0x200] =	vst v31;
	v31 =	vsel vm3, v32, v36;
	v32 =	vsel vm2, v1, v5;
	v36 =	vsel vm2, v11, v26  }
0xda: {  	s11 =	sor.u32 $0x300, s29;
	s10 =	sor.u32 $0x380, s29;
	s31 =	sor.u32 $0x300, s30;
	[tilespmem:s12+$0x280] =	vst v31;
	v31 =	vsel vm3, v32, v36;
	v36 =	vsel vm2, v0, v3;
	v34 =	vsel vm2, v9, v28  }
0xdb: {  	s13 =	sor.u32 $0x380, s30;
	s28 =	sor.u32 s20, s8;
	s8 =	simm.s32 $0x0;
	v33 =	vsel vm1, v23, v63;
	v32 =	vsel vm1, v14, v20;
	[tilespmem:s31+$0x9080] =	vst v31;
	v31 =	vsel vm3, v36, v34  }
.LBB2_6:
0xdc: {  	s12 =	sand.u32 $0x60, s7;
	v32 =	vsel vm0, v32, v33;
	v33 =	vsel vm1, v12, v18;
	v34 =	vsel vm1, v22, v30;
	[tilespmem:s13+$0x9080] =	vst v31  }
0xdd: {  	s14 =	sand.u32 $0x780, s7;
	s0 =	sadd.s32 $0x20, s0;
	s13 =	sor.u32 $0x10, s12;
	[tilespmem:s28+$0x0] =	vst v32;
	v31 =	vsel vm0, v33, v34;
	v32 =	vsel vm1, v8, v16;
	v33 =	vsel vm1, v21, v29  }
0xde: {  	v34 =	vld [tilespmem:s0+$0x0];
	s14 =	sor.u32 s13, s14;
	[tilespmem:s28+$0x80] =	vst v31;
	v31 =	vsel vm0, v32, v33;
	v32 =	vsel vm1, v6, v13;
	v33 =	vsel vm1, v19, v27  }
0xdf: {  	v35 =	vld [tilespmem:s14+$0x880];
	[tilespmem:s28+$0x100] =	vst v31;
	v31 =	vsel vm0, v32, v33;
	v32 =	vsel vm1, v4, v10;
	v33 =	vsel vm1, v17, v24  }
0xe0: {  	[tilespmem:s28+$0x180] =	vst v31;
	v31 =	vsel vm0, v32, v33;
	v32 =	vsel vm1, v2, v7;
	v33 =	vsel vm1, v15, v25  }
0xe1: {  	[tilespmem:s28+$0x200] =	vst v31;
	v31 =	vsel vm0, v32, v33;
	v32 =	vsel vm1, v1, v5;
	v33 =	vsel vm1, v11, v26  }
0xe2: {  	[tilespmem:s28+$0x280] =	vst v31;
	v31 =	vsel vm0, v32, v33;
	v32 =	vsel vm1, v0, v3;
	v33 =	vsel vm1, v9, v28  }
0xe3: {  	s6 =	sadd.s32 $0x2, s6;
	v36 =	vand.u32 $0x2, v34;
	[tilespmem:s11+$0x9080] =	vst v31;
	v31 =	vsel vm0, v32, v33  }
0xe4: {  	s2 =	sadd.s32 $0x100, s2;
	p0 =	slt.u32 s6, $0x7E;
	v32 =	vand.u32 $0x1, v34;
	vm0 =	veq.s32 v36, $0x0;
	v33 =	vand.u32 $0x1, v35;
	[tilespmem:s10+$0x9080] =	vst v31  }
0xe5: {  	vm1 =	veq.s32 v32, $0x0;
	s10 =	sand.u32 $0x3C00, s2;
	v31 =	vand.u32 $0x2, v35;
	vm3 =	veq.s32 v33, $0x0  }
0xe6: {  	s10 =	sadd.s32 $0x9080, s10;
	vm2 =	veq.s32 v31, $0x0;
	v31 =	vsel vm3, v14, v20;
	v32 =	vsel vm3, v23, v63  }
0xe7: {  	s28 =	sor.u32 s12, s10;
	s12 =	sor.u32 s13, s10;
	v33 =	vsel vm3, v22, v30;
	v31 =	vsel vm2, v31, v32;
	v32 =	vsel vm3, v12, v18  }
0xe8: {  	s8 =	sadd.s32 $0x1, s8;
	[tilespmem:s12+$0x0] =	vst v31;
	v31 =	vsel vm2, v32, v33;
	v32 =	vsel vm3, v8, v16;
	v33 =	vsel vm3, v21, v29  }
0xe9: {  	s10 =	sand.u32 $0x3, s8;
	[tilespmem:s12+$0x80] =	vst v31;
	v31 =	vsel vm2, v32, v33;
	v32 =	vsel vm3, v6, v13;
	v33 =	vsel vm3, v19, v27  }
.Ltmp2:
0xea: {  	s10 =	sshll.u32 s10, $0x5;
	[tilespmem:s12+$0x100] =	vst v31;
	v31 =	vsel vm2, v32, v33;
	v32 =	vsel vm3, v4, v10;
	v33 =	vsel vm3, v17, v24;
	(pc) =	sbr.rel @p0 .LBB2_6-.Ltmp2, $4  }
0xeb: {  	s13 =	sadd.s32 s10, s2;
	[tilespmem:s12+$0x180] =	vst v31;
	v31 =	vsel vm2, v32, v33;
	v32 =	vsel vm3, v2, v7;
	v33 =	vsel vm3, v15, v25  }
0xec: {  	s11 =	sor.u32 $0x300, s13;
	s10 =	sor.u32 $0x380, s13;
	s13 =	sadd.s32 $0x10, s13;
	[tilespmem:s12+$0x200] =	vst v31;
	v31 =	vsel vm2, v32, v33;
	v32 =	vsel vm3, v1, v5;
	v33 =	vsel vm3, v11, v26  }
0xed: {  	v34 =	vsel vm3, v0, v3;
	v35 =	vsel vm3, v9, v28;
	[tilespmem:s12+$0x280] =	vst v31;
	v31 =	vsel vm2, v32, v33;
	s12 =	sor.u32 $0x300, s13  }
0xee: {  	s7 =	sadd.s32 $0x20, s7;
	v32 =	vsel vm1, v14, v20;
	v33 =	vsel vm1, v23, v63;
	s13 =	sor.u32 $0x380, s13;
	[tilespmem:s12+$0x9080] =	vst v31;
	v31 =	vsel vm2, v34, v35  }
0xef: {  	v14 =	vsel vm0, v32, v33;
	v12 =	vsel vm1, v12, v18;
	v18 =	vsel vm1, v22, v30;
	[tilespmem:s13+$0x9080] =	vst v31  }
0xf0: {  	v8 =	vsel vm1, v8, v16;
	[tilespmem:s28+$0x0] =	vst v14;
	v12 =	vsel vm0, v12, v18;
	v14 =	vsel vm1, v21, v29  }
0xf1: {  	v6 =	vsel vm1, v6, v13;
	[tilespmem:s28+$0x80] =	vst v12;
	v8 =	vsel vm0, v8, v14;
	v12 =	vsel vm1, v19, v27  }
0xf2: {  	v4 =	vsel vm1, v4, v10;
	[tilespmem:s28+$0x100] =	vst v8;
	v6 =	vsel vm0, v6, v12;
	v8 =	vsel vm1, v17, v24  }
0xf3: {  	v2 =	vsel vm1, v2, v7;
	[tilespmem:s28+$0x180] =	vst v6;
	v4 =	vsel vm0, v4, v8;
	v6 =	vsel vm1, v15, v25  }
0xf4: {  	v1 =	vsel vm1, v1, v5;
	[tilespmem:s28+$0x200] =	vst v4;
	v2 =	vsel vm0, v2, v6;
	v4 =	vsel vm1, v11, v26  }
0xf5: {  	v0 =	vsel vm1, v0, v3;
	[tilespmem:s28+$0x280] =	vst v2;
	v1 =	vsel vm0, v1, v4;
	v2 =	vsel vm1, v9, v28  }
0xf6: {  	[tilespmem:s11+$0x9080] =	vst v1;
	v0 =	vsel vm0, v0, v2  }
0xf7: {  	s28 =	simm.s32 $0x0;
	[tilespmem:s10+$0x9080] =	vst v0  }
0xf8: {  	v63 =	vld.idx.msk [tilespmem:v38+s28+$0x0], $0xffff  }
0xf9: {  	v19 =	vld.idx.msk [tilespmem:v39+s28+$0x0], $0xffff  }
0xfa: {  	v0 =	vimm.s32 $0x8;
	v17 =	vld.idx.msk [tilespmem:v40+s28+$0x0], $0xffff  }
0xfb: {  	v15 =	vld.idx.msk [tilespmem:v41+s28+$0x0], $0xffff  }
0xfc: {  	v12 =	vld.idx.msk [tilespmem:v42+s28+$0x0], $0xffff  }
0xfd: {  	v9 =	vld.idx.msk [tilespmem:v43+s28+$0x0], $0xffff  }
0xfe: {  	v6 =	vld.idx.msk [tilespmem:v44+s28+$0x0], $0xffff  }
0xff: {  	v13 =	vld.idx.msk [tilespmem:v0+s28+$0x0], $0xffff;
	v0 =	vimm.s32 $0x9  }
0x100: {  	v4 =	vld.idx.msk [tilespmem:v45+s28+$0x0], $0xffff  }
0x101: {  	v2 =	vld.idx.msk [tilespmem:v46+s28+$0x0], $0xffff  }
0x102: {  	v22 =	vld.idx.msk [tilespmem:v47+s28+$0x0], $0xffff  }
0x103: {  	v21 =	vld.idx.msk [tilespmem:v48+s28+$0x0], $0xffff  }
0x104: {  	v11 =	vld.idx.msk [tilespmem:v0+s28+$0x0], $0xffff;
	v0 =	vimm.s32 $0xA  }
0x105: {  	v20 =	vld.idx.msk [tilespmem:v49+s28+$0x0], $0xffff  }
0x106: {  	v18 =	vld.idx.msk [tilespmem:v50+s28+$0x0], $0xffff  }
0x107: {  	v16 =	vld.idx.msk [tilespmem:v51+s28+$0x0], $0xffff  }
0x108: {  	v14 =	vld.idx.msk [tilespmem:v52+s28+$0x0], $0xffff  }
0x109: {  	v7 =	vld.idx.msk [tilespmem:v0+s28+$0x0], $0xffff;
	v0 =	vimm.s32 $0xB  }
0x10a: {  	v10 =	vld.idx.msk [tilespmem:v53+s28+$0x0], $0xffff  }
0x10b: {  	s0 =	simm.s32 $0x880;
	v8 =	vld.idx.msk [tilespmem:v54+s28+$0x0], $0xffff  }
0x10c: {  	v24 =	vld [tilespmem:s0+$0x0]  }
0x10d: {  	s8 =	sand.u32 $0x60, s28;
	v30 =	vld.idx.msk [tilespmem:v55+s28+$0x0], $0xffff  }
0x10e: {  	s2 =	sand.u32 $0x780, s28;
	s12 =	sor.u32 $0x10, s8;
	v5 =	vld.idx.msk [tilespmem:v0+s28+$0x0], $0xffff;
	v0 =	vimm.s32 $0xC  }
0x10f: {  	s2 =	sor.u32 s12, s2;
	v29 =	vld.idx.msk [tilespmem:v56+s28+$0x0], $0xffff  }
0x110: {  	v25 =	vld [tilespmem:s2+$0x880]  }
0x111: {  	v28 =	vld.idx.msk [tilespmem:v57+s28+$0x0], $0xffff  }
0x112: {  	v26 =	vld.idx.msk [tilespmem:v58+s28+$0x0], $0xffff  }
0x113: {  	v3 =	vld.idx.msk [tilespmem:v0+s28+$0x0], $0xffff;
	v0 =	vimm.s32 $0xD  }
0x114: {  	v23 =	vld.idx.msk [tilespmem:v59+s28+$0x0], $0xffff;
	v27 =	vand.u32 $0x2, v24  }
0x115: {  	v31 =	vand.u32 $0x1, v24;
	v24 =	vld.idx.msk [tilespmem:v60+s28+$0x0], $0xffff;
	vm0 =	veq.s32 v27, $0x0;
	v27 =	vand.u32 $0x1, v25  }
0x116: {  	vm2 =	veq.s32 v27, $0x0;
	v27 =	vand.u32 $0x2, v25;
	v25 =	vld.idx.msk [tilespmem:v61+s28+$0x0], $0xffff  }
0x117: {  	s15 =	sand.u32 $0x3C00, s28;
	vm3 =	veq.s32 v27, $0x0;
	v27 =	vld.idx.msk [tilespmem:v62+s28+$0x0], $0xffff  }
0x118: {  	s7 =	sadd.s32 $0xD080, s15;
	s23 =	sadd.s32 $0xD100, s15;
	vm1 =	veq.s32 v31, $0x0;
	v36 =	vsel vm2, v22, v30;
	v31 =	vsel vm2, v13, v19;
	v1 =	vld.idx.msk [tilespmem:v0+s28+$0x0], $0xffff  }
0x119: {  	s14 =	sadd.s32 $0xD180, s15;
	s17 =	sadd.s32 $0xD200, s15;
	s26 =	sor.u32 s12, s7;
	v31 =	vsel vm3, v31, v36;
	v36 =	vsel vm2, v21, v29;
	v32 =	vsel vm2, v11, v17;
	v0 =	vld.idx.msk [tilespmem:v37+s28+$0x0], $0xffff  }
0x11a: {  	s20 =	sadd.s32 $0xD280, s15;
	s31 =	sadd.s32 $0xD380, s15;
	s29 =	sor.u32 s12, s23;
	[tilespmem:s26+$0x0] =	vst v31;
	v31 =	vsel vm3, v32, v36;
	v32 =	vsel vm2, v7, v15;
	v36 =	vsel vm2, v20, v28  }
0x11b: {  	s13 =	sadd.s32 $0xD400, s15;
	s10 =	sor.u32 s8, s14;
	s14 =	sor.u32 s12, s14;
	[tilespmem:s29+$0x0] =	vst v31;
	v31 =	vsel vm3, v32, v36;
	v32 =	vsel vm2, v5, v12;
	v36 =	vsel vm2, v18, v26  }
0x11c: {  	s6 =	sor.u32 s8, s7;
	s11 =	sor.u32 s8, s17;
	s17 =	sor.u32 s12, s17;
	[tilespmem:s14+$0x0] =	vst v31;
	v31 =	vsel vm3, v32, v36;
	v32 =	vsel vm2, v3, v9;
	v36 =	vsel vm2, v16, v23  }
0x11d: {  	s7 =	sor.u32 s8, s23;
	s30 =	sor.u32 s12, s20;
	s26 =	sadd.s32 $0xD300, s15;
	[tilespmem:s17+$0x0] =	vst v31;
	v31 =	vsel vm3, v32, v36;
	v36 =	vsel vm2, v14, v24;
	v32 =	vsel vm2, v1, v6  }
0x11e: {  	s2 =	simm.s32 $0x0;
	s22 =	sor.u32 s8, s26;
	s26 =	sor.u32 s12, s26;
	[tilespmem:s30+$0x0] =	vst v31;
	v31 =	vsel vm3, v32, v36;
	v32 =	vsel vm2, v0, v4;
	v36 =	vsel vm2, v10, v25  }
0x11f: {  	v34 =	vsel vm2, v8, v27;
	s14 =	sor.u32 s8, s20;
	s20 =	sor.u32 s12, s31;
	s17 =	sor.u32 s8, s31;
	[tilespmem:s26+$0x0] =	vst v31;
	v31 =	vsel vm3, v32, v36;
	v36 =	vsel vm2, v63, v2  }
0x120: {  	v33 =	vsel vm1, v22, v30;
	v32 =	vsel vm1, v13, v19;
	[tilespmem:s20+$0x0] =	vst v31;
	v31 =	vsel vm3, v36, v34;
	s20 =	sor.u32 s8, s13;
	s13 =	sor.u32 s12, s13;
	s8 =	simm.s32 $0x20  }
.LBB2_8:
0x121: {  	s12 =	sand.u32 $0x60, s8;
	v32 =	vsel vm0, v32, v33;
	v33 =	vsel vm1, v11, v17;
	v34 =	vsel vm1, v21, v29;
	[tilespmem:s13+$0x0] =	vst v31  }
0x122: {  	s26 =	sand.u32 $0x780, s8;
	s0 =	sadd.s32 $0x20, s0;
	s13 =	sor.u32 $0x10, s12;
	[tilespmem:s6+$0x0] =	vst v32;
	v31 =	vsel vm0, v33, v34;
	v32 =	vsel vm1, v7, v15;
	v33 =	vsel vm1, v20, v28  }
0x123: {  	v34 =	vld [tilespmem:s0+$0x0];
	s6 =	sor.u32 s13, s26;
	[tilespmem:s7+$0x0] =	vst v31;
	v31 =	vsel vm0, v32, v33;
	v32 =	vsel vm1, v5, v12;
	v33 =	vsel vm1, v18, v26  }
0x124: {  	v35 =	vld [tilespmem:s6+$0x880];
	[tilespmem:s10+$0x0] =	vst v31;
	v31 =	vsel vm0, v32, v33;
	v32 =	vsel vm1, v3, v9;
	v33 =	vsel vm1, v16, v23  }
0x125: {  	[tilespmem:s11+$0x0] =	vst v31;
	v31 =	vsel vm0, v32, v33;
	v32 =	vsel vm1, v1, v6;
	v33 =	vsel vm1, v14, v24  }
0x126: {  	[tilespmem:s14+$0x0] =	vst v31;
	v31 =	vsel vm0, v32, v33;
	v32 =	vsel vm1, v0, v4;
	v33 =	vsel vm1, v10, v25  }
0x127: {  	[tilespmem:s22+$0x0] =	vst v31;
	v31 =	vsel vm0, v32, v33;
	v32 =	vsel vm1, v63, v2;
	v33 =	vsel vm1, v8, v27  }
0x128: {  	s2 =	sadd.s32 $0x2, s2;
	v36 =	vand.u32 $0x2, v34;
	[tilespmem:s17+$0x0] =	vst v31;
	v31 =	vsel vm0, v32, v33  }
0x129: {  	s28 =	sadd.s32 $0x100, s28;
	p0 =	slt.u32 s2, $0x7E;
	v32 =	vand.u32 $0x1, v34;
	vm0 =	veq.s32 v36, $0x0;
	v33 =	vand.u32 $0x1, v35;
	[tilespmem:s20+$0x0] =	vst v31  }
0x12a: {  	vm1 =	veq.s32 v32, $0x0;
	s20 =	sand.u32 $0x3C00, s28;
	v31 =	vand.u32 $0x2, v35;
	vm3 =	veq.s32 v33, $0x0  }
0x12b: {  	s7 =	sadd.s32 $0xD080, s20;
	vm2 =	veq.s32 v31, $0x0;
	s10 =	sadd.s32 $0xD100, s20;
	v31 =	vsel vm3, v13, v19;
	v32 =	vsel vm3, v22, v30  }
0x12c: {  	s14 =	sadd.s32 $0xD180, s20;
	s6 =	sor.u32 s12, s7;
	s11 =	sor.u32 s13, s7;
	v33 =	vsel vm3, v21, v29;
	v31 =	vsel vm2, v31, v32;
	v32 =	vsel vm3, v11, v17  }
0x12d: {  	s17 =	sadd.s32 $0xD200, s20;
	s7 =	sor.u32 s12, s10;
	[tilespmem:s11+$0x0] =	vst v31;
	v31 =	vsel vm2, v32, v33;
	s11 =	sor.u32 s13, s10;
	v32 =	vsel vm3, v7, v15;
	v33 =	vsel vm3, v20, v28  }
0x12e: {  	s22 =	sadd.s32 $0xD280, s20;
	s10 =	sor.u32 s12, s14;
	s14 =	sor.u32 s13, s14;
	[tilespmem:s11+$0x0] =	vst v31;
	v31 =	vsel vm2, v32, v33;
	v32 =	vsel vm3, v5, v12;
	v33 =	vsel vm3, v18, v26  }
.Ltmp3:
0x12f: {  	s11 =	sor.u32 s12, s17;
	s17 =	sor.u32 s13, s17;
	[tilespmem:s14+$0x0] =	vst v31;
	v31 =	vsel vm2, v32, v33;
	v32 =	vsel vm3, v3, v9;
	v33 =	vsel vm3, v16, v23;
	(pc) =	sbr.rel @p0 .LBB2_8-.Ltmp3, $4  }
0x130: {  	s26 =	sadd.s32 $0xD300, s20;
	s14 =	sor.u32 s12, s22;
	[tilespmem:s17+$0x0] =	vst v31;
	v31 =	vsel vm2, v32, v33;
	s17 =	sor.u32 s13, s22;
	v32 =	vsel vm3, v1, v6;
	v33 =	vsel vm3, v14, v24  }
0x131: {  	s29 =	sadd.s32 $0xD380, s20;
	s22 =	sor.u32 s12, s26;
	s26 =	sor.u32 s13, s26;
	[tilespmem:s17+$0x0] =	vst v31;
	v31 =	vsel vm2, v32, v33;
	v32 =	vsel vm3, v0, v4;
	v33 =	vsel vm3, v10, v25  }
0x132: {  	s30 =	sadd.s32 $0xD400, s20;
	v34 =	vsel vm3, v63, v2;
	v35 =	vsel vm3, v8, v27;
	s17 =	sor.u32 s12, s29;
	[tilespmem:s26+$0x0] =	vst v31;
	v31 =	vsel vm2, v32, v33;
	s26 =	sor.u32 s13, s29  }
0x133: {  	s8 =	sadd.s32 $0x20, s8;
	s20 =	sor.u32 s12, s30;
	v32 =	vsel vm1, v13, v19;
	v33 =	vsel vm1, v22, v30;
	s13 =	sor.u32 s13, s30;
	[tilespmem:s26+$0x0] =	vst v31;
	v31 =	vsel vm2, v34, v35  }
0x134: {  	v13 =	vsel vm0, v32, v33;
	v11 =	vsel vm1, v11, v17;
	v29 =	vsel vm1, v21, v29;
	[tilespmem:s13+$0x0] =	vst v31  }
0x135: {  	v7 =	vsel vm1, v7, v15;
	v30 =	vsel vm1, v20, v28;
	[tilespmem:s6+$0x0] =	vst v13;
	v11 =	vsel vm0, v11, v29  }
0x136: {  	v5 =	vsel vm1, v5, v12;
	v31 =	vsel vm1, v18, v26;
	v7 =	vsel vm0, v7, v30;
	[tilespmem:s7+$0x0] =	vst v11  }
0x137: {  	v3 =	vsel vm1, v3, v9;
	v32 =	vsel vm1, v16, v23;
	v5 =	vsel vm0, v5, v31;
	[tilespmem:s10+$0x0] =	vst v7  }
0x138: {  	v1 =	vsel vm1, v1, v6;
	v33 =	vsel vm1, v14, v24;
	v3 =	vsel vm0, v3, v32;
	[tilespmem:s11+$0x0] =	vst v5  }
0x139: {  	v0 =	vsel vm1, v0, v4;
	v34 =	vsel vm1, v10, v25;
	v1 =	vsel vm0, v1, v33;
	[tilespmem:s14+$0x0] =	vst v3  }
0x13a: {  	v35 =	vsel vm1, v63, v2;
	v36 =	vsel vm1, v8, v27;
	v0 =	vsel vm0, v0, v34;
	[tilespmem:s22+$0x0] =	vst v1  }
0x13b: {  	v63 =	vsel vm0, v35, v36;
	[tilespmem:s17+$0x0] =	vst v0  }
0x13c: {  	[tilespmem:s20+$0x0] =	vst v63  }
0x13d: {  	s2 =	simm.s32 $0x9080;
	s28 =	simm.s32 $0x1;
	s0 =	rddreg [dreg:$0x9]  }
0x13e: {  	[hbm4b:s0+s18] =	stream.strided.scatter [tilespmem:s2], [sflag:$0x4], $0x8000, s19, s18, $0x38;
	[tilespmem:$0x11080] =	vst v63  }
.LBB2_10:
0x13f: {  	s31 =	sshll.u32 s28, $0x1  }
0x140: {  	_ =	swait.ge [sflag:s16], $0x800;
	s0 =	sadd.s32 s31, s5  }
0x141: {  	s4 =	simm.s32 $0x400;
	s15 =	simm.s32 $0x880;
	s29 =	sadd.s32 $0x1, s0  }
0x142: {  	s0 =	sshll.u32 s29, $0x8;
	s2 =	sshll.u32 s29, $0xB;
	s6 =	sshll.u32 s29, $0x1  }
0x143: {  	s0 =	sand.u32 $0xFFFC000, s0;
	s30 =	sand.u32 $0x3800, s2;
	s13 =	sand.u32 $0x70, s6  }
0x144: {  	[sflag:s16] =	ssyncset.done $0x0;
	s0 =	sor.u32 s13, s0;
	s14 =	sadd.s32 s1, s30  }
0x145: {  	v3 =	vimm.s32 $0x10;
	[sflag:s16] =	ssyncadd.s32 $0xFFFFF800;
	s2 =	simm.s32 $0x80;
	s0 =	sadd.s32 s0, s14  }
0x146: {  	v9 =	vimm.s32 $0x20;
	[tilespmem:s15], [sflag:$0x2] =	stream.strided.gather [hbm4b:s0+s2], $0x800, s4, s2, $0x38;
	[tilespmem:$0x11080] =	vst v63  }
0x147: {  	_ =	swait.ge [sflag:s24], $0x8000  }
0x148: {  	[sflag:s24] =	ssyncset.done $0x0  }
0x149: {  	v0 =	vimm.s32 $0x1;
	s0 =	simm.s32 $0x0;
	[sflag:s24] =	ssyncadd.s32 $0xFFFF8000  }
0x14a: {  	v20 =	vld.idx.msk [tilespmem:v3+s0+$0x0], $0xffff;
	v3 =	vimm.s32 $0x11  }
0x14b: {  	v23 =	vld.idx.msk [tilespmem:v9+s0+$0x0], $0xffff;
	v9 =	vimm.s32 $0x21;
	_ =	sdelay $0x2  }
0x14c: {  	v12 =	vld.idx.msk [tilespmem:v0+s0+$0x0], $0xffff;
	v0 =	vimm.s32 $0x2  }
0x14d: {  	v18 =	vld.idx.msk [tilespmem:v3+s0+$0x0], $0xffff;
	v3 =	vimm.s32 $0x12  }
0x14e: {  	v22 =	vld.idx.msk [tilespmem:v9+s0+$0x0], $0xffff;
	v9 =	vimm.s32 $0x22  }
0x14f: {  	v24 =	vimm.s32 $0x30  }
0x150: {  	v25 =	vld [tilespmem:s2+$0x0]  }
0x151: {  	v8 =	vld.idx.msk [tilespmem:v0+s0+$0x0], $0xffff;
	v0 =	vimm.s32 $0x3  }
0x152: {  	s7 =	sand.u32 $0x60, s0;
	v16 =	vld.idx.msk [tilespmem:v3+s0+$0x0], $0xffff;
	v3 =	vimm.s32 $0x13  }
0x153: {  	s8 =	sand.u32 $0x780, s0;
	s17 =	sor.u32 $0x10, s7;
	v21 =	vld.idx.msk [tilespmem:v9+s0+$0x0], $0xffff;
	v9 =	vimm.s32 $0x23  }
0x154: {  	s8 =	sor.u32 s17, s8;
	v63 =	vld.idx.msk [tilespmem:v24+s0+$0x0], $0xffff;
	v24 =	vimm.s32 $0x31  }
0x155: {  	v26 =	vld [tilespmem:s8+$0x80]  }
0x156: {  	v6 =	vld.idx.msk [tilespmem:v0+s0+$0x0], $0xffff;
	v0 =	vimm.s32 $0x4  }
0x157: {  	v13 =	vld.idx.msk [tilespmem:v3+s0+$0x0], $0xffff;
	v3 =	vimm.s32 $0x14  }
0x158: {  	v19 =	vld.idx.msk [tilespmem:v9+s0+$0x0], $0xffff;
	v9 =	vimm.s32 $0x24  }
0x159: {  	v30 =	vld.idx.msk [tilespmem:v24+s0+$0x0], $0xffff;
	v24 =	vimm.s32 $0x32  }
0x15a: {  	v14 =	vld.msk [tilespmem:s0+$0x0], $0xffff;
	v28 =	vand.u32 $0x2, v25;
	v31 =	vand.u32 $0x1, v25;
	v25 =	vimm.s32 $0x35  }
0x15b: {  	v4 =	vld.idx.msk [tilespmem:v0+s0+$0x0], $0xffff;
	v0 =	vimm.s32 $0x5  }
0x15c: {  	v10 =	vld.idx.msk [tilespmem:v3+s0+$0x0], $0xffff;
	v3 =	vimm.s32 $0x15  }
0x15d: {  	vm0 =	veq.s32 v28, $0x0;
	v28 =	vand.u32 $0x1, v26;
	v17 =	vld.idx.msk [tilespmem:v9+s0+$0x0], $0xffff;
	v9 =	vimm.s32 $0x25  }
0x15e: {  	vm2 =	veq.s32 v28, $0x0;
	v28 =	vand.u32 $0x2, v26;
	v26 =	vimm.s32 $0x36;
	v29 =	vld.idx.msk [tilespmem:v24+s0+$0x0], $0xffff  }
0x15f: {  	v24 =	vimm.s32 $0x33;
	v25 =	vld.idx.msk [tilespmem:v25+s0+$0x0], $0xffff  }
0x160: {  	v2 =	vld.idx.msk [tilespmem:v0+s0+$0x0], $0xffff;
	v0 =	vimm.s32 $0x6  }
0x161: {  	v7 =	vld.idx.msk [tilespmem:v3+s0+$0x0], $0xffff;
	v3 =	vimm.s32 $0x16  }
0x162: {  	v15 =	vld.idx.msk [tilespmem:v9+s0+$0x0], $0xffff;
	v9 =	vimm.s32 $0x26  }
0x163: {  	vm3 =	veq.s32 v28, $0x0;
	v28 =	vimm.s32 $0x37;
	v26 =	vld.idx.msk [tilespmem:v26+s0+$0x0], $0xffff  }
0x164: {  	v27 =	vld.idx.msk [tilespmem:v24+s0+$0x0], $0xffff;
	v24 =	vimm.s32 $0x34  }
0x165: {  	v1 =	vld.idx.msk [tilespmem:v0+s0+$0x0], $0xffff;
	v0 =	vimm.s32 $0x7  }
0x166: {  	v5 =	vld.idx.msk [tilespmem:v3+s0+$0x0], $0xffff;
	v3 =	vimm.s32 $0x17  }
0x167: {  	v11 =	vld.idx.msk [tilespmem:v9+s0+$0x0], $0xffff;
	v9 =	vimm.s32 $0x27  }
0x168: {  	v28 =	vld.idx.msk [tilespmem:v28+s0+$0x0], $0xffff  }
0x169: {  	s20 =	sand.u32 $0x3C00, s0;
	vm1 =	veq.s32 v31, $0x0;
	v31 =	vsel vm2, v14, v20;
	v32 =	vsel vm2, v23, v63;
	v24 =	vld.idx.msk [tilespmem:v24+s0+$0x0], $0xffff  }
0x16a: {  	s8 =	sadd.s32 $0x1080, s20;
	v31 =	vsel vm3, v31, v32;
	v0 =	vld.idx.msk [tilespmem:v0+s0+$0x0], $0xffff  }
0x16b: {  	s10 =	sor.u32 s17, s8;
	v36 =	vsel vm2, v12, v18;
	v33 =	vsel vm2, v22, v30;
	v32 =	vsel vm2, v8, v16;
	v3 =	vld.idx.msk [tilespmem:v3+s0+$0x0], $0xffff  }
0x16c: {  	v9 =	vld.idx.msk [tilespmem:v9+s0+$0x0], $0xffff;
	[tilespmem:s10+$0x0] =	vst v31;
	v31 =	vsel vm3, v36, v33;
	v36 =	vsel vm2, v21, v29  }
0x16d: {  	s22 =	sand.u32 $0x3, s0;
	[tilespmem:s10+$0x80] =	vst v31;
	v31 =	vsel vm3, v32, v36;
	v32 =	vsel vm2, v6, v13;
	v36 =	vsel vm2, v19, v27  }
0x16e: {  	s6 =	sshll.u32 s22, $0x5;
	[tilespmem:s10+$0x100] =	vst v31;
	v31 =	vsel vm3, v32, v36;
	v32 =	vsel vm2, v4, v10;
	v36 =	vsel vm2, v17, v24  }
0x16f: {  	s11 =	sadd.s32 $0x0, s6;
	[tilespmem:s10+$0x180] =	vst v31;
	v31 =	vsel vm3, v32, v36;
	v32 =	vsel vm2, v2, v7;
	v36 =	vsel vm2, v15, v25  }
0x170: {  	s6 =	simm.s32 $0x0;
	s23 =	sadd.s32 $0x10, s11;
	s12 =	sor.u32 $0x300, s11;
	[tilespmem:s10+$0x200] =	vst v31;
	v31 =	vsel vm3, v32, v36;
	v32 =	vsel vm2, v1, v5;
	v36 =	vsel vm2, v11, v26  }
0x171: {  	s11 =	sor.u32 $0x380, s11;
	s7 =	sor.u32 s7, s8;
	s26 =	sor.u32 $0x300, s23;
	[tilespmem:s10+$0x280] =	vst v31;
	v31 =	vsel vm3, v32, v36;
	v36 =	vsel vm2, v0, v3;
	v34 =	vsel vm2, v9, v28  }
0x172: {  	s14 =	sor.u32 $0x380, s23;
	s8 =	simm.s32 $0x20;
	v33 =	vsel vm1, v23, v63;
	v32 =	vsel vm1, v14, v20;
	s10 =	simm.s32 $0x0;
	[tilespmem:s26+$0x1080] =	vst v31;
	v31 =	vsel vm3, v36, v34  }
.LBB2_11:
0x173: {  	s13 =	sand.u32 $0x60, s8;
	v32 =	vsel vm0, v32, v33;
	v33 =	vsel vm1, v12, v18;
	v34 =	vsel vm1, v22, v30;
	[tilespmem:s14+$0x1080] =	vst v31  }
0x174: {  	s17 =	sand.u32 $0x780, s8;
	s2 =	sadd.s32 $0x20, s2;
	s14 =	sor.u32 $0x10, s13;
	[tilespmem:s7+$0x0] =	vst v32;
	v31 =	vsel vm0, v33, v34;
	v32 =	vsel vm1, v8, v16;
	v33 =	vsel vm1, v21, v29  }
0x175: {  	v34 =	vld [tilespmem:s2+$0x0];
	s17 =	sor.u32 s14, s17;
	[tilespmem:s7+$0x80] =	vst v31;
	v31 =	vsel vm0, v32, v33;
	v32 =	vsel vm1, v6, v13;
	v33 =	vsel vm1, v19, v27  }
0x176: {  	v35 =	vld [tilespmem:s17+$0x80];
	[tilespmem:s7+$0x100] =	vst v31;
	v31 =	vsel vm0, v32, v33;
	v32 =	vsel vm1, v4, v10;
	v33 =	vsel vm1, v17, v24  }
0x177: {  	[tilespmem:s7+$0x180] =	vst v31;
	v31 =	vsel vm0, v32, v33;
	v32 =	vsel vm1, v2, v7;
	v33 =	vsel vm1, v15, v25  }
0x178: {  	[tilespmem:s7+$0x200] =	vst v31;
	v31 =	vsel vm0, v32, v33;
	v32 =	vsel vm1, v1, v5;
	v33 =	vsel vm1, v11, v26  }
0x179: {  	[tilespmem:s7+$0x280] =	vst v31;
	v31 =	vsel vm0, v32, v33;
	v32 =	vsel vm1, v0, v3;
	v33 =	vsel vm1, v9, v28  }
0x17a: {  	s6 =	sadd.s32 $0x2, s6;
	v36 =	vand.u32 $0x2, v34;
	[tilespmem:s12+$0x1080] =	vst v31;
	v31 =	vsel vm0, v32, v33  }
0x17b: {  	s0 =	sadd.s32 $0x100, s0;
	p0 =	slt.u32 s6, $0x7E;
	v32 =	vand.u32 $0x1, v34;
	vm0 =	veq.s32 v36, $0x0;
	v33 =	vand.u32 $0x1, v35;
	[tilespmem:s11+$0x1080] =	vst v31  }
0x17c: {  	s7 =	sand.u32 $0x3C00, s0;
	vm1 =	veq.s32 v32, $0x0;
	v31 =	vand.u32 $0x2, v35;
	vm3 =	veq.s32 v33, $0x0  }
0x17d: {  	s11 =	sadd.s32 $0x1080, s7;
	vm2 =	veq.s32 v31, $0x0;
	v31 =	vsel vm3, v14, v20;
	v32 =	vsel vm3, v23, v63  }
0x17e: {  	s7 =	sor.u32 s13, s11;
	s13 =	sor.u32 s14, s11;
	v33 =	vsel vm3, v22, v30;
	v31 =	vsel vm2, v31, v32;
	v32 =	vsel vm3, v12, v18  }
0x17f: {  	s10 =	sadd.s32 $0x1, s10;
	[tilespmem:s13+$0x0] =	vst v31;
	v31 =	vsel vm2, v32, v33;
	v32 =	vsel vm3, v8, v16;
	v33 =	vsel vm3, v21, v29  }
0x180: {  	s11 =	sand.u32 $0x3, s10;
	[tilespmem:s13+$0x80] =	vst v31;
	v31 =	vsel vm2, v32, v33;
	v32 =	vsel vm3, v6, v13;
	v33 =	vsel vm3, v19, v27  }
.Ltmp4:
0x181: {  	s11 =	sshll.u32 s11, $0x5;
	[tilespmem:s13+$0x100] =	vst v31;
	v31 =	vsel vm2, v32, v33;
	v32 =	vsel vm3, v4, v10;
	v33 =	vsel vm3, v17, v24;
	(pc) =	sbr.rel @p0 .LBB2_11-.Ltmp4, $4  }
0x182: {  	s14 =	sadd.s32 s11, s0;
	[tilespmem:s13+$0x180] =	vst v31;
	v31 =	vsel vm2, v32, v33;
	v32 =	vsel vm3, v2, v7;
	v33 =	vsel vm3, v15, v25  }
0x183: {  	s12 =	sor.u32 $0x300, s14;
	s11 =	sor.u32 $0x380, s14;
	s14 =	sadd.s32 $0x10, s14;
	[tilespmem:s13+$0x200] =	vst v31;
	v31 =	vsel vm2, v32, v33;
	v32 =	vsel vm3, v1, v5;
	v33 =	vsel vm3, v11, v26  }
0x184: {  	v34 =	vsel vm3, v0, v3;
	v35 =	vsel vm3, v9, v28;
	[tilespmem:s13+$0x280] =	vst v31;
	v31 =	vsel vm2, v32, v33;
	s13 =	sor.u32 $0x300, s14  }
0x185: {  	s8 =	sadd.s32 $0x20, s8;
	v32 =	vsel vm1, v14, v20;
	v33 =	vsel vm1, v23, v63;
	s14 =	sor.u32 $0x380, s14;
	[tilespmem:s13+$0x1080] =	vst v31;
	v31 =	vsel vm2, v34, v35  }
0x186: {  	v14 =	vsel vm0, v32, v33;
	v12 =	vsel vm1, v12, v18;
	v18 =	vsel vm1, v22, v30;
	[tilespmem:s14+$0x1080] =	vst v31  }
0x187: {  	v8 =	vsel vm1, v8, v16;
	[tilespmem:s7+$0x0] =	vst v14;
	v12 =	vsel vm0, v12, v18;
	v14 =	vsel vm1, v21, v29  }
0x188: {  	v6 =	vsel vm1, v6, v13;
	[tilespmem:s7+$0x80] =	vst v12;
	v8 =	vsel vm0, v8, v14;
	v12 =	vsel vm1, v19, v27  }
0x189: {  	v4 =	vsel vm1, v4, v10;
	[tilespmem:s7+$0x100] =	vst v8;
	v6 =	vsel vm0, v6, v12;
	v8 =	vsel vm1, v17, v24  }
0x18a: {  	v2 =	vsel vm1, v2, v7;
	[tilespmem:s7+$0x180] =	vst v6;
	v4 =	vsel vm0, v4, v8;
	v6 =	vsel vm1, v15, v25  }
0x18b: {  	v1 =	vsel vm1, v1, v5;
	[tilespmem:s7+$0x200] =	vst v4;
	v2 =	vsel vm0, v2, v6;
	v4 =	vsel vm1, v11, v26  }
0x18c: {  	v0 =	vsel vm1, v0, v3;
	[tilespmem:s7+$0x280] =	vst v2;
	v1 =	vsel vm0, v1, v4;
	v2 =	vsel vm1, v9, v28  }
0x18d: {  	[tilespmem:s12+$0x1080] =	vst v1;
	v0 =	vsel vm0, v0, v2  }
0x18e: {  	s2 =	simm.s32 $0x0;
	[tilespmem:s11+$0x1080] =	vst v0  }
0x18f: {  	v63 =	vld.idx.msk [tilespmem:v38+s2+$0x0], $0xffff  }
0x190: {  	v19 =	vld.idx.msk [tilespmem:v39+s2+$0x0], $0xffff  }
0x191: {  	v0 =	vimm.s32 $0x8;
	v17 =	vld.idx.msk [tilespmem:v40+s2+$0x0], $0xffff  }
0x192: {  	v15 =	vld.idx.msk [tilespmem:v41+s2+$0x0], $0xffff  }
0x193: {  	v12 =	vld.idx.msk [tilespmem:v42+s2+$0x0], $0xffff  }
0x194: {  	v9 =	vld.idx.msk [tilespmem:v43+s2+$0x0], $0xffff  }
0x195: {  	v6 =	vld.idx.msk [tilespmem:v44+s2+$0x0], $0xffff  }
0x196: {  	v13 =	vld.idx.msk [tilespmem:v0+s2+$0x0], $0xffff;
	v0 =	vimm.s32 $0x9  }
0x197: {  	v4 =	vld.idx.msk [tilespmem:v45+s2+$0x0], $0xffff  }
0x198: {  	v2 =	vld.idx.msk [tilespmem:v46+s2+$0x0], $0xffff  }
0x199: {  	v22 =	vld.idx.msk [tilespmem:v47+s2+$0x0], $0xffff  }
0x19a: {  	v21 =	vld.idx.msk [tilespmem:v48+s2+$0x0], $0xffff  }
0x19b: {  	v11 =	vld.idx.msk [tilespmem:v0+s2+$0x0], $0xffff;
	v0 =	vimm.s32 $0xA  }
0x19c: {  	v20 =	vld.idx.msk [tilespmem:v49+s2+$0x0], $0xffff  }
0x19d: {  	v18 =	vld.idx.msk [tilespmem:v50+s2+$0x0], $0xffff  }
0x19e: {  	v16 =	vld.idx.msk [tilespmem:v51+s2+$0x0], $0xffff  }
0x19f: {  	v14 =	vld.idx.msk [tilespmem:v52+s2+$0x0], $0xffff  }
0x1a0: {  	v8 =	vld.idx.msk [tilespmem:v0+s2+$0x0], $0xffff;
	v0 =	vimm.s32 $0xB  }
0x1a1: {  	s10 =	sand.u32 $0x60, s2;
	v10 =	vld.idx.msk [tilespmem:v53+s2+$0x0], $0xffff  }
0x1a2: {  	s0 =	simm.s32 $0x80;
	s6 =	sand.u32 $0x780, s2;
	s13 =	sor.u32 $0x10, s10;
	v7 =	vld.idx.msk [tilespmem:v54+s2+$0x0], $0xffff  }
0x1a3: {  	s6 =	sor.u32 s13, s6;
	v24 =	vld [tilespmem:s0+$0x0]  }
0x1a4: {  	v25 =	vld [tilespmem:s6+$0x80]  }
0x1a5: {  	v5 =	vld.idx.msk [tilespmem:v0+s2+$0x0], $0xffff;
	v0 =	vimm.s32 $0xC  }
0x1a6: {  	v30 =	vld.idx.msk [tilespmem:v55+s2+$0x0], $0xffff  }
0x1a7: {  	v29 =	vld.idx.msk [tilespmem:v56+s2+$0x0], $0xffff  }
0x1a8: {  	v28 =	vld.idx.msk [tilespmem:v57+s2+$0x0], $0xffff  }
0x1a9: {  	v27 =	vld.idx.msk [tilespmem:v58+s2+$0x0], $0xffff  }
0x1aa: {  	v3 =	vld.idx.msk [tilespmem:v0+s2+$0x0], $0xffff;
	v0 =	vimm.s32 $0xD  }
0x1ab: {  	v23 =	vld.idx.msk [tilespmem:v59+s2+$0x0], $0xffff;
	v26 =	vand.u32 $0x2, v24  }
0x1ac: {  	v31 =	vand.u32 $0x1, v24;
	v24 =	vld.idx.msk [tilespmem:v60+s2+$0x0], $0xffff;
	vm0 =	veq.s32 v26, $0x0;
	v26 =	vand.u32 $0x1, v25  }
0x1ad: {  	vm2 =	veq.s32 v26, $0x0;
	v26 =	vand.u32 $0x2, v25;
	v25 =	vld.idx.msk [tilespmem:v61+s2+$0x0], $0xffff  }
0x1ae: {  	s14 =	sand.u32 $0x3C00, s2;
	vm3 =	veq.s32 v26, $0x0;
	v26 =	vld.idx.msk [tilespmem:v62+s2+$0x0], $0xffff  }
0x1af: {  	s8 =	sadd.s32 $0x5080, s14;
	s15 =	sadd.s32 $0x5100, s14;
	vm1 =	veq.s32 v31, $0x0;
	v36 =	vsel vm2, v22, v30;
	v31 =	vsel vm2, v13, v19;
	v1 =	vld.idx.msk [tilespmem:v0+s2+$0x0], $0xffff  }
0x1b0: {  	s17 =	sadd.s32 $0x5180, s14;
	s26 =	sadd.s32 $0x5280, s14;
	s20 =	sor.u32 s13, s8;
	v31 =	vsel vm3, v31, v36;
	v36 =	vsel vm2, v21, v29;
	v32 =	vsel vm2, v11, v17;
	v0 =	vld.idx.msk [tilespmem:v37+s2+$0x0], $0xffff  }
0x1b1: {  	s4 =	sadd.s32 $0x5300, s14;
	s22 =	sor.u32 s13, s15;
	s7 =	sor.u32 s10, s8;
	[tilespmem:s20+$0x0] =	vst v31;
	v31 =	vsel vm3, v32, v36;
	v32 =	vsel vm2, v8, v15;
	v36 =	vsel vm2, v20, v28  }
0x1b2: {  	s11 =	sor.u32 s10, s17;
	s17 =	sor.u32 s13, s17;
	s20 =	sadd.s32 $0x5200, s14;
	[tilespmem:s22+$0x0] =	vst v31;
	v31 =	vsel vm3, v32, v36;
	v32 =	vsel vm2, v5, v12;
	v36 =	vsel vm2, v18, v27  }
0x1b3: {  	s8 =	sor.u32 s10, s15;
	s15 =	sor.u32 s13, s26;
	s23 =	sor.u32 s13, s20;
	[tilespmem:s17+$0x0] =	vst v31;
	v31 =	vsel vm3, v32, v36;
	v32 =	vsel vm2, v3, v9;
	v36 =	vsel vm2, v16, v23  }
0x1b4: {  	s6 =	simm.s32 $0x0;
	s12 =	sor.u32 s10, s20;
	s22 =	sor.u32 s10, s26;
	[tilespmem:s23+$0x0] =	vst v31;
	v31 =	vsel vm3, v32, v36;
	v36 =	vsel vm2, v14, v24;
	v32 =	vsel vm2, v1, v6  }
0x1b5: {  	s26 =	sor.u32 s10, s4;
	s20 =	sor.u32 s13, s4;
	s23 =	sadd.s32 $0x5380, s14;
	[tilespmem:s15+$0x0] =	vst v31;
	v31 =	vsel vm3, v32, v36;
	v32 =	vsel vm2, v0, v4;
	v36 =	vsel vm2, v10, v25  }
0x1b6: {  	v34 =	vsel vm2, v7, v26;
	s14 =	sadd.s32 $0x5400, s14;
	s17 =	sor.u32 s10, s23;
	s23 =	sor.u32 s13, s23;
	[tilespmem:s20+$0x0] =	vst v31;
	v31 =	vsel vm3, v32, v36;
	v36 =	vsel vm2, v63, v2  }
0x1b7: {  	v33 =	vsel vm1, v22, v30;
	v32 =	vsel vm1, v13, v19;
	s20 =	sor.u32 s10, s14;
	s14 =	sor.u32 s13, s14;
	s10 =	simm.s32 $0x20;
	[tilespmem:s23+$0x0] =	vst v31;
	v31 =	vsel vm3, v36, v34  }
.LBB2_13:
0x1b8: {  	s13 =	sand.u32 $0x60, s10;
	v32 =	vsel vm0, v32, v33;
	v33 =	vsel vm1, v11, v17;
	v34 =	vsel vm1, v21, v29;
	[tilespmem:s14+$0x0] =	vst v31  }
0x1b9: {  	s23 =	sand.u32 $0x780, s10;
	s0 =	sadd.s32 $0x20, s0;
	s14 =	sor.u32 $0x10, s13;
	[tilespmem:s7+$0x0] =	vst v32;
	v31 =	vsel vm0, v33, v34;
	v32 =	vsel vm1, v8, v15;
	v33 =	vsel vm1, v20, v28  }
0x1ba: {  	v34 =	vld [tilespmem:s0+$0x0];
	s7 =	sor.u32 s14, s23;
	[tilespmem:s8+$0x0] =	vst v31;
	v31 =	vsel vm0, v32, v33;
	v32 =	vsel vm1, v5, v12;
	v33 =	vsel vm1, v18, v27  }
0x1bb: {  	v35 =	vld [tilespmem:s7+$0x80];
	[tilespmem:s11+$0x0] =	vst v31;
	v31 =	vsel vm0, v32, v33;
	v32 =	vsel vm1, v3, v9;
	v33 =	vsel vm1, v16, v23  }
0x1bc: {  	[tilespmem:s12+$0x0] =	vst v31;
	v31 =	vsel vm0, v32, v33;
	v32 =	vsel vm1, v1, v6;
	v33 =	vsel vm1, v14, v24  }
0x1bd: {  	[tilespmem:s22+$0x0] =	vst v31;
	v31 =	vsel vm0, v32, v33;
	v32 =	vsel vm1, v0, v4;
	v33 =	vsel vm1, v10, v25  }
0x1be: {  	[tilespmem:s26+$0x0] =	vst v31;
	v31 =	vsel vm0, v32, v33;
	v32 =	vsel vm1, v63, v2;
	v33 =	vsel vm1, v7, v26  }
0x1bf: {  	s6 =	sadd.s32 $0x2, s6;
	v36 =	vand.u32 $0x2, v34;
	[tilespmem:s17+$0x0] =	vst v31;
	v31 =	vsel vm0, v32, v33  }
0x1c0: {  	s2 =	sadd.s32 $0x100, s2;
	p0 =	slt.u32 s6, $0x7E;
	v32 =	vand.u32 $0x1, v34;
	vm0 =	veq.s32 v36, $0x0;
	v33 =	vand.u32 $0x1, v35;
	[tilespmem:s20+$0x0] =	vst v31  }
0x1c1: {  	vm1 =	veq.s32 v32, $0x0;
	s20 =	sand.u32 $0x3C00, s2;
	v31 =	vand.u32 $0x2, v35;
	vm3 =	veq.s32 v33, $0x0  }
0x1c2: {  	s8 =	sadd.s32 $0x5080, s20;
	vm2 =	veq.s32 v31, $0x0;
	s11 =	sadd.s32 $0x5100, s20;
	v31 =	vsel vm3, v13, v19;
	v32 =	vsel vm3, v22, v30  }
0x1c3: {  	s17 =	sadd.s32 $0x5180, s20;
	s7 =	sor.u32 s13, s8;
	s12 =	sor.u32 s14, s8;
	v33 =	vsel vm3, v21, v29;
	v31 =	vsel vm2, v31, v32;
	v32 =	vsel vm3, v11, v17  }
0x1c4: {  	s22 =	sadd.s32 $0x5200, s20;
	s8 =	sor.u32 s13, s11;
	[tilespmem:s12+$0x0] =	vst v31;
	v31 =	vsel vm2, v32, v33;
	s12 =	sor.u32 s14, s11;
	v32 =	vsel vm3, v8, v15;
	v33 =	vsel vm3, v20, v28  }
0x1c5: {  	s23 =	sadd.s32 $0x5280, s20;
	s11 =	sor.u32 s13, s17;
	s17 =	sor.u32 s14, s17;
	[tilespmem:s12+$0x0] =	vst v31;
	v31 =	vsel vm2, v32, v33;
	v32 =	vsel vm3, v5, v12;
	v33 =	vsel vm3, v18, v27  }
.Ltmp5:
0x1c6: {  	s12 =	sor.u32 s13, s22;
	[tilespmem:s17+$0x0] =	vst v31;
	v31 =	vsel vm2, v32, v33;
	s17 =	sor.u32 s14, s22;
	v32 =	vsel vm3, v3, v9;
	v33 =	vsel vm3, v16, v23;
	(pc) =	sbr.rel @p0 .LBB2_13-.Ltmp5, $4  }
0x1c7: {  	s15 =	sadd.s32 $0x5300, s20;
	s22 =	sor.u32 s13, s23;
	[tilespmem:s17+$0x0] =	vst v31;
	v31 =	vsel vm2, v32, v33;
	s17 =	sor.u32 s14, s23;
	v32 =	vsel vm3, v1, v6;
	v33 =	vsel vm3, v14, v24  }
0x1c8: {  	s26 =	sor.u32 s13, s15;
	s15 =	sor.u32 s14, s15;
	s23 =	sadd.s32 $0x5380, s20;
	[tilespmem:s17+$0x0] =	vst v31;
	v31 =	vsel vm2, v32, v33;
	v32 =	vsel vm3, v0, v4;
	v33 =	vsel vm3, v10, v25  }
0x1c9: {  	s4 =	sadd.s32 $0x5400, s20;
	v34 =	vsel vm3, v63, v2;
	v35 =	vsel vm3, v7, v26;
	s17 =	sor.u32 s13, s23;
	[tilespmem:s15+$0x0] =	vst v31;
	v31 =	vsel vm2, v32, v33;
	s15 =	sor.u32 s14, s23  }
0x1ca: {  	s10 =	sadd.s32 $0x20, s10;
	s20 =	sor.u32 s13, s4;
	v32 =	vsel vm1, v13, v19;
	v33 =	vsel vm1, v22, v30;
	s14 =	sor.u32 s14, s4;
	[tilespmem:s15+$0x0] =	vst v31;
	v31 =	vsel vm2, v34, v35  }
0x1cb: {  	v13 =	vsel vm0, v32, v33;
	v11 =	vsel vm1, v11, v17;
	v17 =	vsel vm1, v21, v29;
	[tilespmem:s14+$0x0] =	vst v31  }
0x1cc: {  	v8 =	vsel vm1, v8, v15;
	[tilespmem:s7+$0x0] =	vst v13;
	v11 =	vsel vm0, v11, v17;
	v13 =	vsel vm1, v20, v28  }
0x1cd: {  	v5 =	vsel vm1, v5, v12;
	[tilespmem:s8+$0x0] =	vst v11;
	v8 =	vsel vm0, v8, v13;
	v11 =	vsel vm1, v18, v27  }
0x1ce: {  	v3 =	vsel vm1, v3, v9;
	[tilespmem:s11+$0x0] =	vst v8;
	v5 =	vsel vm0, v5, v11;
	v8 =	vsel vm1, v16, v23  }
0x1cf: {  	v1 =	vsel vm1, v1, v6;
	s0 =	sadd.s32 s5, s31;
	[tilespmem:s12+$0x0] =	vst v5;
	v3 =	vsel vm0, v3, v8;
	v5 =	vsel vm1, v14, v24  }
0x1d0: {  	v0 =	vsel vm1, v0, v4;
	s2 =	sshll.u32 s0, $0xB;
	[tilespmem:s22+$0x0] =	vst v3;
	v1 =	vsel vm0, v1, v5;
	v3 =	vsel vm1, v10, v25  }
0x1d1: {  	s0 =	sshll.u32 s0, $0xC;
	s2 =	sand.u32 $0x3000, s2;
	[tilespmem:s26+$0x0] =	vst v1;
	v0 =	vsel vm0, v0, v3;
	v1 =	vsel vm1, v63, v2;
	v2 =	vsel vm1, v7, v26  }
0x1d2: {  	s0 =	sand.u32 $0xFFF8000, s0;
	s2 =	sadd.s32 s3, s2;
	[tilespmem:s17+$0x0] =	vst v0;
	v0 =	vsel vm0, v1, v2  }
0x1d3: {  	s14 =	simm.s32 $0x1080;
	p0 =	seq.s32 s28, $0x18;
	s0 =	sadd.s32 s0, s2;
	[tilespmem:s20+$0x0] =	vst v0  }
0x1d4: {  	[hbm4b:s0+s18] =	stream.strided.scatter [tilespmem:s14], [sflag:$0x3], $0x8000, s19, s18, $0x38;
	[tilespmem:$0x11080] =	vst v63  }
0x1d5: {  	s0 =	sadd.s32 @!p0 s31, s9  }
0x1d6: {  	_ =	swait.ge [sflag:s21], $0x800;
	s2 =	sshll.u32 @!p0 s0, $0x8  }
0x1d7: {  	s4 =	sshll.u32 @!p0 s0, $0xB;
	s0 =	sshll.u32 @!p0 s0, $0x1;
	[sflag:s21] =	ssyncset.done $0x0  }
0x1d8: {  	s2 =	sand.u32 @!p0 $0xFFFC000, s2;
	s4 =	sand.u32 @!p0 $0x3000, s4;
	s0 =	sand.u32 @!p0 $0x70, s0  }
0x1d9: {  	[sflag:s21] =	ssyncadd.s32 $0xFFFFF800;
	s2 =	sor.u32 @!p0 s4, s2;
	s0 =	sadd.s32 @!p0 s1, s0  }
0x1da: {  	v3 =	vimm.s32 $0x10;
	s4 =	simm.s32 @!p0 $0x80;
	s0 =	sadd.s32 @!p0 s2, s0;
	s2 =	simm.s32 @!p0 $0x400  }
0x1db: {  	v9 =	vimm.s32 $0x20;
	[tilespmem:s4], [sflag:$0x1] =	stream.strided.gather @!p0 [hbm4b:s0+s4], $0x800, s2, s4, $0x38;
	[tilespmem:$0x11080] =	vst v63  }
0x1dc: {  	_ =	swait.ge [sflag:s25], $0x8000  }
0x1dd: {  	[sflag:s25] =	ssyncset.done $0x0  }
0x1de: {  	v0 =	vimm.s32 $0x1;
	s2 =	simm.s32 $0x0;
	[sflag:s25] =	ssyncadd.s32 $0xFFFF8000  }
0x1df: {  	v20 =	vld.idx.msk [tilespmem:v3+s2+$0x0], $0xffff;
	v3 =	vimm.s32 $0x11  }
0x1e0: {  	v23 =	vld.idx.msk [tilespmem:v9+s2+$0x0], $0xffff;
	v9 =	vimm.s32 $0x21;
	_ =	sdelay $0x2  }
0x1e1: {  	v12 =	vld.idx.msk [tilespmem:v0+s2+$0x0], $0xffff;
	v0 =	vimm.s32 $0x2  }
0x1e2: {  	v18 =	vld.idx.msk [tilespmem:v3+s2+$0x0], $0xffff;
	v3 =	vimm.s32 $0x12  }
0x1e3: {  	v22 =	vld.idx.msk [tilespmem:v9+s2+$0x0], $0xffff;
	v9 =	vimm.s32 $0x22  }
0x1e4: {  	v24 =	vimm.s32 $0x30;
	s0 =	simm.s32 $0x880  }
0x1e5: {  	v25 =	vld [tilespmem:s0+$0x0]  }
0x1e6: {  	v8 =	vld.idx.msk [tilespmem:v0+s2+$0x0], $0xffff;
	v0 =	vimm.s32 $0x3  }
0x1e7: {  	s15 =	sand.u32 $0x60, s2;
	v16 =	vld.idx.msk [tilespmem:v3+s2+$0x0], $0xffff;
	v3 =	vimm.s32 $0x13  }
0x1e8: {  	s17 =	sand.u32 $0x780, s2;
	s6 =	sor.u32 $0x10, s15;
	v21 =	vld.idx.msk [tilespmem:v9+s2+$0x0], $0xffff;
	v9 =	vimm.s32 $0x23  }
0x1e9: {  	s7 =	sor.u32 s6, s17;
	v63 =	vld.idx.msk [tilespmem:v24+s2+$0x0], $0xffff;
	v24 =	vimm.s32 $0x31  }
0x1ea: {  	v26 =	vld [tilespmem:s7+$0x880]  }
0x1eb: {  	v6 =	vld.idx.msk [tilespmem:v0+s2+$0x0], $0xffff;
	v0 =	vimm.s32 $0x4  }
0x1ec: {  	v13 =	vld.idx.msk [tilespmem:v3+s2+$0x0], $0xffff;
	v3 =	vimm.s32 $0x14  }
0x1ed: {  	v19 =	vld.idx.msk [tilespmem:v9+s2+$0x0], $0xffff;
	v9 =	vimm.s32 $0x24  }
0x1ee: {  	v30 =	vld.idx.msk [tilespmem:v24+s2+$0x0], $0xffff;
	v24 =	vimm.s32 $0x32  }
0x1ef: {  	v14 =	vld.msk [tilespmem:s2+$0x0], $0xffff;
	v28 =	vand.u32 $0x2, v25;
	v31 =	vand.u32 $0x1, v25;
	v25 =	vimm.s32 $0x35  }
0x1f0: {  	v4 =	vld.idx.msk [tilespmem:v0+s2+$0x0], $0xffff;
	v0 =	vimm.s32 $0x5  }
0x1f1: {  	v10 =	vld.idx.msk [tilespmem:v3+s2+$0x0], $0xffff;
	v3 =	vimm.s32 $0x15  }
0x1f2: {  	vm0 =	veq.s32 v28, $0x0;
	v28 =	vand.u32 $0x1, v26;
	v17 =	vld.idx.msk [tilespmem:v9+s2+$0x0], $0xffff;
	v9 =	vimm.s32 $0x25  }
0x1f3: {  	vm2 =	veq.s32 v28, $0x0;
	v28 =	vand.u32 $0x2, v26;
	v26 =	vimm.s32 $0x36;
	v29 =	vld.idx.msk [tilespmem:v24+s2+$0x0], $0xffff  }
0x1f4: {  	v24 =	vimm.s32 $0x33;
	v25 =	vld.idx.msk [tilespmem:v25+s2+$0x0], $0xffff  }
0x1f5: {  	v2 =	vld.idx.msk [tilespmem:v0+s2+$0x0], $0xffff;
	v0 =	vimm.s32 $0x6  }
0x1f6: {  	v7 =	vld.idx.msk [tilespmem:v3+s2+$0x0], $0xffff;
	v3 =	vimm.s32 $0x16  }
0x1f7: {  	v15 =	vld.idx.msk [tilespmem:v9+s2+$0x0], $0xffff;
	v9 =	vimm.s32 $0x26  }
0x1f8: {  	vm3 =	veq.s32 v28, $0x0;
	v28 =	vimm.s32 $0x37;
	v26 =	vld.idx.msk [tilespmem:v26+s2+$0x0], $0xffff  }
0x1f9: {  	v27 =	vld.idx.msk [tilespmem:v24+s2+$0x0], $0xffff;
	v24 =	vimm.s32 $0x34  }
0x1fa: {  	v1 =	vld.idx.msk [tilespmem:v0+s2+$0x0], $0xffff;
	v0 =	vimm.s32 $0x7  }
0x1fb: {  	v5 =	vld.idx.msk [tilespmem:v3+s2+$0x0], $0xffff;
	v3 =	vimm.s32 $0x17  }
0x1fc: {  	v11 =	vld.idx.msk [tilespmem:v9+s2+$0x0], $0xffff;
	v9 =	vimm.s32 $0x27  }
0x1fd: {  	v28 =	vld.idx.msk [tilespmem:v28+s2+$0x0], $0xffff  }
0x1fe: {  	v24 =	vld.idx.msk [tilespmem:v24+s2+$0x0], $0xffff  }
0x1ff: {  	s20 =	sand.u32 $0x3C00, s2;
	v0 =	vld.idx.msk [tilespmem:v0+s2+$0x0], $0xffff  }
0x200: {  	s7 =	sadd.s32 $0x9080, s20;
	vm1 =	veq.s32 v31, $0x0;
	v31 =	vsel vm2, v14, v20;
	v36 =	vsel vm2, v23, v63;
	v3 =	vld.idx.msk [tilespmem:v3+s2+$0x0], $0xffff  }
0x201: {  	s22 =	sor.u32 s6, s7;
	v31 =	vsel vm3, v31, v36;
	v32 =	vsel vm2, v12, v18;
	v36 =	vsel vm2, v22, v30;
	v9 =	vld.idx.msk [tilespmem:v9+s2+$0x0], $0xffff  }
0x202: {  	[tilespmem:s22+$0x0] =	vst v31;
	v31 =	vsel vm3, v32, v36;
	v32 =	vsel vm2, v8, v16;
	v36 =	vsel vm2, v21, v29  }
0x203: {  	s23 =	sand.u32 $0x3, s2;
	[tilespmem:s22+$0x80] =	vst v31;
	v31 =	vsel vm3, v32, v36;
	v32 =	vsel vm2, v6, v13;
	v36 =	vsel vm2, v19, v27  }
0x204: {  	s6 =	sshll.u32 s23, $0x5;
	[tilespmem:s22+$0x100] =	vst v31;
	v31 =	vsel vm3, v32, v36;
	v32 =	vsel vm2, v4, v10;
	v36 =	vsel vm2, v17, v24  }
0x205: {  	s10 =	sadd.s32 $0x0, s6;
	[tilespmem:s22+$0x180] =	vst v31;
	v31 =	vsel vm3, v32, v36;
	v32 =	vsel vm2, v2, v7;
	v36 =	vsel vm2, v15, v25  }
0x206: {  	s8 =	simm.s32 $0x20;
	s7 =	sor.u32 s15, s7;
	s26 =	sadd.s32 $0x10, s10;
	[tilespmem:s22+$0x200] =	vst v31;
	v31 =	vsel vm3, v32, v36;
	v32 =	vsel vm2, v1, v5;
	v36 =	vsel vm2, v11, v26  }
0x207: {  	s6 =	simm.s32 $0x0;
	s12 =	sor.u32 $0x300, s10;
	s31 =	sor.u32 $0x300, s26;
	[tilespmem:s22+$0x280] =	vst v31;
	v31 =	vsel vm3, v32, v36;
	v36 =	vsel vm2, v0, v3;
	v34 =	vsel vm2, v9, v28  }
0x208: {  	s11 =	sor.u32 $0x380, s10;
	s10 =	simm.s32 $0x0;
	s14 =	sor.u32 $0x380, s26;
	v33 =	vsel vm1, v23, v63;
	v32 =	vsel vm1, v14, v20;
	[tilespmem:s31+$0x9080] =	vst v31;
	v31 =	vsel vm3, v36, v34  }
.LBB2_15:
0x209: {  	s13 =	sand.u32 $0x60, s8;
	v32 =	vsel vm0, v32, v33;
	v33 =	vsel vm1, v12, v18;
	v34 =	vsel vm1, v22, v30;
	[tilespmem:s14+$0x9080] =	vst v31  }
0x20a: {  	s14 =	sand.u32 $0x780, s8;
	s0 =	sadd.s32 $0x20, s0;
	s4 =	sor.u32 $0x10, s13;
	[tilespmem:s7+$0x0] =	vst v32;
	v31 =	vsel vm0, v33, v34;
	v32 =	vsel vm1, v8, v16;
	v33 =	vsel vm1, v21, v29  }
0x20b: {  	v34 =	vld [tilespmem:s0+$0x0];
	s14 =	sor.u32 s4, s14;
	[tilespmem:s7+$0x80] =	vst v31;
	v31 =	vsel vm0, v32, v33;
	v32 =	vsel vm1, v6, v13;
	v33 =	vsel vm1, v19, v27  }
0x20c: {  	v35 =	vld [tilespmem:s14+$0x880];
	[tilespmem:s7+$0x100] =	vst v31;
	v31 =	vsel vm0, v32, v33;
	v32 =	vsel vm1, v4, v10;
	v33 =	vsel vm1, v17, v24  }
0x20d: {  	[tilespmem:s7+$0x180] =	vst v31;
	v31 =	vsel vm0, v32, v33;
	v32 =	vsel vm1, v2, v7;
	v33 =	vsel vm1, v15, v25  }
0x20e: {  	[tilespmem:s7+$0x200] =	vst v31;
	v31 =	vsel vm0, v32, v33;
	v32 =	vsel vm1, v1, v5;
	v33 =	vsel vm1, v11, v26  }
0x20f: {  	[tilespmem:s7+$0x280] =	vst v31;
	v31 =	vsel vm0, v32, v33;
	v32 =	vsel vm1, v0, v3;
	v33 =	vsel vm1, v9, v28  }
0x210: {  	s6 =	sadd.s32 $0x2, s6;
	v36 =	vand.u32 $0x2, v34;
	[tilespmem:s12+$0x9080] =	vst v31;
	v31 =	vsel vm0, v32, v33  }
0x211: {  	s2 =	sadd.s32 $0x100, s2;
	p0 =	slt.u32 s6, $0x7E;
	v32 =	vand.u32 $0x1, v34;
	vm0 =	veq.s32 v36, $0x0;
	v33 =	vand.u32 $0x1, v35;
	[tilespmem:s11+$0x9080] =	vst v31  }
0x212: {  	s7 =	sand.u32 $0x3C00, s2;
	vm1 =	veq.s32 v32, $0x0;
	v31 =	vand.u32 $0x2, v35;
	vm3 =	veq.s32 v33, $0x0  }
0x213: {  	s11 =	sadd.s32 $0x9080, s7;
	vm2 =	veq.s32 v31, $0x0;
	v31 =	vsel vm3, v14, v20;
	v32 =	vsel vm3, v23, v63  }
0x214: {  	s7 =	sor.u32 s13, s11;
	s4 =	sor.u32 s4, s11;
	v33 =	vsel vm3, v22, v30;
	v31 =	vsel vm2, v31, v32;
	v32 =	vsel vm3, v12, v18  }
0x215: {  	s10 =	sadd.s32 $0x1, s10;
	[tilespmem:s4+$0x0] =	vst v31;
	v31 =	vsel vm2, v32, v33;
	v32 =	vsel vm3, v8, v16;
	v33 =	vsel vm3, v21, v29  }
0x216: {  	s11 =	sand.u32 $0x3, s10;
	[tilespmem:s4+$0x80] =	vst v31;
	v31 =	vsel vm2, v32, v33;
	v32 =	vsel vm3, v6, v13;
	v33 =	vsel vm3, v19, v27  }
.Ltmp6:
0x217: {  	s11 =	sshll.u32 s11, $0x5;
	[tilespmem:s4+$0x100] =	vst v31;
	v31 =	vsel vm2, v32, v33;
	v32 =	vsel vm3, v4, v10;
	v33 =	vsel vm3, v17, v24;
	(pc) =	sbr.rel @p0 .LBB2_15-.Ltmp6, $4  }
0x218: {  	s13 =	sadd.s32 s11, s2;
	[tilespmem:s4+$0x180] =	vst v31;
	v31 =	vsel vm2, v32, v33;
	v32 =	vsel vm3, v2, v7;
	v33 =	vsel vm3, v15, v25  }
0x219: {  	s12 =	sor.u32 $0x300, s13;
	s11 =	sor.u32 $0x380, s13;
	s13 =	sadd.s32 $0x10, s13;
	[tilespmem:s4+$0x200] =	vst v31;
	v31 =	vsel vm2, v32, v33;
	v32 =	vsel vm3, v1, v5;
	v33 =	vsel vm3, v11, v26  }
0x21a: {  	v34 =	vsel vm3, v0, v3;
	v35 =	vsel vm3, v9, v28;
	[tilespmem:s4+$0x280] =	vst v31;
	v31 =	vsel vm2, v32, v33;
	s4 =	sor.u32 $0x300, s13  }
0x21b: {  	s8 =	sadd.s32 $0x20, s8;
	s14 =	sor.u32 $0x380, s13;
	v32 =	vsel vm1, v14, v20;
	v33 =	vsel vm1, v23, v63;
	[tilespmem:s4+$0x9080] =	vst v31;
	v31 =	vsel vm2, v34, v35  }
0x21c: {  	v14 =	vsel vm0, v32, v33;
	v12 =	vsel vm1, v12, v18;
	v18 =	vsel vm1, v22, v30;
	[tilespmem:s14+$0x9080] =	vst v31  }
0x21d: {  	v8 =	vsel vm1, v8, v16;
	[tilespmem:s7+$0x0] =	vst v14;
	v12 =	vsel vm0, v12, v18;
	v14 =	vsel vm1, v21, v29  }
0x21e: {  	v6 =	vsel vm1, v6, v13;
	[tilespmem:s7+$0x80] =	vst v12;
	v8 =	vsel vm0, v8, v14;
	v12 =	vsel vm1, v19, v27  }
0x21f: {  	v4 =	vsel vm1, v4, v10;
	[tilespmem:s7+$0x100] =	vst v8;
	v6 =	vsel vm0, v6, v12;
	v8 =	vsel vm1, v17, v24  }
0x220: {  	v2 =	vsel vm1, v2, v7;
	[tilespmem:s7+$0x180] =	vst v6;
	v4 =	vsel vm0, v4, v8;
	v6 =	vsel vm1, v15, v25  }
0x221: {  	v1 =	vsel vm1, v1, v5;
	[tilespmem:s7+$0x200] =	vst v4;
	v2 =	vsel vm0, v2, v6;
	v4 =	vsel vm1, v11, v26  }
0x222: {  	v0 =	vsel vm1, v0, v3;
	[tilespmem:s7+$0x280] =	vst v2;
	v1 =	vsel vm0, v1, v4;
	v2 =	vsel vm1, v9, v28  }
0x223: {  	[tilespmem:s12+$0x9080] =	vst v1;
	v0 =	vsel vm0, v0, v2  }
0x224: {  	s2 =	simm.s32 $0x0;
	[tilespmem:s11+$0x9080] =	vst v0  }
0x225: {  	v63 =	vld.idx.msk [tilespmem:v38+s2+$0x0], $0xffff  }
0x226: {  	v19 =	vld.idx.msk [tilespmem:v39+s2+$0x0], $0xffff  }
0x227: {  	v0 =	vimm.s32 $0x8;
	v17 =	vld.idx.msk [tilespmem:v40+s2+$0x0], $0xffff  }
0x228: {  	v15 =	vld.idx.msk [tilespmem:v41+s2+$0x0], $0xffff  }
0x229: {  	v12 =	vld.idx.msk [tilespmem:v42+s2+$0x0], $0xffff  }
0x22a: {  	v9 =	vld.idx.msk [tilespmem:v43+s2+$0x0], $0xffff  }
0x22b: {  	v6 =	vld.idx.msk [tilespmem:v44+s2+$0x0], $0xffff  }
0x22c: {  	v13 =	vld.idx.msk [tilespmem:v0+s2+$0x0], $0xffff;
	v0 =	vimm.s32 $0x9  }
0x22d: {  	v4 =	vld.idx.msk [tilespmem:v45+s2+$0x0], $0xffff  }
0x22e: {  	v2 =	vld.idx.msk [tilespmem:v46+s2+$0x0], $0xffff  }
0x22f: {  	v22 =	vld.idx.msk [tilespmem:v47+s2+$0x0], $0xffff  }
0x230: {  	v21 =	vld.idx.msk [tilespmem:v48+s2+$0x0], $0xffff  }
0x231: {  	v11 =	vld.idx.msk [tilespmem:v0+s2+$0x0], $0xffff;
	v0 =	vimm.s32 $0xA  }
0x232: {  	v20 =	vld.idx.msk [tilespmem:v49+s2+$0x0], $0xffff  }
0x233: {  	v18 =	vld.idx.msk [tilespmem:v50+s2+$0x0], $0xffff  }
0x234: {  	v16 =	vld.idx.msk [tilespmem:v51+s2+$0x0], $0xffff  }
0x235: {  	v14 =	vld.idx.msk [tilespmem:v52+s2+$0x0], $0xffff  }
0x236: {  	v7 =	vld.idx.msk [tilespmem:v0+s2+$0x0], $0xffff;
	v0 =	vimm.s32 $0xB  }
0x237: {  	s10 =	sand.u32 $0x60, s2;
	v10 =	vld.idx.msk [tilespmem:v53+s2+$0x0], $0xffff  }
0x238: {  	s0 =	simm.s32 $0x880;
	s4 =	sand.u32 $0x780, s2;
	s13 =	sor.u32 $0x10, s10;
	v8 =	vld.idx.msk [tilespmem:v54+s2+$0x0], $0xffff  }
0x239: {  	s4 =	sor.u32 s13, s4;
	v24 =	vld [tilespmem:s0+$0x0]  }
0x23a: {  	v25 =	vld [tilespmem:s4+$0x880]  }
0x23b: {  	v5 =	vld.idx.msk [tilespmem:v0+s2+$0x0], $0xffff;
	v0 =	vimm.s32 $0xC  }
0x23c: {  	v30 =	vld.idx.msk [tilespmem:v55+s2+$0x0], $0xffff  }
0x23d: {  	v29 =	vld.idx.msk [tilespmem:v56+s2+$0x0], $0xffff  }
0x23e: {  	v28 =	vld.idx.msk [tilespmem:v57+s2+$0x0], $0xffff  }
0x23f: {  	v26 =	vld.idx.msk [tilespmem:v58+s2+$0x0], $0xffff  }
0x240: {  	v3 =	vld.idx.msk [tilespmem:v0+s2+$0x0], $0xffff;
	v0 =	vimm.s32 $0xD  }
0x241: {  	v23 =	vld.idx.msk [tilespmem:v59+s2+$0x0], $0xffff;
	v27 =	vand.u32 $0x2, v24  }
0x242: {  	v31 =	vand.u32 $0x1, v24;
	v24 =	vld.idx.msk [tilespmem:v60+s2+$0x0], $0xffff;
	vm0 =	veq.s32 v27, $0x0;
	v27 =	vand.u32 $0x1, v25  }
0x243: {  	vm2 =	veq.s32 v27, $0x0;
	v27 =	vand.u32 $0x2, v25;
	v25 =	vld.idx.msk [tilespmem:v61+s2+$0x0], $0xffff  }
0x244: {  	s4 =	sand.u32 $0x3C00, s2;
	vm3 =	veq.s32 v27, $0x0;
	v27 =	vld.idx.msk [tilespmem:v62+s2+$0x0], $0xffff  }
0x245: {  	s6 =	simm.s32 $0x0;
	s8 =	sadd.s32 $0xD080, s4;
	vm1 =	veq.s32 v31, $0x0;
	v36 =	vsel vm2, v22, v30;
	v31 =	vsel vm2, v13, v19;
	v1 =	vld.idx.msk [tilespmem:v0+s2+$0x0], $0xffff  }
0x246: {  	s15 =	sadd.s32 $0xD100, s4;
	s20 =	sadd.s32 $0xD180, s4;
	s17 =	sor.u32 s13, s8;
	v31 =	vsel vm3, v31, v36;
	v36 =	vsel vm2, v21, v29;
	v32 =	vsel vm2, v11, v17;
	v0 =	vld.idx.msk [tilespmem:v37+s2+$0x0], $0xffff  }
0x247: {  	s26 =	sadd.s32 $0xD300, s4;
	s7 =	sor.u32 s10, s8;
	s22 =	sor.u32 s13, s15;
	[tilespmem:s17+$0x0] =	vst v31;
	v31 =	vsel vm3, v32, v36;
	v32 =	vsel vm2, v7, v15;
	v36 =	vsel vm2, v20, v28  }
0x248: {  	s8 =	sor.u32 s10, s15;
	s15 =	sadd.s32 $0xD200, s4;
	s14 =	sor.u32 s13, s20;
	[tilespmem:s22+$0x0] =	vst v31;
	v31 =	vsel vm3, v32, v36;
	v32 =	vsel vm2, v5, v12;
	v36 =	vsel vm2, v18, v26  }
0x249: {  	s11 =	sor.u32 s10, s20;
	s23 =	sor.u32 s13, s15;
	s17 =	sadd.s32 $0xD280, s4;
	[tilespmem:s14+$0x0] =	vst v31;
	v31 =	vsel vm3, v32, v36;
	v32 =	vsel vm2, v3, v9;
	v36 =	vsel vm2, v16, v23  }
0x24a: {  	s20 =	sadd.s32 $0xD380, s4;
	s12 =	sor.u32 s10, s15;
	s31 =	sor.u32 s13, s17;
	[tilespmem:s23+$0x0] =	vst v31;
	v31 =	vsel vm3, v32, v36;
	v36 =	vsel vm2, v14, v24;
	v32 =	vsel vm2, v1, v6  }
0x24b: {  	s4 =	sadd.s32 $0xD400, s4;
	s22 =	sor.u32 s10, s17;
	s23 =	sor.u32 s13, s26;
	[tilespmem:s31+$0x0] =	vst v31;
	v31 =	vsel vm3, v32, v36;
	v32 =	vsel vm2, v0, v4;
	v36 =	vsel vm2, v10, v25  }
0x24c: {  	v34 =	vsel vm2, v8, v27;
	s17 =	sor.u32 s10, s26;
	s14 =	sor.u32 s13, s4;
	s31 =	sor.u32 s13, s20;
	[tilespmem:s23+$0x0] =	vst v31;
	v31 =	vsel vm3, v32, v36;
	v36 =	vsel vm2, v63, v2  }
0x24d: {  	v33 =	vsel vm1, v22, v30;
	s26 =	sor.u32 s10, s20;
	s20 =	sor.u32 s10, s4;
	s10 =	simm.s32 $0x20;
	v32 =	vsel vm1, v13, v19;
	[tilespmem:s31+$0x0] =	vst v31;
	v31 =	vsel vm3, v36, v34  }
.LBB2_17:
0x24e: {  	s13 =	sand.u32 $0x60, s10;
	v32 =	vsel vm0, v32, v33;
	v33 =	vsel vm1, v11, v17;
	v34 =	vsel vm1, v21, v29;
	[tilespmem:s14+$0x0] =	vst v31  }
0x24f: {  	s4 =	sand.u32 $0x780, s10;
	s0 =	sadd.s32 $0x20, s0;
	s14 =	sor.u32 $0x10, s13;
	[tilespmem:s7+$0x0] =	vst v32;
	v31 =	vsel vm0, v33, v34;
	v32 =	vsel vm1, v7, v15;
	v33 =	vsel vm1, v20, v28  }
0x250: {  	v34 =	vld [tilespmem:s0+$0x0];
	s4 =	sor.u32 s14, s4;
	[tilespmem:s8+$0x0] =	vst v31;
	v31 =	vsel vm0, v32, v33;
	v32 =	vsel vm1, v5, v12;
	v33 =	vsel vm1, v18, v26  }
0x251: {  	v35 =	vld [tilespmem:s4+$0x880];
	[tilespmem:s11+$0x0] =	vst v31;
	v31 =	vsel vm0, v32, v33;
	v32 =	vsel vm1, v3, v9;
	v33 =	vsel vm1, v16, v23  }
0x252: {  	[tilespmem:s12+$0x0] =	vst v31;
	v31 =	vsel vm0, v32, v33;
	v32 =	vsel vm1, v1, v6;
	v33 =	vsel vm1, v14, v24  }
0x253: {  	[tilespmem:s22+$0x0] =	vst v31;
	v31 =	vsel vm0, v32, v33;
	v32 =	vsel vm1, v0, v4;
	v33 =	vsel vm1, v10, v25  }
0x254: {  	[tilespmem:s17+$0x0] =	vst v31;
	v31 =	vsel vm0, v32, v33;
	v32 =	vsel vm1, v63, v2;
	v33 =	vsel vm1, v8, v27  }
0x255: {  	s6 =	sadd.s32 $0x2, s6;
	v36 =	vand.u32 $0x2, v34;
	[tilespmem:s26+$0x0] =	vst v31;
	v31 =	vsel vm0, v32, v33  }
0x256: {  	s2 =	sadd.s32 $0x100, s2;
	p0 =	slt.u32 s6, $0x7E;
	v32 =	vand.u32 $0x1, v34;
	vm0 =	veq.s32 v36, $0x0;
	v33 =	vand.u32 $0x1, v35;
	[tilespmem:s20+$0x0] =	vst v31  }
0x257: {  	s4 =	sand.u32 $0x3C00, s2;
	vm1 =	veq.s32 v32, $0x0;
	v31 =	vand.u32 $0x2, v35;
	vm3 =	veq.s32 v33, $0x0  }
0x258: {  	s8 =	sadd.s32 $0xD080, s4;
	s11 =	sadd.s32 $0xD100, s4;
	vm2 =	veq.s32 v31, $0x0;
	v31 =	vsel vm3, v13, v19;
	v32 =	vsel vm3, v22, v30  }
0x259: {  	s15 =	sadd.s32 $0xD180, s4;
	s7 =	sor.u32 s13, s8;
	s12 =	sor.u32 s14, s8;
	v33 =	vsel vm3, v21, v29;
	v31 =	vsel vm2, v31, v32;
	v32 =	vsel vm3, v11, v17  }
0x25a: {  	s8 =	sor.u32 s13, s11;
	s17 =	sadd.s32 $0xD200, s4;
	[tilespmem:s12+$0x0] =	vst v31;
	v31 =	vsel vm2, v32, v33;
	s12 =	sor.u32 s14, s11;
	v32 =	vsel vm3, v7, v15;
	v33 =	vsel vm3, v20, v28  }
0x25b: {  	s20 =	sadd.s32 $0xD280, s4;
	s11 =	sor.u32 s13, s15;
	s15 =	sor.u32 s14, s15;
	[tilespmem:s12+$0x0] =	vst v31;
	v31 =	vsel vm2, v32, v33;
	v32 =	vsel vm3, v5, v12;
	v33 =	vsel vm3, v18, v26  }
.Ltmp7:
0x25c: {  	s12 =	sor.u32 s13, s17;
	[tilespmem:s15+$0x0] =	vst v31;
	v31 =	vsel vm2, v32, v33;
	s15 =	sor.u32 s14, s17;
	v32 =	vsel vm3, v3, v9;
	v33 =	vsel vm3, v16, v23;
	(pc) =	sbr.rel @p0 .LBB2_17-.Ltmp7, $4  }
0x25d: {  	s23 =	sadd.s32 $0xD300, s4;
	s22 =	sor.u32 s13, s20;
	[tilespmem:s15+$0x0] =	vst v31;
	v31 =	vsel vm2, v32, v33;
	s15 =	sor.u32 s14, s20;
	v32 =	vsel vm3, v1, v6;
	v33 =	vsel vm3, v14, v24  }
0x25e: {  	s17 =	sor.u32 s13, s23;
	s20 =	sadd.s32 $0xD380, s4;
	[tilespmem:s15+$0x0] =	vst v31;
	v31 =	vsel vm2, v32, v33;
	s15 =	sor.u32 s14, s23;
	v32 =	vsel vm3, v0, v4;
	v33 =	vsel vm3, v10, v25  }
0x25f: {  	v34 =	vsel vm3, v63, v2;
	v35 =	vsel vm3, v8, v27;
	s4 =	sadd.s32 $0xD400, s4;
	s26 =	sor.u32 s13, s20;
	[tilespmem:s15+$0x0] =	vst v31;
	v31 =	vsel vm2, v32, v33;
	s15 =	sor.u32 s14, s20  }
0x260: {  	s10 =	sadd.s32 $0x20, s10;
	v32 =	vsel vm1, v13, v19;
	v33 =	vsel vm1, v22, v30;
	s20 =	sor.u32 s13, s4;
	s14 =	sor.u32 s14, s4;
	[tilespmem:s15+$0x0] =	vst v31;
	v31 =	vsel vm2, v34, v35  }
0x261: {  	v13 =	vsel vm0, v32, v33;
	v11 =	vsel vm1, v11, v17;
	v29 =	vsel vm1, v21, v29;
	[tilespmem:s14+$0x0] =	vst v31  }
0x262: {  	v7 =	vsel vm1, v7, v15;
	v30 =	vsel vm1, v20, v28;
	[tilespmem:s7+$0x0] =	vst v13;
	v11 =	vsel vm0, v11, v29  }
0x263: {  	v5 =	vsel vm1, v5, v12;
	v31 =	vsel vm1, v18, v26;
	v7 =	vsel vm0, v7, v30;
	[tilespmem:s8+$0x0] =	vst v11  }
0x264: {  	v3 =	vsel vm1, v3, v9;
	v32 =	vsel vm1, v16, v23;
	s28 =	sadd.s32 $0x1, s28;
	v5 =	vsel vm0, v5, v31;
	[tilespmem:s11+$0x0] =	vst v7  }
0x265: {  	v1 =	vsel vm1, v1, v6;
	v33 =	vsel vm1, v14, v24;
	v3 =	vsel vm0, v3, v32;
	p0 =	sne.s32 s28, $0x19;
	[tilespmem:s12+$0x0] =	vst v5  }
.Ltmp8:
0x266: {  	v0 =	vsel vm1, v0, v4;
	v34 =	vsel vm1, v10, v25;
	v1 =	vsel vm0, v1, v33;
	[tilespmem:s22+$0x0] =	vst v3;
	(pc) =	sbr.rel @p0 .LBB2_10-.Ltmp8, $4  }
0x267: {  	v35 =	vsel vm1, v63, v2;
	v36 =	vsel vm1, v8, v27;
	s0 =	sshll.u32 s29, $0xC;
	v0 =	vsel vm0, v0, v34;
	[tilespmem:s17+$0x0] =	vst v1  }
0x268: {  	s2 =	sadd.s32 s3, s30;
	v63 =	vsel vm0, v35, v36;
	s0 =	sand.u32 $0xFFF8000, s0;
	[tilespmem:s26+$0x0] =	vst v0  }
0x269: {  	s31 =	simm.s32 $0x9080;
	s0 =	sadd.s32 s0, s2;
	[tilespmem:s20+$0x0] =	vst v63  }
0x26a: {  	[hbm4b:s0+s18] =	stream.strided.scatter [tilespmem:s31], [sflag:$0x4], $0x8000, s19, s18, $0x38;
	[tilespmem:$0x11080] =	vst v63  }
0x26b: {  	_ =	swait.ge [sflag:s24], $0x8000  }
0x26c: {  	[sflag:s24] =	ssyncset.done $0x0  }
0x26d: {  	[sflag:s24] =	ssyncadd.s32 $0xFFFF8000  }
0x26e: {  	_ =	swait.ge [sflag:s25], $0x8000  }
0x26f: {  	s2 =	rddreg [dreg:$0xb]  }
0x270: {  	s0 =	rddreg [dreg:$0xa];
	s2 =	sadd.s32 $0x1, s2  }
0x271: {  	p0 =	sne.s32 s2, s0  }
.Ltmp9:
0x272: {  	_ = 	snop;
	(pc) =	sbr.rel @p0 .LBB2_1-.Ltmp9, $3  }
0x273: {  	_ =	sdelay $0x1  }
0x274: {  	[sflag:s25] =	ssyncset.done $0x0  }
0x275: {  	s15 =	simm.s32 $0x80;
	[sflag:s25] =	ssyncadd.s32 $0xFFFF8000  }
0x276: {  	_ =	sfence.sel $0x180000  }
0x277: {  	[bflag:$0x0] =	sbarrier.arrive $0xFFFF  }
0x278: {  	_ =	strace $0x90000047  }
0x279: {  	s0 =	stileid.u32;
	[bflag:$0x2] =	sbarrier.arrive $0xFFFF  }
0x27a: {  	p0 =	sne.s32 s0, $0x0;
	s0 =	rddreg [dreg:$0x3]  }
0x27b: {  	s0 =	sadd.s32 @!p0 $0x100000, s0  }
0x27c: {  	[sflag:s0] =	ssyncadd.tile.s32 @!p0 $0x1;
	_ =	shalt  }
.Lfunc_end2:
_tile_overlayer_lowered:
.L_overlay_start_2:
0x27d: {  	(tag) =	ssettag $0x2  }
0x27e: {  	s0 =	rddreg [dreg:$0x0];
	s2 =	stileid.u32  }
0x27f: {  	s1 =	rddreg [dreg:$0x1];
	p0 =	sne.s32 s2, $0x0  }
0x280: {  	s3 =	rddreg [dreg:$0x2];
	[bflag:$0x3] =	sbarrier.arrive $0xFFFF;
	s2 =	simm.s32 @!p0 $0x1C05  }
0x281: {  	[timem:s3], [sflag:s2] =	dma.local @!p0 [hbm:s0], s1  }
0x282: {  	s0 =	simm.s32 @!p0 $0x5  }
0x283: {  	_ =	swait.ge @!p0 [sflag:s0], s1  }
0x284: {  	s1 =	ssub.s32 @!p0 $0x0, s1;
	[sflag:s0] =	ssyncset.done @!p0 $0x0  }
0x285: {  	[sflag:s0] =	ssyncadd.s32 @!p0 s1  }
0x286: {  	[bflag:$0x3] =	sbarrier.arrive $0xFFFF  }
0x287: {  	_ =	shalt  }

</sc_bundles>
